<compile_context>
chip_gen: v7x
topology: tpu7x:2x2x1
jax: 0.10.2.dev20260603
libtpu: 0.0.44.dev20260713+nightly
codegen_flags: <defaults>
</compile_context>

<pallas_src>
import functools

import jax
import jax.numpy as jnp
from jax import lax
from jax.experimental import pallas as pl
from jax.experimental.pallas import tpu as pltpu
from jax.experimental.pallas import tpu_sc as plsc

_GROUP = 64
_NBUF = 4
_CHUNKS = 5
_NSUB = 16
_NCORE = 2
_LANES = 16


def _linear_split_kernel(x_ref, w_ref, b_ref, o_ref):
    res = lax.dot_general(
        x_ref[...], w_ref[...], (((1,), (1,)), ((), ())),
        preferred_element_type=jnp.float32,
        precision=lax.Precision.DEFAULT) + b_ref[...]
    h = res.shape[1] // 2
    o_ref[0] = res[:, :h]
    o_ref[1] = res[:, h:]


def _combine_kernel(x_ref, a_ref, ws_ref, bs_ref, wc_ref, bc_ref, o_ref):
    aggr = jnp.concatenate([a_ref[0], a_ref[1]], axis=-1)
    t = lax.dot_general(
        x_ref[...], ws_ref[...], (((1,), (1,)), ((), ())),
        preferred_element_type=jnp.float32,
        precision=lax.Precision.DEFAULT) + bs_ref[...] + aggr
    o_ref[...] = lax.dot_general(
        t, wc_ref[...], (((1,), (1,)), ((), ())),
        preferred_element_type=jnp.float32,
        precision=lax.Precision.DEFAULT) + bc_ref[...]


def _sc_segment_sum(hsplit, src2, dst2, n_nodes, groups_per_sub, acc_rows):
    h = hsplit.shape[2]
    mesh = plsc.VectorSubcoreMesh(core_axis_name="c", subcore_axis_name="s")
    zper = acc_rows // _NSUB
    half = groups_per_sub // _CHUNKS

    @functools.partial(
        pl.kernel,
        out_type=jax.ShapeDtypeStruct((_NCORE, acc_rows, h), jnp.float32),
        mesh=mesh,
        scratch_types=(
            [pltpu.VMEM((half, _GROUP), jnp.int32)] * 4
            + [pltpu.VMEM((_GROUP, h), jnp.float32)] * _NBUF
            + [pltpu.VMEM_SHARED((acc_rows, h), jnp.float32)]
            + [pltpu.SemaphoreType.DMA] * (_NBUF + 2)
        ),
    )
    def k(h_hbm, s_hbm, d_hbm, o_hbm, *rest):
        slabs = ((rest[0], rest[1]), (rest[2], rest[3]))
        bufs = rest[4:4 + _NBUF]
        acc = rest[4 + _NBUF]
        sems = rest[5 + _NBUF:5 + 2 * _NBUF]
        lsem0, lsem1 = rest[5 + 2 * _NBUF], rest[6 + 2 * _NBUF]
        c = lax.axis_index("c")
        s = lax.axis_index("s")
        rows = bufs[0]
        hc = h_hbm.at[c]

        @pl.loop(0, _GROUP)
        def _(r):
            @pl.loop(0, h, step=_LANES)
            def _(i):
                rows.at[pl.ds(r, 1), pl.ds(i, _LANES)][...] = (
                    jnp.zeros((1, _LANES), jnp.float32))

        zfull = (zper // _GROUP) * _GROUP

        @pl.loop(0, zfull, step=_GROUP)
        def _(r0):
            pltpu.sync_copy(rows, acc.at[pl.ds(s * zper + r0, _GROUP)])
        if zfull != zper:
            pltpu.sync_copy(rows.at[pl.ds(0, zper - zfull)],
                            acc.at[pl.ds(s * zper + zfull, zper - zfull)])

        plsc.subcore_barrier()

        base = s * groups_per_sub
        pltpu.sync_copy(s_hbm.at[pl.ds(base, half)], slabs[0][0])
        pltpu.sync_copy(d_hbm.at[pl.ds(base, half)], slabs[0][1])

        for b in range(_NBUF):
            pltpu.async_copy(hc.at[slabs[0][0].at[b]], bufs[b], sems[b])

        for ch in range(_CHUNKS):
            sA, dA = slabs[ch % 2]
            last = ch + 1 == _CHUNKS
            if not last:
                sB, dB = slabs[(ch + 1) % 2]
                nb = base + (ch + 1) * half
                pltpu.async_copy(s_hbm.at[pl.ds(nb, half)], sB, lsem0)
                pltpu.async_copy(d_hbm.at[pl.ds(nb, half)], dB, lsem1)

            @pl.loop(0, half - _NBUF, step=_NBUF)
            def _(j, sA=sA, dA=dA):
                for b in range(_NBUF):
                    pltpu.make_async_copy(hc.at[sA.at[j + b]], bufs[b],
                                          sems[b]).wait()
                    pltpu.sync_copy(bufs[b], acc.at[dA.at[j + b]], add=True)
                    pltpu.async_copy(hc.at[sA.at[j + b + _NBUF]], bufs[b],
                                     sems[b])

            if not last:
                pltpu.make_async_copy(s_hbm.at[pl.ds(nb, half)], sB,
                                      lsem0).wait()
                pltpu.make_async_copy(d_hbm.at[pl.ds(nb, half)], dB,
                                      lsem1).wait()

            for b in range(_NBUF):
                pltpu.make_async_copy(hc.at[sA.at[half - _NBUF + b]], bufs[b],
                                      sems[b]).wait()
                pltpu.sync_copy(bufs[b], acc.at[dA.at[half - _NBUF + b]],
                                add=True)
                if not last:
                    pltpu.async_copy(hc.at[sB.at[b]], bufs[b], sems[b])

        plsc.subcore_barrier()

        pltpu.sync_copy(acc.at[pl.ds(s * zper, zper)],
                        o_hbm.at[c, pl.ds(s * zper, zper)])

    return k(hsplit, src2, dst2)


def kernel(feat, edge_index, W_aggr, b_aggr, W_self, b_self, W_comb, b_comb):
    n, d = feat.shape
    e = edge_index.shape[1]
    h = d // 2
    m_blk = 2000
    grid = n // m_blk

    hsplit = pl.pallas_call(
        _linear_split_kernel,
        grid=(grid,),
        in_specs=[pl.BlockSpec((m_blk, d), lambda i: (i, 0)),
                  pl.BlockSpec((d, d), lambda i: (0, 0)),
                  pl.BlockSpec((1, d), lambda i: (0, 0))],
        out_specs=pl.BlockSpec((2, m_blk, h), lambda i: (0, i, 0)),
        out_shape=jax.ShapeDtypeStruct((2, n, h), jnp.float32),
    )(feat, W_aggr, b_aggr.reshape(1, d))

    unit = _GROUP * _NSUB * 8
    e_pad = ((e + unit - 1) // unit) * unit
    src = edge_index[0].astype(jnp.int32)
    dst = edge_index[1].astype(jnp.int32)
    if e_pad != e:
        src = jnp.concatenate([src, jnp.zeros((e_pad - e,), jnp.int32)])
        dst = jnp.concatenate([dst, jnp.full((e_pad - e,), n, jnp.int32)])
    src2 = src.reshape(e_pad // _GROUP, _GROUP)
    dst2 = dst.reshape(e_pad // _GROUP, _GROUP)
    groups_per_sub = e_pad // (_GROUP * _NSUB)

    acc_rows = ((n + (1 if e_pad != e else 0) + 127) // 128) * 128

    aggr = _sc_segment_sum(hsplit, src2, dst2, n, groups_per_sub, acc_rows)

    out = pl.pallas_call(
        _combine_kernel,
        grid=(grid,),
        in_specs=[pl.BlockSpec((m_blk, d), lambda i: (i, 0)),
                  pl.BlockSpec((2, m_blk, h), lambda i: (0, i, 0)),
                  pl.BlockSpec((d, d), lambda i: (0, 0)),
                  pl.BlockSpec((1, d), lambda i: (0, 0)),
                  pl.BlockSpec((d, d), lambda i: (0, 0)),
                  pl.BlockSpec((1, d), lambda i: (0, 0))],
        out_specs=pl.BlockSpec((m_blk, d), lambda i: (i, 0)),
        out_shape=jax.ShapeDtypeStruct((n, d), jnp.float32),
    )(feat, aggr, W_self, b_self.reshape(1, d), W_comb, b_comb.reshape(1, d))
    return out

# --- scband reference (transcript-rebuilt; emitter-appended) ---
"""Pipeline reference for scband-graph-conv-16277926052153 (READ-ONLY COPY).

The authoritative reference and input builder live on the scoring server;
editing this copy changes nothing except your own understanding.
"""

import jax, jax.numpy as jnp
import numpy as np

N_NODES = 10000
N_EDGES = 160000
D_IN = 256
D_OUT = 256

def setup_inputs(seed: int = 0) -> dict:
    key = jax.random.key(seed)
    k1, k2, k3, k4, k5, k6, k7, k8 = jax.random.split(key, 8)
    feat = jax.random.normal(k1, (N_NODES, D_IN), dtype=jnp.float32)
    edge_index = jax.random.randint(k2, (2, N_EDGES), 0, N_NODES, dtype=jnp.int64)
    s = 1.0 / np.sqrt(D_IN)
    W_aggr = jax.random.uniform(k3, (D_OUT, D_IN), dtype=jnp.float32, minval=-s, maxval=s)
    b_aggr = jax.random.uniform(k4, (D_OUT,), dtype=jnp.float32, minval=-s, maxval=s)
    W_self = jax.random.uniform(k5, (D_OUT, D_IN), dtype=jnp.float32, minval=-s, maxval=s)
    b_self = jax.random.uniform(k6, (D_OUT,), dtype=jnp.float32, minval=-s, maxval=s)
    s2 = 1.0 / np.sqrt(D_OUT)
    W_comb = jax.random.uniform(k7, (D_OUT, D_OUT), dtype=jnp.float32, minval=-s2, maxval=s2)
    b_comb = jax.random.uniform(k8, (D_OUT,), dtype=jnp.float32, minval=-s2, maxval=s2)
    return {"feat": feat, "edge_index": edge_index, "W_aggr": W_aggr, "b_aggr": b_aggr, "W_self": W_self, "b_self": b_self, "W_comb": W_comb, "b_comb": b_comb}

def reference(feat, edge_index, W_aggr, b_aggr, W_self, b_self, W_comb, b_comb):
    # lin_aggr on source features
    h_src = feat @ W_aggr.T + b_aggr
    src = edge_index[0]
    dst = edge_index[1]
    # message = copy_u('h'); aggregate = sum over incoming edges per dst node
    msg = jnp.take(h_src, src, axis=0)
    aggr_message = jax.ops.segment_sum(msg, dst, num_segments=feat.shape[0])
    # no activation branch: out = lin_comb(lin_self(feat_dst) + aggr_message)
    h_self = feat @ W_self.T + b_self
    out = (h_self + aggr_message) @ W_comb.T + b_comb
    return out

if __name__ == "__main__":
    import jax
    _d = setup_inputs()
    print(jax.jit(kernel)(*tuple(_d.values())))

</pallas_src>

<mosaic_0001>
#map = affine_map<(d0, d1) -> (0, 0, 0)>
#map1 = affine_map<(d0, d1) -> (0, 0)>
module attributes {stable_mosaic.version = 14 : i64} {
  func.func @k(%arg0: i32, %arg1: i32, %arg2: memref<2x10000x128xf32, #tpu.memory_space<hbm>>, %arg3: memref<2560x64xi32, #tpu.memory_space<hbm>>, %arg4: memref<2560x64xi32, #tpu.memory_space<hbm>>, %arg5: memref<2x10112x128xf32, #tpu.memory_space<hbm>>, %arg6: memref<32x64xi32, #tpu.memory_space<vmem>>, %arg7: memref<32x64xi32, #tpu.memory_space<vmem>>, %arg8: memref<32x64xi32, #tpu.memory_space<vmem>>, %arg9: memref<32x64xi32, #tpu.memory_space<vmem>>, %arg10: memref<64x128xf32, #tpu.memory_space<vmem>>, %arg11: memref<64x128xf32, #tpu.memory_space<vmem>>, %arg12: memref<64x128xf32, #tpu.memory_space<vmem>>, %arg13: memref<64x128xf32, #tpu.memory_space<vmem>>, %arg14: memref<10112x128xf32, #tpu.memory_space<vmem_shared>>, %arg15: memref<!tpu.dma_semaphore, #tpu.memory_space<semaphore_mem>>, %arg16: memref<!tpu.dma_semaphore, #tpu.memory_space<semaphore_mem>>, %arg17: memref<!tpu.dma_semaphore, #tpu.memory_space<semaphore_mem>>, %arg18: memref<!tpu.dma_semaphore, #tpu.memory_space<semaphore_mem>>, %arg19: memref<!tpu.dma_semaphore, #tpu.memory_space<semaphore_mem>>, %arg20: memref<!tpu.dma_semaphore, #tpu.memory_space<semaphore_mem>>) attributes {dimension_semantics = [#tpu.dimension_semantics<core_parallel>, #tpu.dimension_semantics<subcore_parallel>], iteration_bounds = array<i64: 2, 16>, scalar_prefetch = 0 : i64, scratch_operands = 15 : i64, tpu.core_type = #tpu.core_type<sc_vector_subcore>, window_params = [{transform_indices = #map}, {transform_indices = #map1}, {transform_indices = #map1}, {transform_indices = #map}]} {
    %scan3A = arith.constant 0 : i32
    %scan3A_0 = arith.constant 64 : i32
    %scan3A_1 = arith.addi %scan3A, %scan3A_0 : i32
    %scan3A_2 = arith.constant 1 : i32
    scf.for %scan3A_572 = %scan3A to %scan3A_1 step %scan3A_2  : i32 {
      %mul3A_573 = arith.constant 1 : i32
      %mul3A_574 = arith.muli %scan3A_572, %mul3A_573 : i32
      %add3A_575 = arith.constant 0 : i32
      %add3A_576 = arith.addi %add3A_575, %mul3A_574 : i32
      %scan3A_577 = arith.constant 0 : i32
      %scan3A_578 = arith.constant 8 : i32
      %scan3A_579 = arith.addi %scan3A_577, %scan3A_578 : i32
      %scan3A_580 = arith.constant 1 : i32
      scf.for %scan3A_582 = %scan3A_577 to %scan3A_579 step %scan3A_580  : i32 {
        %mul3A_583 = arith.constant 16 : i32
        %mul3A_584 = arith.muli %scan3A_582, %mul3A_583 : i32
        %add3A_585 = arith.constant 0 : i32
        %add3A_586 = arith.addi %add3A_585, %mul3A_584 : i32
        %broadcast_in_dim3A = arith.constant 0.000000e+00 : f32
        %broadcast_in_dim3A_587 = vector.broadcast %broadcast_in_dim3A : f32 to vector<1x16xf32>
        %swap3A = arith.index_cast %add3A_576 : i32 to index
        %swap3A_588 = arith.index_cast %add3A_586 : i32 to index
        %swap3A_589 = tpu.vector_load %arg10[%swap3A, %swap3A_588] {strides = array<i32>} : memref<64x128xf32, #tpu.memory_space<vmem>>, vector<1x16xf32>,
        %swap3A_590 = vector.shape_cast %swap3A_589 : vector<1x16xf32> to vector<1x16xf32>
        %swap3A_591 = vector.shape_cast %broadcast_in_dim3A_587 : vector<1x16xf32> to vector<1x16xf32>
        tpu.vector_store %arg10[%swap3A, %swap3A_588], %swap3A_591 {strides = array<i32>} : memref<64x128xf32, #tpu.memory_space<vmem>>, vector<1x16xf32>,
      }
      %scan3A_581 = arith.constant 8 : i32
    }
    %scan3A_3 = arith.constant 64 : i32
    %scan3A_4 = arith.constant 0 : i32
    %scan3A_5 = arith.constant 9 : i32
    %scan3A_6 = arith.addi %scan3A_4, %scan3A_5 : i32
    %scan3A_7 = arith.constant 1 : i32
    scf.for %scan3A_572 = %scan3A_4 to %scan3A_6 step %scan3A_7  : i32 {
      %mul3A_573 = arith.constant 64 : i32
      %mul3A_574 = arith.muli %scan3A_572, %mul3A_573 : i32
      %add3A_575 = arith.constant 0 : i32
      %add3A_576 = arith.addi %add3A_575, %mul3A_574 : i32
      %mul3A_577 = arith.constant 632 : i32
      %mul3A_578 = arith.muli %arg1, %mul3A_577 : i32
      %add3A_579 = arith.addi %mul3A_578, %add3A_576 : i32
      "tpu.region"() ({
        %run_scoped3A_580 = tpu.sem_alloc : memref<!tpu.dma_semaphore, #tpu.memory_space<semaphore_mem>>
        %dma_start3A_581 = arith.constant 0 : i32
        %dma_start3A_582 = tpu.memref_slice %arg14[%add3A_579, %dma_start3A_581] : memref<10112x128xf32, #tpu.memory_space<vmem_shared>> -> memref<64x128xf32, #tpu.memory_space<vmem_shared>>
        %dma_start3A_583 = arith.constant 0 : i32
        %dma_start3A_584 = tpu.memref_slice %arg14[%add3A_579, %dma_start3A_583] : memref<10112x128xf32, #tpu.memory_space<vmem_shared>> -> memref<64x128xf32, #tpu.memory_space<vmem_shared>>
        tpu.enqueue_dma source(%arg10 : memref<64x128xf32, #tpu.memory_space<vmem>>) target(%dma_start3A_584 : memref<64x128xf32, #tpu.memory_space<vmem_shared>>) target_semaphore(%run_scoped3A_580 : memref<!tpu.dma_semaphore, #tpu.memory_space<semaphore_mem>>)
        %dma_wait3A_585 = arith.constant 0 : i32
        %dma_wait3A_586 = tpu.memref_slice %arg14[%add3A_579, %dma_wait3A_585] : memref<10112x128xf32, #tpu.memory_space<vmem_shared>> -> memref<64x128xf32, #tpu.memory_space<vmem_shared>>
        %dma_wait3A_587 = arith.constant 0 : i32
        %dma_wait3A_588 = tpu.memref_slice %arg14[%add3A_579, %dma_wait3A_587] : memref<10112x128xf32, #tpu.memory_space<vmem_shared>> -> memref<64x128xf32, #tpu.memory_space<vmem_shared>>
        tpu.wait_dma2 semaphore(%run_scoped3A_580 : memref<!tpu.dma_semaphore, #tpu.memory_space<semaphore_mem>>) src(%arg10 : memref<64x128xf32, #tpu.memory_space<vmem>>) dst(%dma_wait3A_588 : memref<64x128xf32, #tpu.memory_space<vmem_shared>>)
        tpu.yield
      }) : () -> ()
    }
    %scan3A_8 = arith.constant 9 : i32
    %mul3A = arith.constant 632 : i32
    %mul3A_9 = arith.muli %arg1, %mul3A : i32
    %add3A = arith.constant 576 : i32
    %add3A_10 = arith.addi %mul3A_9, %add3A : i32
    "tpu.region"() ({
      %run_scoped3A_572 = tpu.sem_alloc : memref<!tpu.dma_semaphore, #tpu.memory_space<semaphore_mem>>
      %dma_start3A_573 = arith.constant 0 : i32
      %dma_start3A_574 = arith.constant 0 : i32
      %dma_start3A_575 = tpu.memref_slice %arg10[%dma_start3A_573, %dma_start3A_574] : memref<64x128xf32, #tpu.memory_space<vmem>> -> memref<56x128xf32, #tpu.memory_space<vmem>>
      %dma_start3A_576 = arith.constant 0 : i32
      %dma_start3A_577 = tpu.memref_slice %arg14[%add3A_10, %dma_start3A_576] : memref<10112x128xf32, #tpu.memory_space<vmem_shared>> -> memref<56x128xf32, #tpu.memory_space<vmem_shared>>
      %dma_start3A_578 = arith.constant 0 : i32
      %dma_start3A_579 = tpu.memref_slice %arg14[%add3A_10, %dma_start3A_578] : memref<10112x128xf32, #tpu.memory_space<vmem_shared>> -> memref<56x128xf32, #tpu.memory_space<vmem_shared>>
      %dma_start3A_580 = arith.constant 0 : i32
      %dma_start3A_581 = arith.constant 0 : i32
      %dma_start3A_582 = tpu.memref_slice %arg10[%dma_start3A_580, %dma_start3A_581] : memref<64x128xf32, #tpu.memory_space<vmem>> -> memref<56x128xf32, #tpu.memory_space<vmem>>
      tpu.enqueue_dma source(%dma_start3A_582 : memref<56x128xf32, #tpu.memory_space<vmem>>) target(%dma_start3A_579 : memref<56x128xf32, #tpu.memory_space<vmem_shared>>) target_semaphore(%run_scoped3A_572 : memref<!tpu.dma_semaphore, #tpu.memory_space<semaphore_mem>>)
      %dma_wait3A_583 = arith.constant 0 : i32
      %dma_wait3A_584 = arith.constant 0 : i32
      %dma_wait3A_585 = tpu.memref_slice %arg10[%dma_wait3A_583, %dma_wait3A_584] : memref<64x128xf32, #tpu.memory_space<vmem>> -> memref<56x128xf32, #tpu.memory_space<vmem>>
      %dma_wait3A_586 = arith.constant 0 : i32
      %dma_wait3A_587 = tpu.memref_slice %arg14[%add3A_10, %dma_wait3A_586] : memref<10112x128xf32, #tpu.memory_space<vmem_shared>> -> memref<56x128xf32, #tpu.memory_space<vmem_shared>>
      %dma_wait3A_588 = arith.constant 0 : i32
      %dma_wait3A_589 = tpu.memref_slice %arg14[%add3A_10, %dma_wait3A_588] : memref<10112x128xf32, #tpu.memory_space<vmem_shared>> -> memref<56x128xf32, #tpu.memory_space<vmem_shared>>
      %dma_wait3A_590 = arith.constant 0 : i32
      %dma_wait3A_591 = arith.constant 0 : i32
      %dma_wait3A_592 = tpu.memref_slice %arg10[%dma_wait3A_590, %dma_wait3A_591] : memref<64x128xf32, #tpu.memory_space<vmem>> -> memref<56x128xf32, #tpu.memory_space<vmem>>
      tpu.wait_dma2 semaphore(%run_scoped3A_572 : memref<!tpu.dma_semaphore, #tpu.memory_space<semaphore_mem>>) src(%dma_wait3A_592 : memref<56x128xf32, #tpu.memory_space<vmem>>) dst(%dma_wait3A_589 : memref<56x128xf32, #tpu.memory_space<vmem_shared>>)
      tpu.yield
    }) : () -> ()
    %barrier3A = arith.constant 0 : index
    tpu.barrier barrier_id(%barrier3A)
    %mul3A_11 = arith.constant 160 : i32
    %mul3A_12 = arith.muli %arg1, %mul3A_11 : i32
    "tpu.region"() ({
      %run_scoped3A_572 = tpu.sem_alloc : memref<!tpu.dma_semaphore, #tpu.memory_space<semaphore_mem>>
      %dma_start3A_573 = arith.constant 0 : i32
      %dma_start3A_574 = tpu.memref_slice %arg3[%mul3A_12, %dma_start3A_573] : memref<2560x64xi32, #tpu.memory_space<hbm>> -> memref<32x64xi32, #tpu.memory_space<hbm>>
      %dma_start3A_575 = arith.constant 0 : i32
      %dma_start3A_576 = tpu.memref_slice %arg3[%mul3A_12, %dma_start3A_575] : memref<2560x64xi32, #tpu.memory_space<hbm>> -> memref<32x64xi32, #tpu.memory_space<hbm>>
      tpu.enqueue_dma source(%dma_start3A_576 : memref<32x64xi32, #tpu.memory_space<hbm>>) target(%arg6 : memref<32x64xi32, #tpu.memory_space<vmem>>) target_semaphore(%run_scoped3A_572 : memref<!tpu.dma_semaphore, #tpu.memory_space<semaphore_mem>>)
      %dma_wait3A_577 = arith.constant 0 : i32
      %dma_wait3A_578 = tpu.memref_slice %arg3[%mul3A_12, %dma_wait3A_577] : memref<2560x64xi32, #tpu.memory_space<hbm>> -> memref<32x64xi32, #tpu.memory_space<hbm>>
      %dma_wait3A_579 = arith.constant 0 : i32
      %dma_wait3A_580 = tpu.memref_slice %arg3[%mul3A_12, %dma_wait3A_579] : memref<2560x64xi32, #tpu.memory_space<hbm>> -> memref<32x64xi32, #tpu.memory_space<hbm>>
      tpu.wait_dma2 semaphore(%run_scoped3A_572 : memref<!tpu.dma_semaphore, #tpu.memory_space<semaphore_mem>>) src(%dma_wait3A_580 : memref<32x64xi32, #tpu.memory_space<hbm>>) dst(%arg6 : memref<32x64xi32, #tpu.memory_space<vmem>>)
      tpu.yield
    }) : () -> ()
    "tpu.region"() ({
      %run_scoped3A_572 = tpu.sem_alloc : memref<!tpu.dma_semaphore, #tpu.memory_space<semaphore_mem>>
      %dma_start3A_573 = arith.constant 0 : i32
      %dma_start3A_574 = tpu.memref_slice %arg4[%mul3A_12, %dma_start3A_573] : memref<2560x64xi32, #tpu.memory_space<hbm>> -> memref<32x64xi32, #tpu.memory_space<hbm>>
      %dma_start3A_575 = arith.constant 0 : i32
      %dma_start3A_576 = tpu.memref_slice %arg4[%mul3A_12, %dma_start3A_575] : memref<2560x64xi32, #tpu.memory_space<hbm>> -> memref<32x64xi32, #tpu.memory_space<hbm>>
      tpu.enqueue_dma source(%dma_start3A_576 : memref<32x64xi32, #tpu.memory_space<hbm>>) target(%arg7 : memref<32x64xi32, #tpu.memory_space<vmem>>) target_semaphore(%run_scoped3A_572 : memref<!tpu.dma_semaphore, #tpu.memory_space<semaphore_mem>>)
      %dma_wait3A_577 = arith.constant 0 : i32
      %dma_wait3A_578 = tpu.memref_slice %arg4[%mul3A_12, %dma_wait3A_577] : memref<2560x64xi32, #tpu.memory_space<hbm>> -> memref<32x64xi32, #tpu.memory_space<hbm>>
      %dma_wait3A_579 = arith.constant 0 : i32
      %dma_wait3A_580 = tpu.memref_slice %arg4[%mul3A_12, %dma_wait3A_579] : memref<2560x64xi32, #tpu.memory_space<hbm>> -> memref<32x64xi32, #tpu.memory_space<hbm>>
      tpu.wait_dma2 semaphore(%run_scoped3A_572 : memref<!tpu.dma_semaphore, #tpu.memory_space<semaphore_mem>>) src(%dma_wait3A_580 : memref<32x64xi32, #tpu.memory_space<hbm>>) dst(%arg7 : memref<32x64xi32, #tpu.memory_space<vmem>>)
      tpu.yield
    }) : () -> ()
    %dma_start3A = arith.constant 0 : i32
    %dma_start3A_13 = arith.constant 0 : i32
    %dma_start3A_14 = tpu.memref_slice %arg6[%dma_start3A, %dma_start3A_13] : memref<32x64xi32, #tpu.memory_space<vmem>> -> memref<1x64xi32, #tpu.memory_space<vmem>>
    %dma_start3A_15 = tpu.memref_squeeze %dma_start3A_14 : memref<1x64xi32, #tpu.memory_space<vmem>> -> memref<64xi32, #tpu.memory_space<vmem>>
    %dma_start3A_16 = arith.constant 0 : i32
    %dma_start3A_17 = arith.constant 0 : i32
    %dma_start3A_18 = tpu.memref_slice %arg2[%arg0, %dma_start3A_16, %dma_start3A_17] : memref<2x10000x128xf32, #tpu.memory_space<hbm>> -> memref<1x10000x128xf32, #tpu.memory_space<hbm>>
    %dma_start3A_19 = tpu.memref_squeeze %dma_start3A_18 : memref<1x10000x128xf32, #tpu.memory_space<hbm>> -> memref<10000x128xf32, #tpu.memory_space<hbm>>
    %dma_start3A_20 = arith.constant 0 : i32
    %dma_start3A_21 = arith.constant 0 : i32
    %dma_start3A_22 = tpu.memref_slice %dma_start3A_19[%dma_start3A_20, %dma_start3A_21] : memref<10000x128xf32, #tpu.memory_space<hbm>> -> memref<10000x128xf32, #tpu.memory_space<hbm>>
    tpu.enqueue_indirect_dma source(%dma_start3A_22 : memref<10000x128xf32, #tpu.memory_space<hbm>>) target(%arg10 : memref<64x128xf32, #tpu.memory_space<vmem>>) offsets(%dma_start3A_15 : memref<64xi32, #tpu.memory_space<vmem>>) semaphore(%arg15 : memref<!tpu.dma_semaphore, #tpu.memory_space<semaphore_mem>>)
    %dma_start3A_23 = arith.constant 1 : i32
    %dma_start3A_24 = arith.constant 0 : i32
    %dma_start3A_25 = tpu.memref_slice %arg6[%dma_start3A_23, %dma_start3A_24] : memref<32x64xi32, #tpu.memory_space<vmem>> -> memref<1x64xi32, #tpu.memory_space<vmem>>
    %dma_start3A_26 = tpu.memref_squeeze %dma_start3A_25 : memref<1x64xi32, #tpu.memory_space<vmem>> -> memref<64xi32, #tpu.memory_space<vmem>>
    %dma_start3A_27 = arith.constant 0 : i32
    %dma_start3A_28 = arith.constant 0 : i32
    %dma_start3A_29 = tpu.memref_slice %arg2[%arg0, %dma_start3A_27, %dma_start3A_28] : memref<2x10000x128xf32, #tpu.memory_space<hbm>> -> memref<1x10000x128xf32, #tpu.memory_space<hbm>>
    %dma_start3A_30 = tpu.memref_squeeze %dma_start3A_29 : memref<1x10000x128xf32, #tpu.memory_space<hbm>> -> memref<10000x128xf32, #tpu.memory_space<hbm>>
    %dma_start3A_31 = arith.constant 0 : i32
    %dma_start3A_32 = arith.constant 0 : i32
    %dma_start3A_33 = tpu.memref_slice %dma_start3A_30[%dma_start3A_31, %dma_start3A_32] : memref<10000x128xf32, #tpu.memory_space<hbm>> -> memref<10000x128xf32, #tpu.memory_space<hbm>>
    tpu.enqueue_indirect_dma source(%dma_start3A_33 : memref<10000x128xf32, #tpu.memory_space<hbm>>) target(%arg11 : memref<64x128xf32, #tpu.memory_space<vmem>>) offsets(%dma_start3A_26 : memref<64xi32, #tpu.memory_space<vmem>>) semaphore(%arg16 : memref<!tpu.dma_semaphore, #tpu.memory_space<semaphore_mem>>)
    %dma_start3A_34 = arith.constant 2 : i32
    %dma_start3A_35 = arith.constant 0 : i32
    %dma_start3A_36 = tpu.memref_slice %arg6[%dma_start3A_34, %dma_start3A_35] : memref<32x64xi32, #tpu.memory_space<vmem>> -> memref<1x64xi32, #tpu.memory_space<vmem>>
    %dma_start3A_37 = tpu.memref_squeeze %dma_start3A_36 : memref<1x64xi32, #tpu.memory_space<vmem>> -> memref<64xi32, #tpu.memory_space<vmem>>
    %dma_start3A_38 = arith.constant 0 : i32
    %dma_start3A_39 = arith.constant 0 : i32
    %dma_start3A_40 = tpu.memref_slice %arg2[%arg0, %dma_start3A_38, %dma_start3A_39] : memref<2x10000x128xf32, #tpu.memory_space<hbm>> -> memref<1x10000x128xf32, #tpu.memory_space<hbm>>
    %dma_start3A_41 = tpu.memref_squeeze %dma_start3A_40 : memref<1x10000x128xf32, #tpu.memory_space<hbm>> -> memref<10000x128xf32, #tpu.memory_space<hbm>>
    %dma_start3A_42 = arith.constant 0 : i32
    %dma_start3A_43 = arith.constant 0 : i32
    %dma_start3A_44 = tpu.memref_slice %dma_start3A_41[%dma_start3A_42, %dma_start3A_43] : memref<10000x128xf32, #tpu.memory_space<hbm>> -> memref<10000x128xf32, #tpu.memory_space<hbm>>
    tpu.enqueue_indirect_dma source(%dma_start3A_44 : memref<10000x128xf32, #tpu.memory_space<hbm>>) target(%arg12 : memref<64x128xf32, #tpu.memory_space<vmem>>) offsets(%dma_start3A_37 : memref<64xi32, #tpu.memory_space<vmem>>) semaphore(%arg17 : memref<!tpu.dma_semaphore, #tpu.memory_space<semaphore_mem>>)
    %dma_start3A_45 = arith.constant 3 : i32
    %dma_start3A_46 = arith.constant 0 : i32
    %dma_start3A_47 = tpu.memref_slice %arg6[%dma_start3A_45, %dma_start3A_46] : memref<32x64xi32, #tpu.memory_space<vmem>> -> memref<1x64xi32, #tpu.memory_space<vmem>>
    %dma_start3A_48 = tpu.memref_squeeze %dma_start3A_47 : memref<1x64xi32, #tpu.memory_space<vmem>> -> memref<64xi32, #tpu.memory_space<vmem>>
    %dma_start3A_49 = arith.constant 0 : i32
    %dma_start3A_50 = arith.constant 0 : i32
    %dma_start3A_51 = tpu.memref_slice %arg2[%arg0, %dma_start3A_49, %dma_start3A_50] : memref<2x10000x128xf32, #tpu.memory_space<hbm>> -> memref<1x10000x128xf32, #tpu.memory_space<hbm>>
    %dma_start3A_52 = tpu.memref_squeeze %dma_start3A_51 : memref<1x10000x128xf32, #tpu.memory_space<hbm>> -> memref<10000x128xf32, #tpu.memory_space<hbm>>
    %dma_start3A_53 = arith.constant 0 : i32
    %dma_start3A_54 = arith.constant 0 : i32
    %dma_start3A_55 = tpu.memref_slice %dma_start3A_52[%dma_start3A_53, %dma_start3A_54] : memref<10000x128xf32, #tpu.memory_space<hbm>> -> memref<10000x128xf32, #tpu.memory_space<hbm>>
    tpu.enqueue_indirect_dma source(%dma_start3A_55 : memref<10000x128xf32, #tpu.memory_space<hbm>>) target(%arg13 : memref<64x128xf32, #tpu.memory_space<vmem>>) offsets(%dma_start3A_48 : memref<64xi32, #tpu.memory_space<vmem>>) semaphore(%arg18 : memref<!tpu.dma_semaphore, #tpu.memory_space<semaphore_mem>>)
    %add3A_56 = arith.constant 32 : i32
    %add3A_57 = arith.addi %mul3A_12, %add3A_56 : i32
    %dma_start3A_58 = arith.constant 0 : i32
    %dma_start3A_59 = tpu.memref_slice %arg3[%add3A_57, %dma_start3A_58] : memref<2560x64xi32, #tpu.memory_space<hbm>> -> memref<32x64xi32, #tpu.memory_space<hbm>>
    %dma_start3A_60 = arith.constant 0 : i32
    %dma_start3A_61 = tpu.memref_slice %arg3[%add3A_57, %dma_start3A_60] : memref<2560x64xi32, #tpu.memory_space<hbm>> -> memref<32x64xi32, #tpu.memory_space<hbm>>
    tpu.enqueue_dma source(%dma_start3A_61 : memref<32x64xi32, #tpu.memory_space<hbm>>) target(%arg8 : memref<32x64xi32, #tpu.memory_space<vmem>>) target_semaphore(%arg19 : memref<!tpu.dma_semaphore, #tpu.memory_space<semaphore_mem>>)
    %dma_start3A_62 = arith.constant 0 : i32
    %dma_start3A_63 = tpu.memref_slice %arg4[%add3A_57, %dma_start3A_62] : memref<2560x64xi32, #tpu.memory_space<hbm>> -> memref<32x64xi32, #tpu.memory_space<hbm>>
    %dma_start3A_64 = arith.constant 0 : i32
    %dma_start3A_65 = tpu.memref_slice %arg4[%add3A_57, %dma_start3A_64] : memref<2560x64xi32, #tpu.memory_space<hbm>> -> memref<32x64xi32, #tpu.memory_space<hbm>>
    tpu.enqueue_dma source(%dma_start3A_65 : memref<32x64xi32, #tpu.memory_space<hbm>>) target(%arg9 : memref<32x64xi32, #tpu.memory_space<vmem>>) target_semaphore(%arg20 : memref<!tpu.dma_semaphore, #tpu.memory_space<semaphore_mem>>)
    %scan3A_66 = arith.constant 0 : i32
    %scan3A_67 = arith.constant 7 : i32
    %scan3A_68 = arith.addi %scan3A_66, %scan3A_67 : i32
    %scan3A_69 = arith.constant 1 : i32
    scf.for %scan3A_572 = %scan3A_66 to %scan3A_68 step %scan3A_69  : i32 {
      %mul3A_573 = arith.constant 4 : i32
      %mul3A_574 = arith.muli %scan3A_572, %mul3A_573 : i32
      %add3A_575 = arith.constant 0 : i32
      %add3A_576 = arith.addi %add3A_575, %mul3A_574 : i32
      %add3A_577 = arith.constant 0 : i32
      %add3A_578 = arith.addi %add3A_576, %add3A_577 : i32
      %dma_wait3A_579 = arith.constant 0 : i32
      %dma_wait3A_580 = tpu.memref_slice %arg6[%add3A_578, %dma_wait3A_579] : memref<32x64xi32, #tpu.memory_space<vmem>> -> memref<1x64xi32, #tpu.memory_space<vmem>>
      %dma_wait3A_581 = tpu.memref_squeeze %dma_wait3A_580 : memref<1x64xi32, #tpu.memory_space<vmem>> -> memref<64xi32, #tpu.memory_space<vmem>>
      %dma_wait3A_582 = arith.constant 0 : i32
      %dma_wait3A_583 = arith.constant 0 : i32
      %dma_wait3A_584 = tpu.memref_slice %arg2[%arg0, %dma_wait3A_582, %dma_wait3A_583] : memref<2x10000x128xf32, #tpu.memory_space<hbm>> -> memref<1x10000x128xf32, #tpu.memory_space<hbm>>
      %dma_wait3A_585 = tpu.memref_squeeze %dma_wait3A_584 : memref<1x10000x128xf32, #tpu.memory_space<hbm>> -> memref<10000x128xf32, #tpu.memory_space<hbm>>
      %dma_wait3A_586 = arith.constant 0 : i32
      %dma_wait3A_587 = arith.constant 0 : i32
      %dma_wait3A_588 = tpu.memref_slice %dma_wait3A_585[%dma_wait3A_586, %dma_wait3A_587] : memref<10000x128xf32, #tpu.memory_space<hbm>> -> memref<10000x128xf32, #tpu.memory_space<hbm>>
      tpu.wait_indirect_dma semaphore(%arg15 : memref<!tpu.dma_semaphore, #tpu.memory_space<semaphore_mem>>) src(%dma_wait3A_588 : memref<10000x128xf32, #tpu.memory_space<hbm>>) dst(%arg10 : memref<64x128xf32, #tpu.memory_space<vmem>>)
      %add3A_589 = arith.constant 0 : i32
      %add3A_590 = arith.addi %add3A_576, %add3A_589 : i32
      "tpu.region"() ({
        %run_scoped3A_689 = tpu.sem_alloc : memref<!tpu.dma_semaphore, #tpu.memory_space<semaphore_mem>>
        %dma_start3A_690 = arith.constant 0 : i32
        %dma_start3A_691 = tpu.memref_slice %arg7[%add3A_590, %dma_start3A_690] : memref<32x64xi32, #tpu.memory_space<vmem>> -> memref<1x64xi32, #tpu.memory_space<vmem>>
        %dma_start3A_692 = tpu.memref_squeeze %dma_start3A_691 : memref<1x64xi32, #tpu.memory_space<vmem>> -> memref<64xi32, #tpu.memory_space<vmem>>
        %dma_start3A_693 = arith.constant 0 : i32
        %dma_start3A_694 = arith.constant 0 : i32
        %dma_start3A_695 = tpu.memref_slice %arg14[%dma_start3A_693, %dma_start3A_694] : memref<10112x128xf32, #tpu.memory_space<vmem_shared>> -> memref<10112x128xf32, #tpu.memory_space<vmem_shared>>
        tpu.enqueue_indirect_dma source(%arg10 : memref<64x128xf32, #tpu.memory_space<vmem>>) target(%dma_start3A_695 : memref<10112x128xf32, #tpu.memory_space<vmem_shared>>) offsets(%dma_start3A_692 : memref<64xi32, #tpu.memory_space<vmem>>) semaphore(%run_scoped3A_689 : memref<!tpu.dma_semaphore, #tpu.memory_space<semaphore_mem>>) {add = true}
        %dma_wait3A_696 = arith.constant 0 : i32
        %dma_wait3A_697 = tpu.memref_slice %arg7[%add3A_590, %dma_wait3A_696] : memref<32x64xi32, #tpu.memory_space<vmem>> -> memref<1x64xi32, #tpu.memory_space<vmem>>
        %dma_wait3A_698 = tpu.memref_squeeze %dma_wait3A_697 : memref<1x64xi32, #tpu.memory_space<vmem>> -> memref<64xi32, #tpu.memory_space<vmem>>
        %dma_wait3A_699 = arith.constant 0 : i32
        %dma_wait3A_700 = arith.constant 0 : i32
        %dma_wait3A_701 = tpu.memref_slice %arg14[%dma_wait3A_699, %dma_wait3A_700] : memref<10112x128xf32, #tpu.memory_space<vmem_shared>> -> memref<10112x128xf32, #tpu.memory_space<vmem_shared>>
        tpu.wait_indirect_dma semaphore(%run_scoped3A_689 : memref<!tpu.dma_semaphore, #tpu.memory_space<semaphore_mem>>) src(%arg10 : memref<64x128xf32, #tpu.memory_space<vmem>>) dst(%dma_wait3A_701 : memref<10112x128xf32, #tpu.memory_space<vmem_shared>>)
        tpu.yield
      }) : () -> ()
      %add3A_591 = arith.constant 0 : i32
      %add3A_592 = arith.addi %add3A_576, %add3A_591 : i32
      %add3A_593 = arith.constant 4 : i32
      %add3A_594 = arith.addi %add3A_592, %add3A_593 : i32
      %dma_start3A_595 = arith.constant 0 : i32
      %dma_start3A_596 = tpu.memref_slice %arg6[%add3A_594, %dma_start3A_595] : memref<32x64xi32, #tpu.memory_space<vmem>> -> memref<1x64xi32, #tpu.memory_space<vmem>>
      %dma_start3A_597 = tpu.memref_squeeze %dma_start3A_596 : memref<1x64xi32, #tpu.memory_space<vmem>> -> memref<64xi32, #tpu.memory_space<vmem>>
      %dma_start3A_598 = arith.constant 0 : i32
      %dma_start3A_599 = arith.constant 0 : i32
      %dma_start3A_600 = tpu.memref_slice %arg2[%arg0, %dma_start3A_598, %dma_start3A_599] : memref<2x10000x128xf32, #tpu.memory_space<hbm>> -> memref<1x10000x128xf32, #tpu.memory_space<hbm>>
      %dma_start3A_601 = tpu.memref_squeeze %dma_start3A_600 : memref<1x10000x128xf32, #tpu.memory_space<hbm>> -> memref<10000x128xf32, #tpu.memory_space<hbm>>
      %dma_start3A_602 = arith.constant 0 : i32
      %dma_start3A_603 = arith.constant 0 : i32
      %dma_start3A_604 = tpu.memref_slice %dma_start3A_601[%dma_start3A_602, %dma_start3A_603] : memref<10000x128xf32, #tpu.memory_space<hbm>> -> memref<10000x128xf32, #tpu.memory_space<hbm>>
      tpu.enqueue_indirect_dma source(%dma_start3A_604 : memref<10000x128xf32, #tpu.memory_space<hbm>>) target(%arg10 : memref<64x128xf32, #tpu.memory_space<vmem>>) offsets(%dma_start3A_597 : memref<64xi32, #tpu.memory_space<vmem>>) semaphore(%arg15 : memref<!tpu.dma_semaphore, #tpu.memory_space<semaphore_mem>>)
      %add3A_605 = arith.constant 1 : i32
      %add3A_606 = arith.addi %add3A_576, %add3A_605 : i32
      %dma_wait3A_607 = arith.constant 0 : i32
      %dma_wait3A_608 = tpu.memref_slice %arg6[%add3A_606, %dma_wait3A_607] : memref<32x64xi32, #tpu.memory_space<vmem>> -> memref<1x64xi32, #tpu.memory_space<vmem>>
      %dma_wait3A_609 = tpu.memref_squeeze %dma_wait3A_608 : memref<1x64xi32, #tpu.memory_space<vmem>> -> memref<64xi32, #tpu.memory_space<vmem>>
      %dma_wait3A_610 = arith.constant 0 : i32
      %dma_wait3A_611 = arith.constant 0 : i32
      %dma_wait3A_612 = tpu.memref_slice %arg2[%arg0, %dma_wait3A_610, %dma_wait3A_611] : memref<2x10000x128xf32, #tpu.memory_space<hbm>> -> memref<1x10000x128xf32, #tpu.memory_space<hbm>>
      %dma_wait3A_613 = tpu.memref_squeeze %dma_wait3A_612 : memref<1x10000x128xf32, #tpu.memory_space<hbm>> -> memref<10000x128xf32, #tpu.memory_space<hbm>>
      %dma_wait3A_614 = arith.constant 0 : i32
      %dma_wait3A_615 = arith.constant 0 : i32
      %dma_wait3A_616 = tpu.memref_slice %dma_wait3A_613[%dma_wait3A_614, %dma_wait3A_615] : memref<10000x128xf32, #tpu.memory_space<hbm>> -> memref<10000x128xf32, #tpu.memory_space<hbm>>
      tpu.wait_indirect_dma semaphore(%arg16 : memref<!tpu.dma_semaphore, #tpu.memory_space<semaphore_mem>>) src(%dma_wait3A_616 : memref<10000x128xf32, #tpu.memory_space<hbm>>) dst(%arg11 : memref<64x128xf32, #tpu.memory_space<vmem>>)
      %add3A_617 = arith.constant 1 : i32
      %add3A_618 = arith.addi %add3A_576, %add3A_617 : i32
      "tpu.region"() ({
        %run_scoped3A_689 = tpu.sem_alloc : memref<!tpu.dma_semaphore, #tpu.memory_space<semaphore_mem>>
        %dma_start3A_690 = arith.constant 0 : i32
        %dma_start3A_691 = tpu.memref_slice %arg7[%add3A_618, %dma_start3A_690] : memref<32x64xi32, #tpu.memory_space<vmem>> -> memref<1x64xi32, #tpu.memory_space<vmem>>
        %dma_start3A_692 = tpu.memref_squeeze %dma_start3A_691 : memref<1x64xi32, #tpu.memory_space<vmem>> -> memref<64xi32, #tpu.memory_space<vmem>>
        %dma_start3A_693 = arith.constant 0 : i32
        %dma_start3A_694 = arith.constant 0 : i32
        %dma_start3A_695 = tpu.memref_slice %arg14[%dma_start3A_693, %dma_start3A_694] : memref<10112x128xf32, #tpu.memory_space<vmem_shared>> -> memref<10112x128xf32, #tpu.memory_space<vmem_shared>>
        tpu.enqueue_indirect_dma source(%arg11 : memref<64x128xf32, #tpu.memory_space<vmem>>) target(%dma_start3A_695 : memref<10112x128xf32, #tpu.memory_space<vmem_shared>>) offsets(%dma_start3A_692 : memref<64xi32, #tpu.memory_space<vmem>>) semaphore(%run_scoped3A_689 : memref<!tpu.dma_semaphore, #tpu.memory_space<semaphore_mem>>) {add = true}
        %dma_wait3A_696 = arith.constant 0 : i32
        %dma_wait3A_697 = tpu.memref_slice %arg7[%add3A_618, %dma_wait3A_696] : memref<32x64xi32, #tpu.memory_space<vmem>> -> memref<1x64xi32, #tpu.memory_space<vmem>>
        %dma_wait3A_698 = tpu.memref_squeeze %dma_wait3A_697 : memref<1x64xi32, #tpu.memory_space<vmem>> -> memref<64xi32, #tpu.memory_space<vmem>>
        %dma_wait3A_699 = arith.constant 0 : i32
        %dma_wait3A_700 = arith.constant 0 : i32
        %dma_wait3A_701 = tpu.memref_slice %arg14[%dma_wait3A_699, %dma_wait3A_700] : memref<10112x128xf32, #tpu.memory_space<vmem_shared>> -> memref<10112x128xf32, #tpu.memory_space<vmem_shared>>
        tpu.wait_indirect_dma semaphore(%run_scoped3A_689 : memref<!tpu.dma_semaphore, #tpu.memory_space<semaphore_mem>>) src(%arg11 : memref<64x128xf32, #tpu.memory_space<vmem>>) dst(%dma_wait3A_701 : memref<10112x128xf32, #tpu.memory_space<vmem_shared>>)
        tpu.yield
      }) : () -> ()
      %add3A_619 = arith.constant 1 : i32
      %add3A_620 = arith.addi %add3A_576, %add3A_619 : i32
      %add3A_621 = arith.constant 4 : i32
      %add3A_622 = arith.addi %add3A_620, %add3A_621 : i32
      %dma_start3A_623 = arith.constant 0 : i32
      %dma_start3A_624 = tpu.memref_slice %arg6[%add3A_622, %dma_start3A_623] : memref<32x64xi32, #tpu.memory_space<vmem>> -> memref<1x64xi32, #tpu.memory_space<vmem>>
      %dma_start3A_625 = tpu.memref_squeeze %dma_start3A_624 : memref<1x64xi32, #tpu.memory_space<vmem>> -> memref<64xi32, #tpu.memory_space<vmem>>
      %dma_start3A_626 = arith.constant 0 : i32
      %dma_start3A_627 = arith.constant 0 : i32
      %dma_start3A_628 = tpu.memref_slice %arg2[%arg0, %dma_start3A_626, %dma_start3A_627] : memref<2x10000x128xf32, #tpu.memory_space<hbm>> -> memref<1x10000x128xf32, #tpu.memory_space<hbm>>
      %dma_start3A_629 = tpu.memref_squeeze %dma_start3A_628 : memref<1x10000x128xf32, #tpu.memory_space<hbm>> -> memref<10000x128xf32, #tpu.memory_space<hbm>>
      %dma_start3A_630 = arith.constant 0 : i32
      %dma_start3A_631 = arith.constant 0 : i32
      %dma_start3A_632 = tpu.memref_slice %dma_start3A_629[%dma_start3A_630, %dma_start3A_631] : memref<10000x128xf32, #tpu.memory_space<hbm>> -> memref<10000x128xf32, #tpu.memory_space<hbm>>
      tpu.enqueue_indirect_dma source(%dma_start3A_632 : memref<10000x128xf32, #tpu.memory_space<hbm>>) target(%arg11 : memref<64x128xf32, #tpu.memory_space<vmem>>) offsets(%dma_start3A_625 : memref<64xi32, #tpu.memory_space<vmem>>) semaphore(%arg16 : memref<!tpu.dma_semaphore, #tpu.memory_space<semaphore_mem>>)
      %add3A_633 = arith.constant 2 : i32
      %add3A_634 = arith.addi %add3A_576, %add3A_633 : i32
      %dma_wait3A_635 = arith.constant 0 : i32
      %dma_wait3A_636 = tpu.memref_slice %arg6[%add3A_634, %dma_wait3A_635] : memref<32x64xi32, #tpu.memory_space<vmem>> -> memref<1x64xi32, #tpu.memory_space<vmem>>
      %dma_wait3A_637 = tpu.memref_squeeze %dma_wait3A_636 : memref<1x64xi32, #tpu.memory_space<vmem>> -> memref<64xi32, #tpu.memory_space<vmem>>
      %dma_wait3A_638 = arith.constant 0 : i32
      %dma_wait3A_639 = arith.constant 0 : i32
      %dma_wait3A_640 = tpu.memref_slice %arg2[%arg0, %dma_wait3A_638, %dma_wait3A_639] : memref<2x10000x128xf32, #tpu.memory_space<hbm>> -> memref<1x10000x128xf32, #tpu.memory_space<hbm>>
      %dma_wait3A_641 = tpu.memref_squeeze %dma_wait3A_640 : memref<1x10000x128xf32, #tpu.memory_space<hbm>> -> memref<10000x128xf32, #tpu.memory_space<hbm>>
      %dma_wait3A_642 = arith.constant 0 : i32
      %dma_wait3A_643 = arith.constant 0 : i32
      %dma_wait3A_644 = tpu.memref_slice %dma_wait3A_641[%dma_wait3A_642, %dma_wait3A_643] : memref<10000x128xf32, #tpu.memory_space<hbm>> -> memref<10000x128xf32, #tpu.memory_space<hbm>>
      tpu.wait_indirect_dma semaphore(%arg17 : memref<!tpu.dma_semaphore, #tpu.memory_space<semaphore_mem>>) src(%dma_wait3A_644 : memref<10000x128xf32, #tpu.memory_space<hbm>>) dst(%arg12 : memref<64x128xf32, #tpu.memory_space<vmem>>)
      %add3A_645 = arith.constant 2 : i32
      %add3A_646 = arith.addi %add3A_576, %add3A_645 : i32
      "tpu.region"() ({
        %run_scoped3A_689 = tpu.sem_alloc : memref<!tpu.dma_semaphore, #tpu.memory_space<semaphore_mem>>
        %dma_start3A_690 = arith.constant 0 : i32
        %dma_start3A_691 = tpu.memref_slice %arg7[%add3A_646, %dma_start3A_690] : memref<32x64xi32, #tpu.memory_space<vmem>> -> memref<1x64xi32, #tpu.memory_space<vmem>>
        %dma_start3A_692 = tpu.memref_squeeze %dma_start3A_691 : memref<1x64xi32, #tpu.memory_space<vmem>> -> memref<64xi32, #tpu.memory_space<vmem>>
        %dma_start3A_693 = arith.constant 0 : i32
        %dma_start3A_694 = arith.constant 0 : i32
        %dma_start3A_695 = tpu.memref_slice %arg14[%dma_start3A_693, %dma_start3A_694] : memref<10112x128xf32, #tpu.memory_space<vmem_shared>> -> memref<10112x128xf32, #tpu.memory_space<vmem_shared>>
        tpu.enqueue_indirect_dma source(%arg12 : memref<64x128xf32, #tpu.memory_space<vmem>>) target(%dma_start3A_695 : memref<10112x128xf32, #tpu.memory_space<vmem_shared>>) offsets(%dma_start3A_692 : memref<64xi32, #tpu.memory_space<vmem>>) semaphore(%run_scoped3A_689 : memref<!tpu.dma_semaphore, #tpu.memory_space<semaphore_mem>>) {add = true}
        %dma_wait3A_696 = arith.constant 0 : i32
        %dma_wait3A_697 = tpu.memref_slice %arg7[%add3A_646, %dma_wait3A_696] : memref<32x64xi32, #tpu.memory_space<vmem>> -> memref<1x64xi32, #tpu.memory_space<vmem>>
        %dma_wait3A_698 = tpu.memref_squeeze %dma_wait3A_697 : memref<1x64xi32, #tpu.memory_space<vmem>> -> memref<64xi32, #tpu.memory_space<vmem>>
        %dma_wait3A_699 = arith.constant 0 : i32
        %dma_wait3A_700 = arith.constant 0 : i32
        %dma_wait3A_701 = tpu.memref_slice %arg14[%dma_wait3A_699, %dma_wait3A_700] : memref<10112x128xf32, #tpu.memory_space<vmem_shared>> -> memref<10112x128xf32, #tpu.memory_space<vmem_shared>>
        tpu.wait_indirect_dma semaphore(%run_scoped3A_689 : memref<!tpu.dma_semaphore, #tpu.memory_space<semaphore_mem>>) src(%arg12 : memref<64x128xf32, #tpu.memory_space<vmem>>) dst(%dma_wait3A_701 : memref<10112x128xf32, #tpu.memory_space<vmem_shared>>)
        tpu.yield
      }) : () -> ()
      %add3A_647 = arith.constant 2 : i32
      %add3A_648 = arith.addi %add3A_576, %add3A_647 : i32
      %add3A_649 = arith.constant 4 : i32
      %add3A_650 = arith.addi %add3A_648, %add3A_649 : i32
      %dma_start3A_651 = arith.constant 0 : i32
      %dma_start3A_652 = tpu.memref_slice %arg6[%add3A_650, %dma_start3A_651] : memref<32x64xi32, #tpu.memory_space<vmem>> -> memref<1x64xi32, #tpu.memory_space<vmem>>
      %dma_start3A_653 = tpu.memref_squeeze %dma_start3A_652 : memref<1x64xi32, #tpu.memory_space<vmem>> -> memref<64xi32, #tpu.memory_space<vmem>>
      %dma_start3A_654 = arith.constant 0 : i32
      %dma_start3A_655 = arith.constant 0 : i32
      %dma_start3A_656 = tpu.memref_slice %arg2[%arg0, %dma_start3A_654, %dma_start3A_655] : memref<2x10000x128xf32, #tpu.memory_space<hbm>> -> memref<1x10000x128xf32, #tpu.memory_space<hbm>>
      %dma_start3A_657 = tpu.memref_squeeze %dma_start3A_656 : memref<1x10000x128xf32, #tpu.memory_space<hbm>> -> memref<10000x128xf32, #tpu.memory_space<hbm>>
      %dma_start3A_658 = arith.constant 0 : i32
      %dma_start3A_659 = arith.constant 0 : i32
      %dma_start3A_660 = tpu.memref_slice %dma_start3A_657[%dma_start3A_658, %dma_start3A_659] : memref<10000x128xf32, #tpu.memory_space<hbm>> -> memref<10000x128xf32, #tpu.memory_space<hbm>>
      tpu.enqueue_indirect_dma source(%dma_start3A_660 : memref<10000x128xf32, #tpu.memory_space<hbm>>) target(%arg12 : memref<64x128xf32, #tpu.memory_space<vmem>>) offsets(%dma_start3A_653 : memref<64xi32, #tpu.memory_space<vmem>>) semaphore(%arg17 : memref<!tpu.dma_semaphore, #tpu.memory_space<semaphore_mem>>)
      %add3A_661 = arith.constant 3 : i32
      %add3A_662 = arith.addi %add3A_576, %add3A_661 : i32
      %dma_wait3A_663 = arith.constant 0 : i32
      %dma_wait3A_664 = tpu.memref_slice %arg6[%add3A_662, %dma_wait3A_663] : memref<32x64xi32, #tpu.memory_space<vmem>> -> memref<1x64xi32, #tpu.memory_space<vmem>>
      %dma_wait3A_665 = tpu.memref_squeeze %dma_wait3A_664 : memref<1x64xi32, #tpu.memory_space<vmem>> -> memref<64xi32, #tpu.memory_space<vmem>>
      %dma_wait3A_666 = arith.constant 0 : i32
      %dma_wait3A_667 = arith.constant 0 : i32
      %dma_wait3A_668 = tpu.memref_slice %arg2[%arg0, %dma_wait3A_666, %dma_wait3A_667] : memref<2x10000x128xf32, #tpu.memory_space<hbm>> -> memref<1x10000x128xf32, #tpu.memory_space<hbm>>
      %dma_wait3A_669 = tpu.memref_squeeze %dma_wait3A_668 : memref<1x10000x128xf32, #tpu.memory_space<hbm>> -> memref<10000x128xf32, #tpu.memory_space<hbm>>
      %dma_wait3A_670 = arith.constant 0 : i32
      %dma_wait3A_671 = arith.constant 0 : i32
      %dma_wait3A_672 = tpu.memref_slice %dma_wait3A_669[%dma_wait3A_670, %dma_wait3A_671] : memref<10000x128xf32, #tpu.memory_space<hbm>> -> memref<10000x128xf32, #tpu.memory_space<hbm>>
      tpu.wait_indirect_dma semaphore(%arg18 : memref<!tpu.dma_semaphore, #tpu.memory_space<semaphore_mem>>) src(%dma_wait3A_672 : memref<10000x128xf32, #tpu.memory_space<hbm>>) dst(%arg13 : memref<64x128xf32, #tpu.memory_space<vmem>>)
      %add3A_673 = arith.constant 3 : i32
      %add3A_674 = arith.addi %add3A_576, %add3A_673 : i32
      "tpu.region"() ({
        %run_scoped3A_689 = tpu.sem_alloc : memref<!tpu.dma_semaphore, #tpu.memory_space<semaphore_mem>>
        %dma_start3A_690 = arith.constant 0 : i32
        %dma_start3A_691 = tpu.memref_slice %arg7[%add3A_674, %dma_start3A_690] : memref<32x64xi32, #tpu.memory_space<vmem>> -> memref<1x64xi32, #tpu.memory_space<vmem>>
        %dma_start3A_692 = tpu.memref_squeeze %dma_start3A_691 : memref<1x64xi32, #tpu.memory_space<vmem>> -> memref<64xi32, #tpu.memory_space<vmem>>
        %dma_start3A_693 = arith.constant 0 : i32
        %dma_start3A_694 = arith.constant 0 : i32
        %dma_start3A_695 = tpu.memref_slice %arg14[%dma_start3A_693, %dma_start3A_694] : memref<10112x128xf32, #tpu.memory_space<vmem_shared>> -> memref<10112x128xf32, #tpu.memory_space<vmem_shared>>
        tpu.enqueue_indirect_dma source(%arg13 : memref<64x128xf32, #tpu.memory_space<vmem>>) target(%dma_start3A_695 : memref<10112x128xf32, #tpu.memory_space<vmem_shared>>) offsets(%dma_start3A_692 : memref<64xi32, #tpu.memory_space<vmem>>) semaphore(%run_scoped3A_689 : memref<!tpu.dma_semaphore, #tpu.memory_space<semaphore_mem>>) {add = true}
        %dma_wait3A_696 = arith.constant 0 : i32
        %dma_wait3A_697 = tpu.memref_slice %arg7[%add3A_674, %dma_wait3A_696] : memref<32x64xi32, #tpu.memory_space<vmem>> -> memref<1x64xi32, #tpu.memory_space<vmem>>
        %dma_wait3A_698 = tpu.memref_squeeze %dma_wait3A_697 : memref<1x64xi32, #tpu.memory_space<vmem>> -> memref<64xi32, #tpu.memory_space<vmem>>
        %dma_wait3A_699 = arith.constant 0 : i32
        %dma_wait3A_700 = arith.constant 0 : i32
        %dma_wait3A_701 = tpu.memref_slice %arg14[%dma_wait3A_699, %dma_wait3A_700] : memref<10112x128xf32, #tpu.memory_space<vmem_shared>> -> memref<10112x128xf32, #tpu.memory_space<vmem_shared>>
        tpu.wait_indirect_dma semaphore(%run_scoped3A_689 : memref<!tpu.dma_semaphore, #tpu.memory_space<semaphore_mem>>) src(%arg13 : memref<64x128xf32, #tpu.memory_space<vmem>>) dst(%dma_wait3A_701 : memref<10112x128xf32, #tpu.memory_space<vmem_shared>>)
        tpu.yield
      }) : () -> ()
      %add3A_675 = arith.constant 3 : i32
      %add3A_676 = arith.addi %add3A_576, %add3A_675 : i32
      %add3A_677 = arith.constant 4 : i32
      %add3A_678 = arith.addi %add3A_676, %add3A_677 : i32
      %dma_start3A_679 = arith.constant 0 : i32
      %dma_start3A_680 = tpu.memref_slice %arg6[%add3A_678, %dma_start3A_679] : memref<32x64xi32, #tpu.memory_space<vmem>> -> memref<1x64xi32, #tpu.memory_space<vmem>>
      %dma_start3A_681 = tpu.memref_squeeze %dma_start3A_680 : memref<1x64xi32, #tpu.memory_space<vmem>> -> memref<64xi32, #tpu.memory_space<vmem>>
      %dma_start3A_682 = arith.constant 0 : i32
      %dma_start3A_683 = arith.constant 0 : i32
      %dma_start3A_684 = tpu.memref_slice %arg2[%arg0, %dma_start3A_682, %dma_start3A_683] : memref<2x10000x128xf32, #tpu.memory_space<hbm>> -> memref<1x10000x128xf32, #tpu.memory_space<hbm>>
      %dma_start3A_685 = tpu.memref_squeeze %dma_start3A_684 : memref<1x10000x128xf32, #tpu.memory_space<hbm>> -> memref<10000x128xf32, #tpu.memory_space<hbm>>
      %dma_start3A_686 = arith.constant 0 : i32
      %dma_start3A_687 = arith.constant 0 : i32
      %dma_start3A_688 = tpu.memref_slice %dma_start3A_685[%dma_start3A_686, %dma_start3A_687] : memref<10000x128xf32, #tpu.memory_space<hbm>> -> memref<10000x128xf32, #tpu.memory_space<hbm>>
      tpu.enqueue_indirect_dma source(%dma_start3A_688 : memref<10000x128xf32, #tpu.memory_space<hbm>>) target(%arg13 : memref<64x128xf32, #tpu.memory_space<vmem>>) offsets(%dma_start3A_681 : memref<64xi32, #tpu.memory_space<vmem>>) semaphore(%arg18 : memref<!tpu.dma_semaphore, #tpu.memory_space<semaphore_mem>>)
    }
    %scan3A_70 = arith.constant 7 : i32
    %dma_wait3A = arith.constant 0 : i32
    %dma_wait3A_71 = tpu.memref_slice %arg3[%add3A_57, %dma_wait3A] : memref<2560x64xi32, #tpu.memory_space<hbm>> -> memref<32x64xi32, #tpu.memory_space<hbm>>
    %dma_wait3A_72 = arith.constant 0 : i32
    %dma_wait3A_73 = tpu.memref_slice %arg3[%add3A_57, %dma_wait3A_72] : memref<2560x64xi32, #tpu.memory_space<hbm>> -> memref<32x64xi32, #tpu.memory_space<hbm>>
    tpu.wait_dma2 semaphore(%arg19 : memref<!tpu.dma_semaphore, #tpu.memory_space<semaphore_mem>>) src(%dma_wait3A_73 : memref<32x64xi32, #tpu.memory_space<hbm>>) dst(%arg8 : memref<32x64xi32, #tpu.memory_space<vmem>>)
    %dma_wait3A_74 = arith.constant 0 : i32
    %dma_wait3A_75 = tpu.memref_slice %arg4[%add3A_57, %dma_wait3A_74] : memref<2560x64xi32, #tpu.memory_space<hbm>> -> memref<32x64xi32, #tpu.memory_space<hbm>>
    %dma_wait3A_76 = arith.constant 0 : i32
    %dma_wait3A_77 = tpu.memref_slice %arg4[%add3A_57, %dma_wait3A_76] : memref<2560x64xi32, #tpu.memory_space<hbm>> -> memref<32x64xi32, #tpu.memory_space<hbm>>
    tpu.wait_dma2 semaphore(%arg20 : memref<!tpu.dma_semaphore, #tpu.memory_space<semaphore_mem>>) src(%dma_wait3A_77 : memref<32x64xi32, #tpu.memory_space<hbm>>) dst(%arg9 : memref<32x64xi32, #tpu.memory_space<vmem>>)
    %dma_wait3A_78 = arith.constant 28 : i32
    %dma_wait3A_79 = arith.constant 0 : i32
    %dma_wait3A_80 = tpu.memref_slice %arg6[%dma_wait3A_78, %dma_wait3A_79] : memref<32x64xi32, #tpu.memory_space<vmem>> -> memref<1x64xi32, #tpu.memory_space<vmem>>
    %dma_wait3A_81 = tpu.memref_squeeze %dma_wait3A_80 : memref<1x64xi32, #tpu.memory_space<vmem>> -> memref<64xi32, #tpu.memory_space<vmem>>
    %dma_wait3A_82 = arith.constant 0 : i32
    %dma_wait3A_83 = arith.constant 0 : i32
    %dma_wait3A_84 = tpu.memref_slice %arg2[%arg0, %dma_wait3A_82, %dma_wait3A_83] : memref<2x10000x128xf32, #tpu.memory_space<hbm>> -> memref<1x10000x128xf32, #tpu.memory_space<hbm>>
    %dma_wait3A_85 = tpu.memref_squeeze %dma_wait3A_84 : memref<1x10000x128xf32, #tpu.memory_space<hbm>> -> memref<10000x128xf32, #tpu.memory_space<hbm>>
    %dma_wait3A_86 = arith.constant 0 : i32
    %dma_wait3A_87 = arith.constant 0 : i32
    %dma_wait3A_88 = tpu.memref_slice %dma_wait3A_85[%dma_wait3A_86, %dma_wait3A_87] : memref<10000x128xf32, #tpu.memory_space<hbm>> -> memref<10000x128xf32, #tpu.memory_space<hbm>>
    tpu.wait_indirect_dma semaphore(%arg15 : memref<!tpu.dma_semaphore, #tpu.memory_space<semaphore_mem>>) src(%dma_wait3A_88 : memref<10000x128xf32, #tpu.memory_space<hbm>>) dst(%arg10 : memref<64x128xf32, #tpu.memory_space<vmem>>)
    %run_scoped3A = arith.constant 28 : i32
    "tpu.region"() ({
      %run_scoped3A_572 = tpu.sem_alloc : memref<!tpu.dma_semaphore, #tpu.memory_space<semaphore_mem>>
      %dma_start3A_573 = arith.constant 0 : i32
      %dma_start3A_574 = tpu.memref_slice %arg7[%run_scoped3A, %dma_start3A_573] : memref<32x64xi32, #tpu.memory_space<vmem>> -> memref<1x64xi32, #tpu.memory_space<vmem>>
      %dma_start3A_575 = tpu.memref_squeeze %dma_start3A_574 : memref<1x64xi32, #tpu.memory_space<vmem>> -> memref<64xi32, #tpu.memory_space<vmem>>
      %dma_start3A_576 = arith.constant 0 : i32
      %dma_start3A_577 = arith.constant 0 : i32
      %dma_start3A_578 = tpu.memref_slice %arg14[%dma_start3A_576, %dma_start3A_577] : memref<10112x128xf32, #tpu.memory_space<vmem_shared>> -> memref<10112x128xf32, #tpu.memory_space<vmem_shared>>
      tpu.enqueue_indirect_dma source(%arg10 : memref<64x128xf32, #tpu.memory_space<vmem>>) target(%dma_start3A_578 : memref<10112x128xf32, #tpu.memory_space<vmem_shared>>) offsets(%dma_start3A_575 : memref<64xi32, #tpu.memory_space<vmem>>) semaphore(%run_scoped3A_572 : memref<!tpu.dma_semaphore, #tpu.memory_space<semaphore_mem>>) {add = true}
      %dma_wait3A_579 = arith.constant 0 : i32
      %dma_wait3A_580 = tpu.memref_slice %arg7[%run_scoped3A, %dma_wait3A_579] : memref<32x64xi32, #tpu.memory_space<vmem>> -> memref<1x64xi32, #tpu.memory_space<vmem>>
      %dma_wait3A_581 = tpu.memref_squeeze %dma_wait3A_580 : memref<1x64xi32, #tpu.memory_space<vmem>> -> memref<64xi32, #tpu.memory_space<vmem>>
      %dma_wait3A_582 = arith.constant 0 : i32
      %dma_wait3A_583 = arith.constant 0 : i32
      %dma_wait3A_584 = tpu.memref_slice %arg14[%dma_wait3A_582, %dma_wait3A_583] : memref<10112x128xf32, #tpu.memory_space<vmem_shared>> -> memref<10112x128xf32, #tpu.memory_space<vmem_shared>>
      tpu.wait_indirect_dma semaphore(%run_scoped3A_572 : memref<!tpu.dma_semaphore, #tpu.memory_space<semaphore_mem>>) src(%arg10 : memref<64x128xf32, #tpu.memory_space<vmem>>) dst(%dma_wait3A_584 : memref<10112x128xf32, #tpu.memory_space<vmem_shared>>)
      tpu.yield
    }) : () -> ()
    %dma_start3A_89 = arith.constant 0 : i32
    %dma_start3A_90 = arith.constant 0 : i32
    %dma_start3A_91 = tpu.memref_slice %arg8[%dma_start3A_89, %dma_start3A_90] : memref<32x64xi32, #tpu.memory_space<vmem>> -> memref<1x64xi32, #tpu.memory_space<vmem>>
    %dma_start3A_92 = tpu.memref_squeeze %dma_start3A_91 : memref<1x64xi32, #tpu.memory_space<vmem>> -> memref<64xi32, #tpu.memory_space<vmem>>
    %dma_start3A_93 = arith.constant 0 : i32
    %dma_start3A_94 = arith.constant 0 : i32
    %dma_start3A_95 = tpu.memref_slice %arg2[%arg0, %dma_start3A_93, %dma_start3A_94] : memref<2x10000x128xf32, #tpu.memory_space<hbm>> -> memref<1x10000x128xf32, #tpu.memory_space<hbm>>
    %dma_start3A_96 = tpu.memref_squeeze %dma_start3A_95 : memref<1x10000x128xf32, #tpu.memory_space<hbm>> -> memref<10000x128xf32, #tpu.memory_space<hbm>>
    %dma_start3A_97 = arith.constant 0 : i32
    %dma_start3A_98 = arith.constant 0 : i32
    %dma_start3A_99 = tpu.memref_slice %dma_start3A_96[%dma_start3A_97, %dma_start3A_98] : memref<10000x128xf32, #tpu.memory_space<hbm>> -> memref<10000x128xf32, #tpu.memory_space<hbm>>
    tpu.enqueue_indirect_dma source(%dma_start3A_99 : memref<10000x128xf32, #tpu.memory_space<hbm>>) target(%arg10 : memref<64x128xf32, #tpu.memory_space<vmem>>) offsets(%dma_start3A_92 : memref<64xi32, #tpu.memory_space<vmem>>) semaphore(%arg15 : memref<!tpu.dma_semaphore, #tpu.memory_space<semaphore_mem>>)
    %dma_wait3A_100 = arith.constant 29 : i32
    %dma_wait3A_101 = arith.constant 0 : i32
    %dma_wait3A_102 = tpu.memref_slice %arg6[%dma_wait3A_100, %dma_wait3A_101] : memref<32x64xi32, #tpu.memory_space<vmem>> -> memref<1x64xi32, #tpu.memory_space<vmem>>
    %dma_wait3A_103 = tpu.memref_squeeze %dma_wait3A_102 : memref<1x64xi32, #tpu.memory_space<vmem>> -> memref<64xi32, #tpu.memory_space<vmem>>
    %dma_wait3A_104 = arith.constant 0 : i32
    %dma_wait3A_105 = arith.constant 0 : i32
    %dma_wait3A_106 = tpu.memref_slice %arg2[%arg0, %dma_wait3A_104, %dma_wait3A_105] : memref<2x10000x128xf32, #tpu.memory_space<hbm>> -> memref<1x10000x128xf32, #tpu.memory_space<hbm>>
    %dma_wait3A_107 = tpu.memref_squeeze %dma_wait3A_106 : memref<1x10000x128xf32, #tpu.memory_space<hbm>> -> memref<10000x128xf32, #tpu.memory_space<hbm>>
    %dma_wait3A_108 = arith.constant 0 : i32
    %dma_wait3A_109 = arith.constant 0 : i32
    %dma_wait3A_110 = tpu.memref_slice %dma_wait3A_107[%dma_wait3A_108, %dma_wait3A_109] : memref<10000x128xf32, #tpu.memory_space<hbm>> -> memref<10000x128xf32, #tpu.memory_space<hbm>>
    tpu.wait_indirect_dma semaphore(%arg16 : memref<!tpu.dma_semaphore, #tpu.memory_space<semaphore_mem>>) src(%dma_wait3A_110 : memref<10000x128xf32, #tpu.memory_space<hbm>>) dst(%arg11 : memref<64x128xf32, #tpu.memory_space<vmem>>)
    %run_scoped3A_111 = arith.constant 29 : i32
    "tpu.region"() ({
      %run_scoped3A_572 = tpu.sem_alloc : memref<!tpu.dma_semaphore, #tpu.memory_space<semaphore_mem>>
      %dma_start3A_573 = arith.constant 0 : i32
      %dma_start3A_574 = tpu.memref_slice %arg7[%run_scoped3A_111, %dma_start3A_573] : memref<32x64xi32, #tpu.memory_space<vmem>> -> memref<1x64xi32, #tpu.memory_space<vmem>>
      %dma_start3A_575 = tpu.memref_squeeze %dma_start3A_574 : memref<1x64xi32, #tpu.memory_space<vmem>> -> memref<64xi32, #tpu.memory_space<vmem>>
      %dma_start3A_576 = arith.constant 0 : i32
      %dma_start3A_577 = arith.constant 0 : i32
      %dma_start3A_578 = tpu.memref_slice %arg14[%dma_start3A_576, %dma_start3A_577] : memref<10112x128xf32, #tpu.memory_space<vmem_shared>> -> memref<10112x128xf32, #tpu.memory_space<vmem_shared>>
      tpu.enqueue_indirect_dma source(%arg11 : memref<64x128xf32, #tpu.memory_space<vmem>>) target(%dma_start3A_578 : memref<10112x128xf32, #tpu.memory_space<vmem_shared>>) offsets(%dma_start3A_575 : memref<64xi32, #tpu.memory_space<vmem>>) semaphore(%run_scoped3A_572 : memref<!tpu.dma_semaphore, #tpu.memory_space<semaphore_mem>>) {add = true}
      %dma_wait3A_579 = arith.constant 0 : i32
      %dma_wait3A_580 = tpu.memref_slice %arg7[%run_scoped3A_111, %dma_wait3A_579] : memref<32x64xi32, #tpu.memory_space<vmem>> -> memref<1x64xi32, #tpu.memory_space<vmem>>
      %dma_wait3A_581 = tpu.memref_squeeze %dma_wait3A_580 : memref<1x64xi32, #tpu.memory_space<vmem>> -> memref<64xi32, #tpu.memory_space<vmem>>
      %dma_wait3A_582 = arith.constant 0 : i32
      %dma_wait3A_583 = arith.constant 0 : i32
      %dma_wait3A_584 = tpu.memref_slice %arg14[%dma_wait3A_582, %dma_wait3A_583] : memref<10112x128xf32, #tpu.memory_space<vmem_shared>> -> memref<10112x128xf32, #tpu.memory_space<vmem_shared>>
      tpu.wait_indirect_dma semaphore(%run_scoped3A_572 : memref<!tpu.dma_semaphore, #tpu.memory_space<semaphore_mem>>) src(%arg11 : memref<64x128xf32, #tpu.memory_space<vmem>>) dst(%dma_wait3A_584 : memref<10112x128xf32, #tpu.memory_space<vmem_shared>>)
      tpu.yield
    }) : () -> ()
    %dma_start3A_112 = arith.constant 1 : i32
    %dma_start3A_113 = arith.constant 0 : i32
    %dma_start3A_114 = tpu.memref_slice %arg8[%dma_start3A_112, %dma_start3A_113] : memref<32x64xi32, #tpu.memory_space<vmem>> -> memref<1x64xi32, #tpu.memory_space<vmem>>
    %dma_start3A_115 = tpu.memref_squeeze %dma_start3A_114 : memref<1x64xi32, #tpu.memory_space<vmem>> -> memref<64xi32, #tpu.memory_space<vmem>>
    %dma_start3A_116 = arith.constant 0 : i32
    %dma_start3A_117 = arith.constant 0 : i32
    %dma_start3A_118 = tpu.memref_slice %arg2[%arg0, %dma_start3A_116, %dma_start3A_117] : memref<2x10000x128xf32, #tpu.memory_space<hbm>> -> memref<1x10000x128xf32, #tpu.memory_space<hbm>>
    %dma_start3A_119 = tpu.memref_squeeze %dma_start3A_118 : memref<1x10000x128xf32, #tpu.memory_space<hbm>> -> memref<10000x128xf32, #tpu.memory_space<hbm>>
    %dma_start3A_120 = arith.constant 0 : i32
    %dma_start3A_121 = arith.constant 0 : i32
    %dma_start3A_122 = tpu.memref_slice %dma_start3A_119[%dma_start3A_120, %dma_start3A_121] : memref<10000x128xf32, #tpu.memory_space<hbm>> -> memref<10000x128xf32, #tpu.memory_space<hbm>>
    tpu.enqueue_indirect_dma source(%dma_start3A_122 : memref<10000x128xf32, #tpu.memory_space<hbm>>) target(%arg11 : memref<64x128xf32, #tpu.memory_space<vmem>>) offsets(%dma_start3A_115 : memref<64xi32, #tpu.memory_space<vmem>>) semaphore(%arg16 : memref<!tpu.dma_semaphore, #tpu.memory_space<semaphore_mem>>)
    %dma_wait3A_123 = arith.constant 30 : i32
    %dma_wait3A_124 = arith.constant 0 : i32
    %dma_wait3A_125 = tpu.memref_slice %arg6[%dma_wait3A_123, %dma_wait3A_124] : memref<32x64xi32, #tpu.memory_space<vmem>> -> memref<1x64xi32, #tpu.memory_space<vmem>>
    %dma_wait3A_126 = tpu.memref_squeeze %dma_wait3A_125 : memref<1x64xi32, #tpu.memory_space<vmem>> -> memref<64xi32, #tpu.memory_space<vmem>>
    %dma_wait3A_127 = arith.constant 0 : i32
    %dma_wait3A_128 = arith.constant 0 : i32
    %dma_wait3A_129 = tpu.memref_slice %arg2[%arg0, %dma_wait3A_127, %dma_wait3A_128] : memref<2x10000x128xf32, #tpu.memory_space<hbm>> -> memref<1x10000x128xf32, #tpu.memory_space<hbm>>
    %dma_wait3A_130 = tpu.memref_squeeze %dma_wait3A_129 : memref<1x10000x128xf32, #tpu.memory_space<hbm>> -> memref<10000x128xf32, #tpu.memory_space<hbm>>
    %dma_wait3A_131 = arith.constant 0 : i32
    %dma_wait3A_132 = arith.constant 0 : i32
    %dma_wait3A_133 = tpu.memref_slice %dma_wait3A_130[%dma_wait3A_131, %dma_wait3A_132] : memref<10000x128xf32, #tpu.memory_space<hbm>> -> memref<10000x128xf32, #tpu.memory_space<hbm>>
    tpu.wait_indirect_dma semaphore(%arg17 : memref<!tpu.dma_semaphore, #tpu.memory_space<semaphore_mem>>) src(%dma_wait3A_133 : memref<10000x128xf32, #tpu.memory_space<hbm>>) dst(%arg12 : memref<64x128xf32, #tpu.memory_space<vmem>>)
    %run_scoped3A_134 = arith.constant 30 : i32
    "tpu.region"() ({
      %run_scoped3A_572 = tpu.sem_alloc : memref<!tpu.dma_semaphore, #tpu.memory_space<semaphore_mem>>
      %dma_start3A_573 = arith.constant 0 : i32
      %dma_start3A_574 = tpu.memref_slice %arg7[%run_scoped3A_134, %dma_start3A_573] : memref<32x64xi32, #tpu.memory_space<vmem>> -> memref<1x64xi32, #tpu.memory_space<vmem>>
      %dma_start3A_575 = tpu.memref_squeeze %dma_start3A_574 : memref<1x64xi32, #tpu.memory_space<vmem>> -> memref<64xi32, #tpu.memory_space<vmem>>
      %dma_start3A_576 = arith.constant 0 : i32
      %dma_start3A_577 = arith.constant 0 : i32
      %dma_start3A_578 = tpu.memref_slice %arg14[%dma_start3A_576, %dma_start3A_577] : memref<10112x128xf32, #tpu.memory_space<vmem_shared>> -> memref<10112x128xf32, #tpu.memory_space<vmem_shared>>
      tpu.enqueue_indirect_dma source(%arg12 : memref<64x128xf32, #tpu.memory_space<vmem>>) target(%dma_start3A_578 : memref<10112x128xf32, #tpu.memory_space<vmem_shared>>) offsets(%dma_start3A_575 : memref<64xi32, #tpu.memory_space<vmem>>) semaphore(%run_scoped3A_572 : memref<!tpu.dma_semaphore, #tpu.memory_space<semaphore_mem>>) {add = true}
      %dma_wait3A_579 = arith.constant 0 : i32
      %dma_wait3A_580 = tpu.memref_slice %arg7[%run_scoped3A_134, %dma_wait3A_579] : memref<32x64xi32, #tpu.memory_space<vmem>> -> memref<1x64xi32, #tpu.memory_space<vmem>>
      %dma_wait3A_581 = tpu.memref_squeeze %dma_wait3A_580 : memref<1x64xi32, #tpu.memory_space<vmem>> -> memref<64xi32, #tpu.memory_space<vmem>>
      %dma_wait3A_582 = arith.constant 0 : i32
      %dma_wait3A_583 = arith.constant 0 : i32
      %dma_wait3A_584 = tpu.memref_slice %arg14[%dma_wait3A_582, %dma_wait3A_583] : memref<10112x128xf32, #tpu.memory_space<vmem_shared>> -> memref<10112x128xf32, #tpu.memory_space<vmem_shared>>
      tpu.wait_indirect_dma semaphore(%run_scoped3A_572 : memref<!tpu.dma_semaphore, #tpu.memory_space<semaphore_mem>>) src(%arg12 : memref<64x128xf32, #tpu.memory_space<vmem>>) dst(%dma_wait3A_584 : memref<10112x128xf32, #tpu.memory_space<vmem_shared>>)
      tpu.yield
    }) : () -> ()
    %dma_start3A_135 = arith.constant 2 : i32
    %dma_start3A_136 = arith.constant 0 : i32
    %dma_start3A_137 = tpu.memref_slice %arg8[%dma_start3A_135, %dma_start3A_136] : memref<32x64xi32, #tpu.memory_space<vmem>> -> memref<1x64xi32, #tpu.memory_space<vmem>>
    %dma_start3A_138 = tpu.memref_squeeze %dma_start3A_137 : memref<1x64xi32, #tpu.memory_space<vmem>> -> memref<64xi32, #tpu.memory_space<vmem>>
    %dma_start3A_139 = arith.constant 0 : i32
    %dma_start3A_140 = arith.constant 0 : i32
    %dma_start3A_141 = tpu.memref_slice %arg2[%arg0, %dma_start3A_139, %dma_start3A_140] : memref<2x10000x128xf32, #tpu.memory_space<hbm>> -> memref<1x10000x128xf32, #tpu.memory_space<hbm>>
    %dma_start3A_142 = tpu.memref_squeeze %dma_start3A_141 : memref<1x10000x128xf32, #tpu.memory_space<hbm>> -> memref<10000x128xf32, #tpu.memory_space<hbm>>
    %dma_start3A_143 = arith.constant 0 : i32
    %dma_start3A_144 = arith.constant 0 : i32
    %dma_start3A_145 = tpu.memref_slice %dma_start3A_142[%dma_start3A_143, %dma_start3A_144] : memref<10000x128xf32, #tpu.memory_space<hbm>> -> memref<10000x128xf32, #tpu.memory_space<hbm>>
    tpu.enqueue_indirect_dma source(%dma_start3A_145 : memref<10000x128xf32, #tpu.memory_space<hbm>>) target(%arg12 : memref<64x128xf32, #tpu.memory_space<vmem>>) offsets(%dma_start3A_138 : memref<64xi32, #tpu.memory_space<vmem>>) semaphore(%arg17 : memref<!tpu.dma_semaphore, #tpu.memory_space<semaphore_mem>>)
    %dma_wait3A_146 = arith.constant 31 : i32
    %dma_wait3A_147 = arith.constant 0 : i32
    %dma_wait3A_148 = tpu.memref_slice %arg6[%dma_wait3A_146, %dma_wait3A_147] : memref<32x64xi32, #tpu.memory_space<vmem>> -> memref<1x64xi32, #tpu.memory_space<vmem>>
    %dma_wait3A_149 = tpu.memref_squeeze %dma_wait3A_148 : memref<1x64xi32, #tpu.memory_space<vmem>> -> memref<64xi32, #tpu.memory_space<vmem>>
    %dma_wait3A_150 = arith.constant 0 : i32
    %dma_wait3A_151 = arith.constant 0 : i32
    %dma_wait3A_152 = tpu.memref_slice %arg2[%arg0, %dma_wait3A_150, %dma_wait3A_151] : memref<2x10000x128xf32, #tpu.memory_space<hbm>> -> memref<1x10000x128xf32, #tpu.memory_space<hbm>>
    %dma_wait3A_153 = tpu.memref_squeeze %dma_wait3A_152 : memref<1x10000x128xf32, #tpu.memory_space<hbm>> -> memref<10000x128xf32, #tpu.memory_space<hbm>>
    %dma_wait3A_154 = arith.constant 0 : i32
    %dma_wait3A_155 = arith.constant 0 : i32
    %dma_wait3A_156 = tpu.memref_slice %dma_wait3A_153[%dma_wait3A_154, %dma_wait3A_155] : memref<10000x128xf32, #tpu.memory_space<hbm>> -> memref<10000x128xf32, #tpu.memory_space<hbm>>
    tpu.wait_indirect_dma semaphore(%arg18 : memref<!tpu.dma_semaphore, #tpu.memory_space<semaphore_mem>>) src(%dma_wait3A_156 : memref<10000x128xf32, #tpu.memory_space<hbm>>) dst(%arg13 : memref<64x128xf32, #tpu.memory_space<vmem>>)
    %run_scoped3A_157 = arith.constant 31 : i32
    "tpu.region"() ({
      %run_scoped3A_572 = tpu.sem_alloc : memref<!tpu.dma_semaphore, #tpu.memory_space<semaphore_mem>>
      %dma_start3A_573 = arith.constant 0 : i32
      %dma_start3A_574 = tpu.memref_slice %arg7[%run_scoped3A_157, %dma_start3A_573] : memref<32x64xi32, #tpu.memory_space<vmem>> -> memref<1x64xi32, #tpu.memory_space<vmem>>
      %dma_start3A_575 = tpu.memref_squeeze %dma_start3A_574 : memref<1x64xi32, #tpu.memory_space<vmem>> -> memref<64xi32, #tpu.memory_space<vmem>>
      %dma_start3A_576 = arith.constant 0 : i32
      %dma_start3A_577 = arith.constant 0 : i32
      %dma_start3A_578 = tpu.memref_slice %arg14[%dma_start3A_576, %dma_start3A_577] : memref<10112x128xf32, #tpu.memory_space<vmem_shared>> -> memref<10112x128xf32, #tpu.memory_space<vmem_shared>>
      tpu.enqueue_indirect_dma source(%arg13 : memref<64x128xf32, #tpu.memory_space<vmem>>) target(%dma_start3A_578 : memref<10112x128xf32, #tpu.memory_space<vmem_shared>>) offsets(%dma_start3A_575 : memref<64xi32, #tpu.memory_space<vmem>>) semaphore(%run_scoped3A_572 : memref<!tpu.dma_semaphore, #tpu.memory_space<semaphore_mem>>) {add = true}
      %dma_wait3A_579 = arith.constant 0 : i32
      %dma_wait3A_580 = tpu.memref_slice %arg7[%run_scoped3A_157, %dma_wait3A_579] : memref<32x64xi32, #tpu.memory_space<vmem>> -> memref<1x64xi32, #tpu.memory_space<vmem>>
      %dma_wait3A_581 = tpu.memref_squeeze %dma_wait3A_580 : memref<1x64xi32, #tpu.memory_space<vmem>> -> memref<64xi32, #tpu.memory_space<vmem>>
      %dma_wait3A_582 = arith.constant 0 : i32
      %dma_wait3A_583 = arith.constant 0 : i32
      %dma_wait3A_584 = tpu.memref_slice %arg14[%dma_wait3A_582, %dma_wait3A_583] : memref<10112x128xf32, #tpu.memory_space<vmem_shared>> -> memref<10112x128xf32, #tpu.memory_space<vmem_shared>>
      tpu.wait_indirect_dma semaphore(%run_scoped3A_572 : memref<!tpu.dma_semaphore, #tpu.memory_space<semaphore_mem>>) src(%arg13 : memref<64x128xf32, #tpu.memory_space<vmem>>) dst(%dma_wait3A_584 : memref<10112x128xf32, #tpu.memory_space<vmem_shared>>)
      tpu.yield
    }) : () -> ()
    %dma_start3A_158 = arith.constant 3 : i32
    %dma_start3A_159 = arith.constant 0 : i32
    %dma_start3A_160 = tpu.memref_slice %arg8[%dma_start3A_158, %dma_start3A_159] : memref<32x64xi32, #tpu.memory_space<vmem>> -> memref<1x64xi32, #tpu.memory_space<vmem>>
    %dma_start3A_161 = tpu.memref_squeeze %dma_start3A_160 : memref<1x64xi32, #tpu.memory_space<vmem>> -> memref<64xi32, #tpu.memory_space<vmem>>
    %dma_start3A_162 = arith.constant 0 : i32
    %dma_start3A_163 = arith.constant 0 : i32
    %dma_start3A_164 = tpu.memref_slice %arg2[%arg0, %dma_start3A_162, %dma_start3A_163] : memref<2x10000x128xf32, #tpu.memory_space<hbm>> -> memref<1x10000x128xf32, #tpu.memory_space<hbm>>
    %dma_start3A_165 = tpu.memref_squeeze %dma_start3A_164 : memref<1x10000x128xf32, #tpu.memory_space<hbm>> -> memref<10000x128xf32, #tpu.memory_space<hbm>>
    %dma_start3A_166 = arith.constant 0 : i32
    %dma_start3A_167 = arith.constant 0 : i32
    %dma_start3A_168 = tpu.memref_slice %dma_start3A_165[%dma_start3A_166, %dma_start3A_167] : memref<10000x128xf32, #tpu.memory_space<hbm>> -> memref<10000x128xf32, #tpu.memory_space<hbm>>
    tpu.enqueue_indirect_dma source(%dma_start3A_168 : memref<10000x128xf32, #tpu.memory_space<hbm>>) target(%arg13 : memref<64x128xf32, #tpu.memory_space<vmem>>) offsets(%dma_start3A_161 : memref<64xi32, #tpu.memory_space<vmem>>) semaphore(%arg18 : memref<!tpu.dma_semaphore, #tpu.memory_space<semaphore_mem>>)
    %add3A_169 = arith.constant 64 : i32
    %add3A_170 = arith.addi %mul3A_12, %add3A_169 : i32
    %dma_start3A_171 = arith.constant 0 : i32
    %dma_start3A_172 = tpu.memref_slice %arg3[%add3A_170, %dma_start3A_171] : memref<2560x64xi32, #tpu.memory_space<hbm>> -> memref<32x64xi32, #tpu.memory_space<hbm>>
    %dma_start3A_173 = arith.constant 0 : i32
    %dma_start3A_174 = tpu.memref_slice %arg3[%add3A_170, %dma_start3A_173] : memref<2560x64xi32, #tpu.memory_space<hbm>> -> memref<32x64xi32, #tpu.memory_space<hbm>>
    tpu.enqueue_dma source(%dma_start3A_174 : memref<32x64xi32, #tpu.memory_space<hbm>>) target(%arg6 : memref<32x64xi32, #tpu.memory_space<vmem>>) target_semaphore(%arg19 : memref<!tpu.dma_semaphore, #tpu.memory_space<semaphore_mem>>)
    %dma_start3A_175 = arith.constant 0 : i32
    %dma_start3A_176 = tpu.memref_slice %arg4[%add3A_170, %dma_start3A_175] : memref<2560x64xi32, #tpu.memory_space<hbm>> -> memref<32x64xi32, #tpu.memory_space<hbm>>
    %dma_start3A_177 = arith.constant 0 : i32
    %dma_start3A_178 = tpu.memref_slice %arg4[%add3A_170, %dma_start3A_177] : memref<2560x64xi32, #tpu.memory_space<hbm>> -> memref<32x64xi32, #tpu.memory_space<hbm>>
    tpu.enqueue_dma source(%dma_start3A_178 : memref<32x64xi32, #tpu.memory_space<hbm>>) target(%arg7 : memref<32x64xi32, #tpu.memory_space<vmem>>) target_semaphore(%arg20 : memref<!tpu.dma_semaphore, #tpu.memory_space<semaphore_mem>>)
    %scan3A_179 = arith.constant 0 : i32
    %scan3A_180 = arith.constant 7 : i32
    %scan3A_181 = arith.addi %scan3A_179, %scan3A_180 : i32
    %scan3A_182 = arith.constant 1 : i32
    scf.for %scan3A_572 = %scan3A_179 to %scan3A_181 step %scan3A_182  : i32 {
      %mul3A_573 = arith.constant 4 : i32
      %mul3A_574 = arith.muli %scan3A_572, %mul3A_573 : i32
      %add3A_575 = arith.constant 0 : i32
      %add3A_576 = arith.addi %add3A_575, %mul3A_574 : i32
      %add3A_577 = arith.constant 0 : i32
      %add3A_578 = arith.addi %add3A_576, %add3A_577 : i32
      %dma_wait3A_579 = arith.constant 0 : i32
      %dma_wait3A_580 = tpu.memref_slice %arg8[%add3A_578, %dma_wait3A_579] : memref<32x64xi32, #tpu.memory_space<vmem>> -> memref<1x64xi32, #tpu.memory_space<vmem>>
      %dma_wait3A_581 = tpu.memref_squeeze %dma_wait3A_580 : memref<1x64xi32, #tpu.memory_space<vmem>> -> memref<64xi32, #tpu.memory_space<vmem>>
      %dma_wait3A_582 = arith.constant 0 : i32
      %dma_wait3A_583 = arith.constant 0 : i32
      %dma_wait3A_584 = tpu.memref_slice %arg2[%arg0, %dma_wait3A_582, %dma_wait3A_583] : memref<2x10000x128xf32, #tpu.memory_space<hbm>> -> memref<1x10000x128xf32, #tpu.memory_space<hbm>>
      %dma_wait3A_585 = tpu.memref_squeeze %dma_wait3A_584 : memref<1x10000x128xf32, #tpu.memory_space<hbm>> -> memref<10000x128xf32, #tpu.memory_space<hbm>>
      %dma_wait3A_586 = arith.constant 0 : i32
      %dma_wait3A_587 = arith.constant 0 : i32
      %dma_wait3A_588 = tpu.memref_slice %dma_wait3A_585[%dma_wait3A_586, %dma_wait3A_587] : memref<10000x128xf32, #tpu.memory_space<hbm>> -> memref<10000x128xf32, #tpu.memory_space<hbm>>
      tpu.wait_indirect_dma semaphore(%arg15 : memref<!tpu.dma_semaphore, #tpu.memory_space<semaphore_mem>>) src(%dma_wait3A_588 : memref<10000x128xf32, #tpu.memory_space<hbm>>) dst(%arg10 : memref<64x128xf32, #tpu.memory_space<vmem>>)
      %add3A_589 = arith.constant 0 : i32
      %add3A_590 = arith.addi %add3A_576, %add3A_589 : i32
      "tpu.region"() ({
        %run_scoped3A_689 = tpu.sem_alloc : memref<!tpu.dma_semaphore, #tpu.memory_space<semaphore_mem>>
        %dma_start3A_690 = arith.constant 0 : i32
        %dma_start3A_691 = tpu.memref_slice %arg9[%add3A_590, %dma_start3A_690] : memref<32x64xi32, #tpu.memory_space<vmem>> -> memref<1x64xi32, #tpu.memory_space<vmem>>
        %dma_start3A_692 = tpu.memref_squeeze %dma_start3A_691 : memref<1x64xi32, #tpu.memory_space<vmem>> -> memref<64xi32, #tpu.memory_space<vmem>>
        %dma_start3A_693 = arith.constant 0 : i32
        %dma_start3A_694 = arith.constant 0 : i32
        %dma_start3A_695 = tpu.memref_slice %arg14[%dma_start3A_693, %dma_start3A_694] : memref<10112x128xf32, #tpu.memory_space<vmem_shared>> -> memref<10112x128xf32, #tpu.memory_space<vmem_shared>>
        tpu.enqueue_indirect_dma source(%arg10 : memref<64x128xf32, #tpu.memory_space<vmem>>) target(%dma_start3A_695 : memref<10112x128xf32, #tpu.memory_space<vmem_shared>>) offsets(%dma_start3A_692 : memref<64xi32, #tpu.memory_space<vmem>>) semaphore(%run_scoped3A_689 : memref<!tpu.dma_semaphore, #tpu.memory_space<semaphore_mem>>) {add = true}
        %dma_wait3A_696 = arith.constant 0 : i32
        %dma_wait3A_697 = tpu.memref_slice %arg9[%add3A_590, %dma_wait3A_696] : memref<32x64xi32, #tpu.memory_space<vmem>> -> memref<1x64xi32, #tpu.memory_space<vmem>>
        %dma_wait3A_698 = tpu.memref_squeeze %dma_wait3A_697 : memref<1x64xi32, #tpu.memory_space<vmem>> -> memref<64xi32, #tpu.memory_space<vmem>>
        %dma_wait3A_699 = arith.constant 0 : i32
        %dma_wait3A_700 = arith.constant 0 : i32
        %dma_wait3A_701 = tpu.memref_slice %arg14[%dma_wait3A_699, %dma_wait3A_700] : memref<10112x128xf32, #tpu.memory_space<vmem_shared>> -> memref<10112x128xf32, #tpu.memory_space<vmem_shared>>
        tpu.wait_indirect_dma semaphore(%run_scoped3A_689 : memref<!tpu.dma_semaphore, #tpu.memory_space<semaphore_mem>>) src(%arg10 : memref<64x128xf32, #tpu.memory_space<vmem>>) dst(%dma_wait3A_701 : memref<10112x128xf32, #tpu.memory_space<vmem_shared>>)
        tpu.yield
      }) : () -> ()
      %add3A_591 = arith.constant 0 : i32
      %add3A_592 = arith.addi %add3A_576, %add3A_591 : i32
      %add3A_593 = arith.constant 4 : i32
      %add3A_594 = arith.addi %add3A_592, %add3A_593 : i32
      %dma_start3A_595 = arith.constant 0 : i32
      %dma_start3A_596 = tpu.memref_slice %arg8[%add3A_594, %dma_start3A_595] : memref<32x64xi32, #tpu.memory_space<vmem>> -> memref<1x64xi32, #tpu.memory_space<vmem>>
      %dma_start3A_597 = tpu.memref_squeeze %dma_start3A_596 : memref<1x64xi32, #tpu.memory_space<vmem>> -> memref<64xi32, #tpu.memory_space<vmem>>
      %dma_start3A_598 = arith.constant 0 : i32
      %dma_start3A_599 = arith.constant 0 : i32
      %dma_start3A_600 = tpu.memref_slice %arg2[%arg0, %dma_start3A_598, %dma_start3A_599] : memref<2x10000x128xf32, #tpu.memory_space<hbm>> -> memref<1x10000x128xf32, #tpu.memory_space<hbm>>
      %dma_start3A_601 = tpu.memref_squeeze %dma_start3A_600 : memref<1x10000x128xf32, #tpu.memory_space<hbm>> -> memref<10000x128xf32, #tpu.memory_space<hbm>>
      %dma_start3A_602 = arith.constant 0 : i32
      %dma_start3A_603 = arith.constant 0 : i32
      %dma_start3A_604 = tpu.memref_slice %dma_start3A_601[%dma_start3A_602, %dma_start3A_603] : memref<10000x128xf32, #tpu.memory_space<hbm>> -> memref<10000x128xf32, #tpu.memory_space<hbm>>
      tpu.enqueue_indirect_dma source(%dma_start3A_604 : memref<10000x128xf32, #tpu.memory_space<hbm>>) target(%arg10 : memref<64x128xf32, #tpu.memory_space<vmem>>) offsets(%dma_start3A_597 : memref<64xi32, #tpu.memory_space<vmem>>) semaphore(%arg15 : memref<!tpu.dma_semaphore, #tpu.memory_space<semaphore_mem>>)
      %add3A_605 = arith.constant 1 : i32
      %add3A_606 = arith.addi %add3A_576, %add3A_605 : i32
      %dma_wait3A_607 = arith.constant 0 : i32
      %dma_wait3A_608 = tpu.memref_slice %arg8[%add3A_606, %dma_wait3A_607] : memref<32x64xi32, #tpu.memory_space<vmem>> -> memref<1x64xi32, #tpu.memory_space<vmem>>
      %dma_wait3A_609 = tpu.memref_squeeze %dma_wait3A_608 : memref<1x64xi32, #tpu.memory_space<vmem>> -> memref<64xi32, #tpu.memory_space<vmem>>
      %dma_wait3A_610 = arith.constant 0 : i32
      %dma_wait3A_611 = arith.constant 0 : i32
      %dma_wait3A_612 = tpu.memref_slice %arg2[%arg0, %dma_wait3A_610, %dma_wait3A_611] : memref<2x10000x128xf32, #tpu.memory_space<hbm>> -> memref<1x10000x128xf32, #tpu.memory_space<hbm>>
      %dma_wait3A_613 = tpu.memref_squeeze %dma_wait3A_612 : memref<1x10000x128xf32, #tpu.memory_space<hbm>> -> memref<10000x128xf32, #tpu.memory_space<hbm>>
      %dma_wait3A_614 = arith.constant 0 : i32
      %dma_wait3A_615 = arith.constant 0 : i32
      %dma_wait3A_616 = tpu.memref_slice %dma_wait3A_613[%dma_wait3A_614, %dma_wait3A_615] : memref<10000x128xf32, #tpu.memory_space<hbm>> -> memref<10000x128xf32, #tpu.memory_space<hbm>>
      tpu.wait_indirect_dma semaphore(%arg16 : memref<!tpu.dma_semaphore, #tpu.memory_space<semaphore_mem>>) src(%dma_wait3A_616 : memref<10000x128xf32, #tpu.memory_space<hbm>>) dst(%arg11 : memref<64x128xf32, #tpu.memory_space<vmem>>)
      %add3A_617 = arith.constant 1 : i32
      %add3A_618 = arith.addi %add3A_576, %add3A_617 : i32
      "tpu.region"() ({
        %run_scoped3A_689 = tpu.sem_alloc : memref<!tpu.dma_semaphore, #tpu.memory_space<semaphore_mem>>
        %dma_start3A_690 = arith.constant 0 : i32
        %dma_start3A_691 = tpu.memref_slice %arg9[%add3A_618, %dma_start3A_690] : memref<32x64xi32, #tpu.memory_space<vmem>> -> memref<1x64xi32, #tpu.memory_space<vmem>>
        %dma_start3A_692 = tpu.memref_squeeze %dma_start3A_691 : memref<1x64xi32, #tpu.memory_space<vmem>> -> memref<64xi32, #tpu.memory_space<vmem>>
        %dma_start3A_693 = arith.constant 0 : i32
        %dma_start3A_694 = arith.constant 0 : i32
        %dma_start3A_695 = tpu.memref_slice %arg14[%dma_start3A_693, %dma_start3A_694] : memref<10112x128xf32, #tpu.memory_space<vmem_shared>> -> memref<10112x128xf32, #tpu.memory_space<vmem_shared>>
        tpu.enqueue_indirect_dma source(%arg11 : memref<64x128xf32, #tpu.memory_space<vmem>>) target(%dma_start3A_695 : memref<10112x128xf32, #tpu.memory_space<vmem_shared>>) offsets(%dma_start3A_692 : memref<64xi32, #tpu.memory_space<vmem>>) semaphore(%run_scoped3A_689 : memref<!tpu.dma_semaphore, #tpu.memory_space<semaphore_mem>>) {add = true}
        %dma_wait3A_696 = arith.constant 0 : i32
        %dma_wait3A_697 = tpu.memref_slice %arg9[%add3A_618, %dma_wait3A_696] : memref<32x64xi32, #tpu.memory_space<vmem>> -> memref<1x64xi32, #tpu.memory_space<vmem>>
        %dma_wait3A_698 = tpu.memref_squeeze %dma_wait3A_697 : memref<1x64xi32, #tpu.memory_space<vmem>> -> memref<64xi32, #tpu.memory_space<vmem>>
        %dma_wait3A_699 = arith.constant 0 : i32
        %dma_wait3A_700 = arith.constant 0 : i32
        %dma_wait3A_701 = tpu.memref_slice %arg14[%dma_wait3A_699, %dma_wait3A_700] : memref<10112x128xf32, #tpu.memory_space<vmem_shared>> -> memref<10112x128xf32, #tpu.memory_space<vmem_shared>>
        tpu.wait_indirect_dma semaphore(%run_scoped3A_689 : memref<!tpu.dma_semaphore, #tpu.memory_space<semaphore_mem>>) src(%arg11 : memref<64x128xf32, #tpu.memory_space<vmem>>) dst(%dma_wait3A_701 : memref<10112x128xf32, #tpu.memory_space<vmem_shared>>)
        tpu.yield
      }) : () -> ()
      %add3A_619 = arith.constant 1 : i32
      %add3A_620 = arith.addi %add3A_576, %add3A_619 : i32
      %add3A_621 = arith.constant 4 : i32
      %add3A_622 = arith.addi %add3A_620, %add3A_621 : i32
      %dma_start3A_623 = arith.constant 0 : i32
      %dma_start3A_624 = tpu.memref_slice %arg8[%add3A_622, %dma_start3A_623] : memref<32x64xi32, #tpu.memory_space<vmem>> -> memref<1x64xi32, #tpu.memory_space<vmem>>
      %dma_start3A_625 = tpu.memref_squeeze %dma_start3A_624 : memref<1x64xi32, #tpu.memory_space<vmem>> -> memref<64xi32, #tpu.memory_space<vmem>>
      %dma_start3A_626 = arith.constant 0 : i32
      %dma_start3A_627 = arith.constant 0 : i32
      %dma_start3A_628 = tpu.memref_slice %arg2[%arg0, %dma_start3A_626, %dma_start3A_627] : memref<2x10000x128xf32, #tpu.memory_space<hbm>> -> memref<1x10000x128xf32, #tpu.memory_space<hbm>>
      %dma_start3A_629 = tpu.memref_squeeze %dma_start3A_628 : memref<1x10000x128xf32, #tpu.memory_space<hbm>> -> memref<10000x128xf32, #tpu.memory_space<hbm>>
      %dma_start3A_630 = arith.constant 0 : i32
      %dma_start3A_631 = arith.constant 0 : i32
      %dma_start3A_632 = tpu.memref_slice %dma_start3A_629[%dma_start3A_630, %dma_start3A_631] : memref<10000x128xf32, #tpu.memory_space<hbm>> -> memref<10000x128xf32, #tpu.memory_space<hbm>>
      tpu.enqueue_indirect_dma source(%dma_start3A_632 : memref<10000x128xf32, #tpu.memory_space<hbm>>) target(%arg11 : memref<64x128xf32, #tpu.memory_space<vmem>>) offsets(%dma_start3A_625 : memref<64xi32, #tpu.memory_space<vmem>>) semaphore(%arg16 : memref<!tpu.dma_semaphore, #tpu.memory_space<semaphore_mem>>)
      %add3A_633 = arith.constant 2 : i32
      %add3A_634 = arith.addi %add3A_576, %add3A_633 : i32
      %dma_wait3A_635 = arith.constant 0 : i32
      %dma_wait3A_636 = tpu.memref_slice %arg8[%add3A_634, %dma_wait3A_635] : memref<32x64xi32, #tpu.memory_space<vmem>> -> memref<1x64xi32, #tpu.memory_space<vmem>>
      %dma_wait3A_637 = tpu.memref_squeeze %dma_wait3A_636 : memref<1x64xi32, #tpu.memory_space<vmem>> -> memref<64xi32, #tpu.memory_space<vmem>>
      %dma_wait3A_638 = arith.constant 0 : i32
      %dma_wait3A_639 = arith.constant 0 : i32
      %dma_wait3A_640 = tpu.memref_slice %arg2[%arg0, %dma_wait3A_638, %dma_wait3A_639] : memref<2x10000x128xf32, #tpu.memory_space<hbm>> -> memref<1x10000x128xf32, #tpu.memory_space<hbm>>
      %dma_wait3A_641 = tpu.memref_squeeze %dma_wait3A_640 : memref<1x10000x128xf32, #tpu.memory_space<hbm>> -> memref<10000x128xf32, #tpu.memory_space<hbm>>
      %dma_wait3A_642 = arith.constant 0 : i32
      %dma_wait3A_643 = arith.constant 0 : i32
      %dma_wait3A_644 = tpu.memref_slice %dma_wait3A_641[%dma_wait3A_642, %dma_wait3A_643] : memref<10000x128xf32, #tpu.memory_space<hbm>> -> memref<10000x128xf32, #tpu.memory_space<hbm>>
      tpu.wait_indirect_dma semaphore(%arg17 : memref<!tpu.dma_semaphore, #tpu.memory_space<semaphore_mem>>) src(%dma_wait3A_644 : memref<10000x128xf32, #tpu.memory_space<hbm>>) dst(%arg12 : memref<64x128xf32, #tpu.memory_space<vmem>>)
      %add3A_645 = arith.constant 2 : i32
      %add3A_646 = arith.addi %add3A_576, %add3A_645 : i32
      "tpu.region"() ({
        %run_scoped3A_689 = tpu.sem_alloc : memref<!tpu.dma_semaphore, #tpu.memory_space<semaphore_mem>>
        %dma_start3A_690 = arith.constant 0 : i32
        %dma_start3A_691 = tpu.memref_slice %arg9[%add3A_646, %dma_start3A_690] : memref<32x64xi32, #tpu.memory_space<vmem>> -> memref<1x64xi32, #tpu.memory_space<vmem>>
        %dma_start3A_692 = tpu.memref_squeeze %dma_start3A_691 : memref<1x64xi32, #tpu.memory_space<vmem>> -> memref<64xi32, #tpu.memory_space<vmem>>
        %dma_start3A_693 = arith.constant 0 : i32
        %dma_start3A_694 = arith.constant 0 : i32
        %dma_start3A_695 = tpu.memref_slice %arg14[%dma_start3A_693, %dma_start3A_694] : memref<10112x128xf32, #tpu.memory_space<vmem_shared>> -> memref<10112x128xf32, #tpu.memory_space<vmem_shared>>
        tpu.enqueue_indirect_dma source(%arg12 : memref<64x128xf32, #tpu.memory_space<vmem>>) target(%dma_start3A_695 : memref<10112x128xf32, #tpu.memory_space<vmem_shared>>) offsets(%dma_start3A_692 : memref<64xi32, #tpu.memory_space<vmem>>) semaphore(%run_scoped3A_689 : memref<!tpu.dma_semaphore, #tpu.memory_space<semaphore_mem>>) {add = true}
        %dma_wait3A_696 = arith.constant 0 : i32
        %dma_wait3A_697 = tpu.memref_slice %arg9[%add3A_646, %dma_wait3A_696] : memref<32x64xi32, #tpu.memory_space<vmem>> -> memref<1x64xi32, #tpu.memory_space<vmem>>
        %dma_wait3A_698 = tpu.memref_squeeze %dma_wait3A_697 : memref<1x64xi32, #tpu.memory_space<vmem>> -> memref<64xi32, #tpu.memory_space<vmem>>
        %dma_wait3A_699 = arith.constant 0 : i32
        %dma_wait3A_700 = arith.constant 0 : i32
        %dma_wait3A_701 = tpu.memref_slice %arg14[%dma_wait3A_699, %dma_wait3A_700] : memref<10112x128xf32, #tpu.memory_space<vmem_shared>> -> memref<10112x128xf32, #tpu.memory_space<vmem_shared>>
        tpu.wait_indirect_dma semaphore(%run_scoped3A_689 : memref<!tpu.dma_semaphore, #tpu.memory_space<semaphore_mem>>) src(%arg12 : memref<64x128xf32, #tpu.memory_space<vmem>>) dst(%dma_wait3A_701 : memref<10112x128xf32, #tpu.memory_space<vmem_shared>>)
        tpu.yield
      }) : () -> ()
      %add3A_647 = arith.constant 2 : i32
      %add3A_648 = arith.addi %add3A_576, %add3A_647 : i32
      %add3A_649 = arith.constant 4 : i32
      %add3A_650 = arith.addi %add3A_648, %add3A_649 : i32
      %dma_start3A_651 = arith.constant 0 : i32
      %dma_start3A_652 = tpu.memref_slice %arg8[%add3A_650, %dma_start3A_651] : memref<32x64xi32, #tpu.memory_space<vmem>> -> memref<1x64xi32, #tpu.memory_space<vmem>>
      %dma_start3A_653 = tpu.memref_squeeze %dma_start3A_652 : memref<1x64xi32, #tpu.memory_space<vmem>> -> memref<64xi32, #tpu.memory_space<vmem>>
      %dma_start3A_654 = arith.constant 0 : i32
      %dma_start3A_655 = arith.constant 0 : i32
      %dma_start3A_656 = tpu.memref_slice %arg2[%arg0, %dma_start3A_654, %dma_start3A_655] : memref<2x10000x128xf32, #tpu.memory_space<hbm>> -> memref<1x10000x128xf32, #tpu.memory_space<hbm>>
      %dma_start3A_657 = tpu.memref_squeeze %dma_start3A_656 : memref<1x10000x128xf32, #tpu.memory_space<hbm>> -> memref<10000x128xf32, #tpu.memory_space<hbm>>
      %dma_start3A_658 = arith.constant 0 : i32
      %dma_start3A_659 = arith.constant 0 : i32
      %dma_start3A_660 = tpu.memref_slice %dma_start3A_657[%dma_start3A_658, %dma_start3A_659] : memref<10000x128xf32, #tpu.memory_space<hbm>> -> memref<10000x128xf32, #tpu.memory_space<hbm>>
      tpu.enqueue_indirect_dma source(%dma_start3A_660 : memref<10000x128xf32, #tpu.memory_space<hbm>>) target(%arg12 : memref<64x128xf32, #tpu.memory_space<vmem>>) offsets(%dma_start3A_653 : memref<64xi32, #tpu.memory_space<vmem>>) semaphore(%arg17 : memref<!tpu.dma_semaphore, #tpu.memory_space<semaphore_mem>>)
      %add3A_661 = arith.constant 3 : i32
      %add3A_662 = arith.addi %add3A_576, %add3A_661 : i32
      %dma_wait3A_663 = arith.constant 0 : i32
      %dma_wait3A_664 = tpu.memref_slice %arg8[%add3A_662, %dma_wait3A_663] : memref<32x64xi32, #tpu.memory_space<vmem>> -> memref<1x64xi32, #tpu.memory_space<vmem>>
      %dma_wait3A_665 = tpu.memref_squeeze %dma_wait3A_664 : memref<1x64xi32, #tpu.memory_space<vmem>> -> memref<64xi32, #tpu.memory_space<vmem>>
      %dma_wait3A_666 = arith.constant 0 : i32
      %dma_wait3A_667 = arith.constant 0 : i32
      %dma_wait3A_668 = tpu.memref_slice %arg2[%arg0, %dma_wait3A_666, %dma_wait3A_667] : memref<2x10000x128xf32, #tpu.memory_space<hbm>> -> memref<1x10000x128xf32, #tpu.memory_space<hbm>>
      %dma_wait3A_669 = tpu.memref_squeeze %dma_wait3A_668 : memref<1x10000x128xf32, #tpu.memory_space<hbm>> -> memref<10000x128xf32, #tpu.memory_space<hbm>>
      %dma_wait3A_670 = arith.constant 0 : i32
      %dma_wait3A_671 = arith.constant 0 : i32
      %dma_wait3A_672 = tpu.memref_slice %dma_wait3A_669[%dma_wait3A_670, %dma_wait3A_671] : memref<10000x128xf32, #tpu.memory_space<hbm>> -> memref<10000x128xf32, #tpu.memory_space<hbm>>
      tpu.wait_indirect_dma semaphore(%arg18 : memref<!tpu.dma_semaphore, #tpu.memory_space<semaphore_mem>>) src(%dma_wait3A_672 : memref<10000x128xf32, #tpu.memory_space<hbm>>) dst(%arg13 : memref<64x128xf32, #tpu.memory_space<vmem>>)
      %add3A_673 = arith.constant 3 : i32
      %add3A_674 = arith.addi %add3A_576, %add3A_673 : i32
      "tpu.region"() ({
        %run_scoped3A_689 = tpu.sem_alloc : memref<!tpu.dma_semaphore, #tpu.memory_space<semaphore_mem>>
        %dma_start3A_690 = arith.constant 0 : i32
        %dma_start3A_691 = tpu.memref_slice %arg9[%add3A_674, %dma_start3A_690] : memref<32x64xi32, #tpu.memory_space<vmem>> -> memref<1x64xi32, #tpu.memory_space<vmem>>
        %dma_start3A_692 = tpu.memref_squeeze %dma_start3A_691 : memref<1x64xi32, #tpu.memory_space<vmem>> -> memref<64xi32, #tpu.memory_space<vmem>>
        %dma_start3A_693 = arith.constant 0 : i32
        %dma_start3A_694 = arith.constant 0 : i32
        %dma_start3A_695 = tpu.memref_slice %arg14[%dma_start3A_693, %dma_start3A_694] : memref<10112x128xf32, #tpu.memory_space<vmem_shared>> -> memref<10112x128xf32, #tpu.memory_space<vmem_shared>>
        tpu.enqueue_indirect_dma source(%arg13 : memref<64x128xf32, #tpu.memory_space<vmem>>) target(%dma_start3A_695 : memref<10112x128xf32, #tpu.memory_space<vmem_shared>>) offsets(%dma_start3A_692 : memref<64xi32, #tpu.memory_space<vmem>>) semaphore(%run_scoped3A_689 : memref<!tpu.dma_semaphore, #tpu.memory_space<semaphore_mem>>) {add = true}
        %dma_wait3A_696 = arith.constant 0 : i32
        %dma_wait3A_697 = tpu.memref_slice %arg9[%add3A_674, %dma_wait3A_696] : memref<32x64xi32, #tpu.memory_space<vmem>> -> memref<1x64xi32, #tpu.memory_space<vmem>>
        %dma_wait3A_698 = tpu.memref_squeeze %dma_wait3A_697 : memref<1x64xi32, #tpu.memory_space<vmem>> -> memref<64xi32, #tpu.memory_space<vmem>>
        %dma_wait3A_699 = arith.constant 0 : i32
        %dma_wait3A_700 = arith.constant 0 : i32
        %dma_wait3A_701 = tpu.memref_slice %arg14[%dma_wait3A_699, %dma_wait3A_700] : memref<10112x128xf32, #tpu.memory_space<vmem_shared>> -> memref<10112x128xf32, #tpu.memory_space<vmem_shared>>
        tpu.wait_indirect_dma semaphore(%run_scoped3A_689 : memref<!tpu.dma_semaphore, #tpu.memory_space<semaphore_mem>>) src(%arg13 : memref<64x128xf32, #tpu.memory_space<vmem>>) dst(%dma_wait3A_701 : memref<10112x128xf32, #tpu.memory_space<vmem_shared>>)
        tpu.yield
      }) : () -> ()
      %add3A_675 = arith.constant 3 : i32
      %add3A_676 = arith.addi %add3A_576, %add3A_675 : i32
      %add3A_677 = arith.constant 4 : i32
      %add3A_678 = arith.addi %add3A_676, %add3A_677 : i32
      %dma_start3A_679 = arith.constant 0 : i32
      %dma_start3A_680 = tpu.memref_slice %arg8[%add3A_678, %dma_start3A_679] : memref<32x64xi32, #tpu.memory_space<vmem>> -> memref<1x64xi32, #tpu.memory_space<vmem>>
      %dma_start3A_681 = tpu.memref_squeeze %dma_start3A_680 : memref<1x64xi32, #tpu.memory_space<vmem>> -> memref<64xi32, #tpu.memory_space<vmem>>
      %dma_start3A_682 = arith.constant 0 : i32
      %dma_start3A_683 = arith.constant 0 : i32
      %dma_start3A_684 = tpu.memref_slice %arg2[%arg0, %dma_start3A_682, %dma_start3A_683] : memref<2x10000x128xf32, #tpu.memory_space<hbm>> -> memref<1x10000x128xf32, #tpu.memory_space<hbm>>
      %dma_start3A_685 = tpu.memref_squeeze %dma_start3A_684 : memref<1x10000x128xf32, #tpu.memory_space<hbm>> -> memref<10000x128xf32, #tpu.memory_space<hbm>>
      %dma_start3A_686 = arith.constant 0 : i32
      %dma_start3A_687 = arith.constant 0 : i32
      %dma_start3A_688 = tpu.memref_slice %dma_start3A_685[%dma_start3A_686, %dma_start3A_687] : memref<10000x128xf32, #tpu.memory_space<hbm>> -> memref<10000x128xf32, #tpu.memory_space<hbm>>
      tpu.enqueue_indirect_dma source(%dma_start3A_688 : memref<10000x128xf32, #tpu.memory_space<hbm>>) target(%arg13 : memref<64x128xf32, #tpu.memory_space<vmem>>) offsets(%dma_start3A_681 : memref<64xi32, #tpu.memory_space<vmem>>) semaphore(%arg18 : memref<!tpu.dma_semaphore, #tpu.memory_space<semaphore_mem>>)
    }
    %scan3A_183 = arith.constant 7 : i32
    %dma_wait3A_184 = arith.constant 0 : i32
    %dma_wait3A_185 = tpu.memref_slice %arg3[%add3A_170, %dma_wait3A_184] : memref<2560x64xi32, #tpu.memory_space<hbm>> -> memref<32x64xi32, #tpu.memory_space<hbm>>
    %dma_wait3A_186 = arith.constant 0 : i32
    %dma_wait3A_187 = tpu.memref_slice %arg3[%add3A_170, %dma_wait3A_186] : memref<2560x64xi32, #tpu.memory_space<hbm>> -> memref<32x64xi32, #tpu.memory_space<hbm>>
    tpu.wait_dma2 semaphore(%arg19 : memref<!tpu.dma_semaphore, #tpu.memory_space<semaphore_mem>>) src(%dma_wait3A_187 : memref<32x64xi32, #tpu.memory_space<hbm>>) dst(%arg6 : memref<32x64xi32, #tpu.memory_space<vmem>>)
    %dma_wait3A_188 = arith.constant 0 : i32
    %dma_wait3A_189 = tpu.memref_slice %arg4[%add3A_170, %dma_wait3A_188] : memref<2560x64xi32, #tpu.memory_space<hbm>> -> memref<32x64xi32, #tpu.memory_space<hbm>>
    %dma_wait3A_190 = arith.constant 0 : i32
    %dma_wait3A_191 = tpu.memref_slice %arg4[%add3A_170, %dma_wait3A_190] : memref<2560x64xi32, #tpu.memory_space<hbm>> -> memref<32x64xi32, #tpu.memory_space<hbm>>
    tpu.wait_dma2 semaphore(%arg20 : memref<!tpu.dma_semaphore, #tpu.memory_space<semaphore_mem>>) src(%dma_wait3A_191 : memref<32x64xi32, #tpu.memory_space<hbm>>) dst(%arg7 : memref<32x64xi32, #tpu.memory_space<vmem>>)
    %dma_wait3A_192 = arith.constant 28 : i32
    %dma_wait3A_193 = arith.constant 0 : i32
    %dma_wait3A_194 = tpu.memref_slice %arg8[%dma_wait3A_192, %dma_wait3A_193] : memref<32x64xi32, #tpu.memory_space<vmem>> -> memref<1x64xi32, #tpu.memory_space<vmem>>
    %dma_wait3A_195 = tpu.memref_squeeze %dma_wait3A_194 : memref<1x64xi32, #tpu.memory_space<vmem>> -> memref<64xi32, #tpu.memory_space<vmem>>
    %dma_wait3A_196 = arith.constant 0 : i32
    %dma_wait3A_197 = arith.constant 0 : i32
    %dma_wait3A_198 = tpu.memref_slice %arg2[%arg0, %dma_wait3A_196, %dma_wait3A_197] : memref<2x10000x128xf32, #tpu.memory_space<hbm>> -> memref<1x10000x128xf32, #tpu.memory_space<hbm>>
    %dma_wait3A_199 = tpu.memref_squeeze %dma_wait3A_198 : memref<1x10000x128xf32, #tpu.memory_space<hbm>> -> memref<10000x128xf32, #tpu.memory_space<hbm>>
    %dma_wait3A_200 = arith.constant 0 : i32
    %dma_wait3A_201 = arith.constant 0 : i32
    %dma_wait3A_202 = tpu.memref_slice %dma_wait3A_199[%dma_wait3A_200, %dma_wait3A_201] : memref<10000x128xf32, #tpu.memory_space<hbm>> -> memref<10000x128xf32, #tpu.memory_space<hbm>>
    tpu.wait_indirect_dma semaphore(%arg15 : memref<!tpu.dma_semaphore, #tpu.memory_space<semaphore_mem>>) src(%dma_wait3A_202 : memref<10000x128xf32, #tpu.memory_space<hbm>>) dst(%arg10 : memref<64x128xf32, #tpu.memory_space<vmem>>)
    %run_scoped3A_203 = arith.constant 28 : i32
    "tpu.region"() ({
      %run_scoped3A_572 = tpu.sem_alloc : memref<!tpu.dma_semaphore, #tpu.memory_space<semaphore_mem>>
      %dma_start3A_573 = arith.constant 0 : i32
      %dma_start3A_574 = tpu.memref_slice %arg9[%run_scoped3A_203, %dma_start3A_573] : memref<32x64xi32, #tpu.memory_space<vmem>> -> memref<1x64xi32, #tpu.memory_space<vmem>>
      %dma_start3A_575 = tpu.memref_squeeze %dma_start3A_574 : memref<1x64xi32, #tpu.memory_space<vmem>> -> memref<64xi32, #tpu.memory_space<vmem>>
      %dma_start3A_576 = arith.constant 0 : i32
      %dma_start3A_577 = arith.constant 0 : i32
      %dma_start3A_578 = tpu.memref_slice %arg14[%dma_start3A_576, %dma_start3A_577] : memref<10112x128xf32, #tpu.memory_space<vmem_shared>> -> memref<10112x128xf32, #tpu.memory_space<vmem_shared>>
      tpu.enqueue_indirect_dma source(%arg10 : memref<64x128xf32, #tpu.memory_space<vmem>>) target(%dma_start3A_578 : memref<10112x128xf32, #tpu.memory_space<vmem_shared>>) offsets(%dma_start3A_575 : memref<64xi32, #tpu.memory_space<vmem>>) semaphore(%run_scoped3A_572 : memref<!tpu.dma_semaphore, #tpu.memory_space<semaphore_mem>>) {add = true}
      %dma_wait3A_579 = arith.constant 0 : i32
      %dma_wait3A_580 = tpu.memref_slice %arg9[%run_scoped3A_203, %dma_wait3A_579] : memref<32x64xi32, #tpu.memory_space<vmem>> -> memref<1x64xi32, #tpu.memory_space<vmem>>
      %dma_wait3A_581 = tpu.memref_squeeze %dma_wait3A_580 : memref<1x64xi32, #tpu.memory_space<vmem>> -> memref<64xi32, #tpu.memory_space<vmem>>
      %dma_wait3A_582 = arith.constant 0 : i32
      %dma_wait3A_583 = arith.constant 0 : i32
      %dma_wait3A_584 = tpu.memref_slice %arg14[%dma_wait3A_582, %dma_wait3A_583] : memref<10112x128xf32, #tpu.memory_space<vmem_shared>> -> memref<10112x128xf32, #tpu.memory_space<vmem_shared>>
      tpu.wait_indirect_dma semaphore(%run_scoped3A_572 : memref<!tpu.dma_semaphore, #tpu.memory_space<semaphore_mem>>) src(%arg10 : memref<64x128xf32, #tpu.memory_space<vmem>>) dst(%dma_wait3A_584 : memref<10112x128xf32, #tpu.memory_space<vmem_shared>>)
      tpu.yield
    }) : () -> ()
    %dma_start3A_204 = arith.constant 0 : i32
    %dma_start3A_205 = arith.constant 0 : i32
    %dma_start3A_206 = tpu.memref_slice %arg6[%dma_start3A_204, %dma_start3A_205] : memref<32x64xi32, #tpu.memory_space<vmem>> -> memref<1x64xi32, #tpu.memory_space<vmem>>
    %dma_start3A_207 = tpu.memref_squeeze %dma_start3A_206 : memref<1x64xi32, #tpu.memory_space<vmem>> -> memref<64xi32, #tpu.memory_space<vmem>>
    %dma_start3A_208 = arith.constant 0 : i32
    %dma_start3A_209 = arith.constant 0 : i32
    %dma_start3A_210 = tpu.memref_slice %arg2[%arg0, %dma_start3A_208, %dma_start3A_209] : memref<2x10000x128xf32, #tpu.memory_space<hbm>> -> memref<1x10000x128xf32, #tpu.memory_space<hbm>>
    %dma_start3A_211 = tpu.memref_squeeze %dma_start3A_210 : memref<1x10000x128xf32, #tpu.memory_space<hbm>> -> memref<10000x128xf32, #tpu.memory_space<hbm>>
    %dma_start3A_212 = arith.constant 0 : i32
    %dma_start3A_213 = arith.constant 0 : i32
    %dma_start3A_214 = tpu.memref_slice %dma_start3A_211[%dma_start3A_212, %dma_start3A_213] : memref<10000x128xf32, #tpu.memory_space<hbm>> -> memref<10000x128xf32, #tpu.memory_space<hbm>>
    tpu.enqueue_indirect_dma source(%dma_start3A_214 : memref<10000x128xf32, #tpu.memory_space<hbm>>) target(%arg10 : memref<64x128xf32, #tpu.memory_space<vmem>>) offsets(%dma_start3A_207 : memref<64xi32, #tpu.memory_space<vmem>>) semaphore(%arg15 : memref<!tpu.dma_semaphore, #tpu.memory_space<semaphore_mem>>)
    %dma_wait3A_215 = arith.constant 29 : i32
    %dma_wait3A_216 = arith.constant 0 : i32
    %dma_wait3A_217 = tpu.memref_slice %arg8[%dma_wait3A_215, %dma_wait3A_216] : memref<32x64xi32, #tpu.memory_space<vmem>> -> memref<1x64xi32, #tpu.memory_space<vmem>>
    %dma_wait3A_218 = tpu.memref_squeeze %dma_wait3A_217 : memref<1x64xi32, #tpu.memory_space<vmem>> -> memref<64xi32, #tpu.memory_space<vmem>>
    %dma_wait3A_219 = arith.constant 0 : i32
    %dma_wait3A_220 = arith.constant 0 : i32
    %dma_wait3A_221 = tpu.memref_slice %arg2[%arg0, %dma_wait3A_219, %dma_wait3A_220] : memref<2x10000x128xf32, #tpu.memory_space<hbm>> -> memref<1x10000x128xf32, #tpu.memory_space<hbm>>
    %dma_wait3A_222 = tpu.memref_squeeze %dma_wait3A_221 : memref<1x10000x128xf32, #tpu.memory_space<hbm>> -> memref<10000x128xf32, #tpu.memory_space<hbm>>
    %dma_wait3A_223 = arith.constant 0 : i32
    %dma_wait3A_224 = arith.constant 0 : i32
    %dma_wait3A_225 = tpu.memref_slice %dma_wait3A_222[%dma_wait3A_223, %dma_wait3A_224] : memref<10000x128xf32, #tpu.memory_space<hbm>> -> memref<10000x128xf32, #tpu.memory_space<hbm>>
    tpu.wait_indirect_dma semaphore(%arg16 : memref<!tpu.dma_semaphore, #tpu.memory_space<semaphore_mem>>) src(%dma_wait3A_225 : memref<10000x128xf32, #tpu.memory_space<hbm>>) dst(%arg11 : memref<64x128xf32, #tpu.memory_space<vmem>>)
    %run_scoped3A_226 = arith.constant 29 : i32
    "tpu.region"() ({
      %run_scoped3A_572 = tpu.sem_alloc : memref<!tpu.dma_semaphore, #tpu.memory_space<semaphore_mem>>
      %dma_start3A_573 = arith.constant 0 : i32
      %dma_start3A_574 = tpu.memref_slice %arg9[%run_scoped3A_226, %dma_start3A_573] : memref<32x64xi32, #tpu.memory_space<vmem>> -> memref<1x64xi32, #tpu.memory_space<vmem>>
      %dma_start3A_575 = tpu.memref_squeeze %dma_start3A_574 : memref<1x64xi32, #tpu.memory_space<vmem>> -> memref<64xi32, #tpu.memory_space<vmem>>
      %dma_start3A_576 = arith.constant 0 : i32
      %dma_start3A_577 = arith.constant 0 : i32
      %dma_start3A_578 = tpu.memref_slice %arg14[%dma_start3A_576, %dma_start3A_577] : memref<10112x128xf32, #tpu.memory_space<vmem_shared>> -> memref<10112x128xf32, #tpu.memory_space<vmem_shared>>
      tpu.enqueue_indirect_dma source(%arg11 : memref<64x128xf32, #tpu.memory_space<vmem>>) target(%dma_start3A_578 : memref<10112x128xf32, #tpu.memory_space<vmem_shared>>) offsets(%dma_start3A_575 : memref<64xi32, #tpu.memory_space<vmem>>) semaphore(%run_scoped3A_572 : memref<!tpu.dma_semaphore, #tpu.memory_space<semaphore_mem>>) {add = true}
      %dma_wait3A_579 = arith.constant 0 : i32
      %dma_wait3A_580 = tpu.memref_slice %arg9[%run_scoped3A_226, %dma_wait3A_579] : memref<32x64xi32, #tpu.memory_space<vmem>> -> memref<1x64xi32, #tpu.memory_space<vmem>>
      %dma_wait3A_581 = tpu.memref_squeeze %dma_wait3A_580 : memref<1x64xi32, #tpu.memory_space<vmem>> -> memref<64xi32, #tpu.memory_space<vmem>>
      %dma_wait3A_582 = arith.constant 0 : i32
      %dma_wait3A_583 = arith.constant 0 : i32
      %dma_wait3A_584 = tpu.memref_slice %arg14[%dma_wait3A_582, %dma_wait3A_583] : memref<10112x128xf32, #tpu.memory_space<vmem_shared>> -> memref<10112x128xf32, #tpu.memory_space<vmem_shared>>
      tpu.wait_indirect_dma semaphore(%run_scoped3A_572 : memref<!tpu.dma_semaphore, #tpu.memory_space<semaphore_mem>>) src(%arg11 : memref<64x128xf32, #tpu.memory_space<vmem>>) dst(%dma_wait3A_584 : memref<10112x128xf32, #tpu.memory_space<vmem_shared>>)
      tpu.yield
    }) : () -> ()
    %dma_start3A_227 = arith.constant 1 : i32
    %dma_start3A_228 = arith.constant 0 : i32
    %dma_start3A_229 = tpu.memref_slice %arg6[%dma_start3A_227, %dma_start3A_228] : memref<32x64xi32, #tpu.memory_space<vmem>> -> memref<1x64xi32, #tpu.memory_space<vmem>>
    %dma_start3A_230 = tpu.memref_squeeze %dma_start3A_229 : memref<1x64xi32, #tpu.memory_space<vmem>> -> memref<64xi32, #tpu.memory_space<vmem>>
    %dma_start3A_231 = arith.constant 0 : i32
    %dma_start3A_232 = arith.constant 0 : i32
    %dma_start3A_233 = tpu.memref_slice %arg2[%arg0, %dma_start3A_231, %dma_start3A_232] : memref<2x10000x128xf32, #tpu.memory_space<hbm>> -> memref<1x10000x128xf32, #tpu.memory_space<hbm>>
    %dma_start3A_234 = tpu.memref_squeeze %dma_start3A_233 : memref<1x10000x128xf32, #tpu.memory_space<hbm>> -> memref<10000x128xf32, #tpu.memory_space<hbm>>
    %dma_start3A_235 = arith.constant 0 : i32
    %dma_start3A_236 = arith.constant 0 : i32
    %dma_start3A_237 = tpu.memref_slice %dma_start3A_234[%dma_start3A_235, %dma_start3A_236] : memref<10000x128xf32, #tpu.memory_space<hbm>> -> memref<10000x128xf32, #tpu.memory_space<hbm>>
    tpu.enqueue_indirect_dma source(%dma_start3A_237 : memref<10000x128xf32, #tpu.memory_space<hbm>>) target(%arg11 : memref<64x128xf32, #tpu.memory_space<vmem>>) offsets(%dma_start3A_230 : memref<64xi32, #tpu.memory_space<vmem>>) semaphore(%arg16 : memref<!tpu.dma_semaphore, #tpu.memory_space<semaphore_mem>>)
    %dma_wait3A_238 = arith.constant 30 : i32
    %dma_wait3A_239 = arith.constant 0 : i32
    %dma_wait3A_240 = tpu.memref_slice %arg8[%dma_wait3A_238, %dma_wait3A_239] : memref<32x64xi32, #tpu.memory_space<vmem>> -> memref<1x64xi32, #tpu.memory_space<vmem>>
    %dma_wait3A_241 = tpu.memref_squeeze %dma_wait3A_240 : memref<1x64xi32, #tpu.memory_space<vmem>> -> memref<64xi32, #tpu.memory_space<vmem>>
    %dma_wait3A_242 = arith.constant 0 : i32
    %dma_wait3A_243 = arith.constant 0 : i32
    %dma_wait3A_244 = tpu.memref_slice %arg2[%arg0, %dma_wait3A_242, %dma_wait3A_243] : memref<2x10000x128xf32, #tpu.memory_space<hbm>> -> memref<1x10000x128xf32, #tpu.memory_space<hbm>>
    %dma_wait3A_245 = tpu.memref_squeeze %dma_wait3A_244 : memref<1x10000x128xf32, #tpu.memory_space<hbm>> -> memref<10000x128xf32, #tpu.memory_space<hbm>>
    %dma_wait3A_246 = arith.constant 0 : i32
    %dma_wait3A_247 = arith.constant 0 : i32
    %dma_wait3A_248 = tpu.memref_slice %dma_wait3A_245[%dma_wait3A_246, %dma_wait3A_247] : memref<10000x128xf32, #tpu.memory_space<hbm>> -> memref<10000x128xf32, #tpu.memory_space<hbm>>
    tpu.wait_indirect_dma semaphore(%arg17 : memref<!tpu.dma_semaphore, #tpu.memory_space<semaphore_mem>>) src(%dma_wait3A_248 : memref<10000x128xf32, #tpu.memory_space<hbm>>) dst(%arg12 : memref<64x128xf32, #tpu.memory_space<vmem>>)
    %run_scoped3A_249 = arith.constant 30 : i32
    "tpu.region"() ({
      %run_scoped3A_572 = tpu.sem_alloc : memref<!tpu.dma_semaphore, #tpu.memory_space<semaphore_mem>>
      %dma_start3A_573 = arith.constant 0 : i32
      %dma_start3A_574 = tpu.memref_slice %arg9[%run_scoped3A_249, %dma_start3A_573] : memref<32x64xi32, #tpu.memory_space<vmem>> -> memref<1x64xi32, #tpu.memory_space<vmem>>
      %dma_start3A_575 = tpu.memref_squeeze %dma_start3A_574 : memref<1x64xi32, #tpu.memory_space<vmem>> -> memref<64xi32, #tpu.memory_space<vmem>>
      %dma_start3A_576 = arith.constant 0 : i32
      %dma_start3A_577 = arith.constant 0 : i32
      %dma_start3A_578 = tpu.memref_slice %arg14[%dma_start3A_576, %dma_start3A_577] : memref<10112x128xf32, #tpu.memory_space<vmem_shared>> -> memref<10112x128xf32, #tpu.memory_space<vmem_shared>>
      tpu.enqueue_indirect_dma source(%arg12 : memref<64x128xf32, #tpu.memory_space<vmem>>) target(%dma_start3A_578 : memref<10112x128xf32, #tpu.memory_space<vmem_shared>>) offsets(%dma_start3A_575 : memref<64xi32, #tpu.memory_space<vmem>>) semaphore(%run_scoped3A_572 : memref<!tpu.dma_semaphore, #tpu.memory_space<semaphore_mem>>) {add = true}
      %dma_wait3A_579 = arith.constant 0 : i32
      %dma_wait3A_580 = tpu.memref_slice %arg9[%run_scoped3A_249, %dma_wait3A_579] : memref<32x64xi32, #tpu.memory_space<vmem>> -> memref<1x64xi32, #tpu.memory_space<vmem>>
      %dma_wait3A_581 = tpu.memref_squeeze %dma_wait3A_580 : memref<1x64xi32, #tpu.memory_space<vmem>> -> memref<64xi32, #tpu.memory_space<vmem>>
      %dma_wait3A_582 = arith.constant 0 : i32
      %dma_wait3A_583 = arith.constant 0 : i32
      %dma_wait3A_584 = tpu.memref_slice %arg14[%dma_wait3A_582, %dma_wait3A_583] : memref<10112x128xf32, #tpu.memory_space<vmem_shared>> -> memref<10112x128xf32, #tpu.memory_space<vmem_shared>>
      tpu.wait_indirect_dma semaphore(%run_scoped3A_572 : memref<!tpu.dma_semaphore, #tpu.memory_space<semaphore_mem>>) src(%arg12 : memref<64x128xf32, #tpu.memory_space<vmem>>) dst(%dma_wait3A_584 : memref<10112x128xf32, #tpu.memory_space<vmem_shared>>)
      tpu.yield
    }) : () -> ()
    %dma_start3A_250 = arith.constant 2 : i32
    %dma_start3A_251 = arith.constant 0 : i32
    %dma_start3A_252 = tpu.memref_slice %arg6[%dma_start3A_250, %dma_start3A_251] : memref<32x64xi32, #tpu.memory_space<vmem>> -> memref<1x64xi32, #tpu.memory_space<vmem>>
    %dma_start3A_253 = tpu.memref_squeeze %dma_start3A_252 : memref<1x64xi32, #tpu.memory_space<vmem>> -> memref<64xi32, #tpu.memory_space<vmem>>
    %dma_start3A_254 = arith.constant 0 : i32
    %dma_start3A_255 = arith.constant 0 : i32
    %dma_start3A_256 = tpu.memref_slice %arg2[%arg0, %dma_start3A_254, %dma_start3A_255] : memref<2x10000x128xf32, #tpu.memory_space<hbm>> -> memref<1x10000x128xf32, #tpu.memory_space<hbm>>
    %dma_start3A_257 = tpu.memref_squeeze %dma_start3A_256 : memref<1x10000x128xf32, #tpu.memory_space<hbm>> -> memref<10000x128xf32, #tpu.memory_space<hbm>>
    %dma_start3A_258 = arith.constant 0 : i32
    %dma_start3A_259 = arith.constant 0 : i32
    %dma_start3A_260 = tpu.memref_slice %dma_start3A_257[%dma_start3A_258, %dma_start3A_259] : memref<10000x128xf32, #tpu.memory_space<hbm>> -> memref<10000x128xf32, #tpu.memory_space<hbm>>
    tpu.enqueue_indirect_dma source(%dma_start3A_260 : memref<10000x128xf32, #tpu.memory_space<hbm>>) target(%arg12 : memref<64x128xf32, #tpu.memory_space<vmem>>) offsets(%dma_start3A_253 : memref<64xi32, #tpu.memory_space<vmem>>) semaphore(%arg17 : memref<!tpu.dma_semaphore, #tpu.memory_space<semaphore_mem>>)
    %dma_wait3A_261 = arith.constant 31 : i32
    %dma_wait3A_262 = arith.constant 0 : i32
    %dma_wait3A_263 = tpu.memref_slice %arg8[%dma_wait3A_261, %dma_wait3A_262] : memref<32x64xi32, #tpu.memory_space<vmem>> -> memref<1x64xi32, #tpu.memory_space<vmem>>
    %dma_wait3A_264 = tpu.memref_squeeze %dma_wait3A_263 : memref<1x64xi32, #tpu.memory_space<vmem>> -> memref<64xi32, #tpu.memory_space<vmem>>
    %dma_wait3A_265 = arith.constant 0 : i32
    %dma_wait3A_266 = arith.constant 0 : i32
    %dma_wait3A_267 = tpu.memref_slice %arg2[%arg0, %dma_wait3A_265, %dma_wait3A_266] : memref<2x10000x128xf32, #tpu.memory_space<hbm>> -> memref<1x10000x128xf32, #tpu.memory_space<hbm>>
    %dma_wait3A_268 = tpu.memref_squeeze %dma_wait3A_267 : memref<1x10000x128xf32, #tpu.memory_space<hbm>> -> memref<10000x128xf32, #tpu.memory_space<hbm>>
    %dma_wait3A_269 = arith.constant 0 : i32
    %dma_wait3A_270 = arith.constant 0 : i32
    %dma_wait3A_271 = tpu.memref_slice %dma_wait3A_268[%dma_wait3A_269, %dma_wait3A_270] : memref<10000x128xf32, #tpu.memory_space<hbm>> -> memref<10000x128xf32, #tpu.memory_space<hbm>>
    tpu.wait_indirect_dma semaphore(%arg18 : memref<!tpu.dma_semaphore, #tpu.memory_space<semaphore_mem>>) src(%dma_wait3A_271 : memref<10000x128xf32, #tpu.memory_space<hbm>>) dst(%arg13 : memref<64x128xf32, #tpu.memory_space<vmem>>)
    %run_scoped3A_272 = arith.constant 31 : i32
    "tpu.region"() ({
      %run_scoped3A_572 = tpu.sem_alloc : memref<!tpu.dma_semaphore, #tpu.memory_space<semaphore_mem>>
      %dma_start3A_573 = arith.constant 0 : i32
      %dma_start3A_574 = tpu.memref_slice %arg9[%run_scoped3A_272, %dma_start3A_573] : memref<32x64xi32, #tpu.memory_space<vmem>> -> memref<1x64xi32, #tpu.memory_space<vmem>>
      %dma_start3A_575 = tpu.memref_squeeze %dma_start3A_574 : memref<1x64xi32, #tpu.memory_space<vmem>> -> memref<64xi32, #tpu.memory_space<vmem>>
      %dma_start3A_576 = arith.constant 0 : i32
      %dma_start3A_577 = arith.constant 0 : i32
      %dma_start3A_578 = tpu.memref_slice %arg14[%dma_start3A_576, %dma_start3A_577] : memref<10112x128xf32, #tpu.memory_space<vmem_shared>> -> memref<10112x128xf32, #tpu.memory_space<vmem_shared>>
      tpu.enqueue_indirect_dma source(%arg13 : memref<64x128xf32, #tpu.memory_space<vmem>>) target(%dma_start3A_578 : memref<10112x128xf32, #tpu.memory_space<vmem_shared>>) offsets(%dma_start3A_575 : memref<64xi32, #tpu.memory_space<vmem>>) semaphore(%run_scoped3A_572 : memref<!tpu.dma_semaphore, #tpu.memory_space<semaphore_mem>>) {add = true}
      %dma_wait3A_579 = arith.constant 0 : i32
      %dma_wait3A_580 = tpu.memref_slice %arg9[%run_scoped3A_272, %dma_wait3A_579] : memref<32x64xi32, #tpu.memory_space<vmem>> -> memref<1x64xi32, #tpu.memory_space<vmem>>
      %dma_wait3A_581 = tpu.memref_squeeze %dma_wait3A_580 : memref<1x64xi32, #tpu.memory_space<vmem>> -> memref<64xi32, #tpu.memory_space<vmem>>
      %dma_wait3A_582 = arith.constant 0 : i32
      %dma_wait3A_583 = arith.constant 0 : i32
      %dma_wait3A_584 = tpu.memref_slice %arg14[%dma_wait3A_582, %dma_wait3A_583] : memref<10112x128xf32, #tpu.memory_space<vmem_shared>> -> memref<10112x128xf32, #tpu.memory_space<vmem_shared>>
      tpu.wait_indirect_dma semaphore(%run_scoped3A_572 : memref<!tpu.dma_semaphore, #tpu.memory_space<semaphore_mem>>) src(%arg13 : memref<64x128xf32, #tpu.memory_space<vmem>>) dst(%dma_wait3A_584 : memref<10112x128xf32, #tpu.memory_space<vmem_shared>>)
      tpu.yield
    }) : () -> ()
    %dma_start3A_273 = arith.constant 3 : i32
    %dma_start3A_274 = arith.constant 0 : i32
    %dma_start3A_275 = tpu.memref_slice %arg6[%dma_start3A_273, %dma_start3A_274] : memref<32x64xi32, #tpu.memory_space<vmem>> -> memref<1x64xi32, #tpu.memory_space<vmem>>
    %dma_start3A_276 = tpu.memref_squeeze %dma_start3A_275 : memref<1x64xi32, #tpu.memory_space<vmem>> -> memref<64xi32, #tpu.memory_space<vmem>>
    %dma_start3A_277 = arith.constant 0 : i32
    %dma_start3A_278 = arith.constant 0 : i32
    %dma_start3A_279 = tpu.memref_slice %arg2[%arg0, %dma_start3A_277, %dma_start3A_278] : memref<2x10000x128xf32, #tpu.memory_space<hbm>> -> memref<1x10000x128xf32, #tpu.memory_space<hbm>>
    %dma_start3A_280 = tpu.memref_squeeze %dma_start3A_279 : memref<1x10000x128xf32, #tpu.memory_space<hbm>> -> memref<10000x128xf32, #tpu.memory_space<hbm>>
    %dma_start3A_281 = arith.constant 0 : i32
    %dma_start3A_282 = arith.constant 0 : i32
    %dma_start3A_283 = tpu.memref_slice %dma_start3A_280[%dma_start3A_281, %dma_start3A_282] : memref<10000x128xf32, #tpu.memory_space<hbm>> -> memref<10000x128xf32, #tpu.memory_space<hbm>>
    tpu.enqueue_indirect_dma source(%dma_start3A_283 : memref<10000x128xf32, #tpu.memory_space<hbm>>) target(%arg13 : memref<64x128xf32, #tpu.memory_space<vmem>>) offsets(%dma_start3A_276 : memref<64xi32, #tpu.memory_space<vmem>>) semaphore(%arg18 : memref<!tpu.dma_semaphore, #tpu.memory_space<semaphore_mem>>)
    %add3A_284 = arith.constant 96 : i32
    %add3A_285 = arith.addi %mul3A_12, %add3A_284 : i32
    %dma_start3A_286 = arith.constant 0 : i32
    %dma_start3A_287 = tpu.memref_slice %arg3[%add3A_285, %dma_start3A_286] : memref<2560x64xi32, #tpu.memory_space<hbm>> -> memref<32x64xi32, #tpu.memory_space<hbm>>
    %dma_start3A_288 = arith.constant 0 : i32
    %dma_start3A_289 = tpu.memref_slice %arg3[%add3A_285, %dma_start3A_288] : memref<2560x64xi32, #tpu.memory_space<hbm>> -> memref<32x64xi32, #tpu.memory_space<hbm>>
    tpu.enqueue_dma source(%dma_start3A_289 : memref<32x64xi32, #tpu.memory_space<hbm>>) target(%arg8 : memref<32x64xi32, #tpu.memory_space<vmem>>) target_semaphore(%arg19 : memref<!tpu.dma_semaphore, #tpu.memory_space<semaphore_mem>>)
    %dma_start3A_290 = arith.constant 0 : i32
    %dma_start3A_291 = tpu.memref_slice %arg4[%add3A_285, %dma_start3A_290] : memref<2560x64xi32, #tpu.memory_space<hbm>> -> memref<32x64xi32, #tpu.memory_space<hbm>>
    %dma_start3A_292 = arith.constant 0 : i32
    %dma_start3A_293 = tpu.memref_slice %arg4[%add3A_285, %dma_start3A_292] : memref<2560x64xi32, #tpu.memory_space<hbm>> -> memref<32x64xi32, #tpu.memory_space<hbm>>
    tpu.enqueue_dma source(%dma_start3A_293 : memref<32x64xi32, #tpu.memory_space<hbm>>) target(%arg9 : memref<32x64xi32, #tpu.memory_space<vmem>>) target_semaphore(%arg20 : memref<!tpu.dma_semaphore, #tpu.memory_space<semaphore_mem>>)
    %scan3A_294 = arith.constant 0 : i32
    %scan3A_295 = arith.constant 7 : i32
    %scan3A_296 = arith.addi %scan3A_294, %scan3A_295 : i32
    %scan3A_297 = arith.constant 1 : i32
    scf.for %scan3A_572 = %scan3A_294 to %scan3A_296 step %scan3A_297  : i32 {
      %mul3A_573 = arith.constant 4 : i32
      %mul3A_574 = arith.muli %scan3A_572, %mul3A_573 : i32
      %add3A_575 = arith.constant 0 : i32
      %add3A_576 = arith.addi %add3A_575, %mul3A_574 : i32
      %add3A_577 = arith.constant 0 : i32
      %add3A_578 = arith.addi %add3A_576, %add3A_577 : i32
      %dma_wait3A_579 = arith.constant 0 : i32
      %dma_wait3A_580 = tpu.memref_slice %arg6[%add3A_578, %dma_wait3A_579] : memref<32x64xi32, #tpu.memory_space<vmem>> -> memref<1x64xi32, #tpu.memory_space<vmem>>
      %dma_wait3A_581 = tpu.memref_squeeze %dma_wait3A_580 : memref<1x64xi32, #tpu.memory_space<vmem>> -> memref<64xi32, #tpu.memory_space<vmem>>
      %dma_wait3A_582 = arith.constant 0 : i32
      %dma_wait3A_583 = arith.constant 0 : i32
      %dma_wait3A_584 = tpu.memref_slice %arg2[%arg0, %dma_wait3A_582, %dma_wait3A_583] : memref<2x10000x128xf32, #tpu.memory_space<hbm>> -> memref<1x10000x128xf32, #tpu.memory_space<hbm>>
      %dma_wait3A_585 = tpu.memref_squeeze %dma_wait3A_584 : memref<1x10000x128xf32, #tpu.memory_space<hbm>> -> memref<10000x128xf32, #tpu.memory_space<hbm>>
      %dma_wait3A_586 = arith.constant 0 : i32
      %dma_wait3A_587 = arith.constant 0 : i32
      %dma_wait3A_588 = tpu.memref_slice %dma_wait3A_585[%dma_wait3A_586, %dma_wait3A_587] : memref<10000x128xf32, #tpu.memory_space<hbm>> -> memref<10000x128xf32, #tpu.memory_space<hbm>>
      tpu.wait_indirect_dma semaphore(%arg15 : memref<!tpu.dma_semaphore, #tpu.memory_space<semaphore_mem>>) src(%dma_wait3A_588 : memref<10000x128xf32, #tpu.memory_space<hbm>>) dst(%arg10 : memref<64x128xf32, #tpu.memory_space<vmem>>)
      %add3A_589 = arith.constant 0 : i32
      %add3A_590 = arith.addi %add3A_576, %add3A_589 : i32
      "tpu.region"() ({
        %run_scoped3A_689 = tpu.sem_alloc : memref<!tpu.dma_semaphore, #tpu.memory_space<semaphore_mem>>
        %dma_start3A_690 = arith.constant 0 : i32
        %dma_start3A_691 = tpu.memref_slice %arg7[%add3A_590, %dma_start3A_690] : memref<32x64xi32, #tpu.memory_space<vmem>> -> memref<1x64xi32, #tpu.memory_space<vmem>>
        %dma_start3A_692 = tpu.memref_squeeze %dma_start3A_691 : memref<1x64xi32, #tpu.memory_space<vmem>> -> memref<64xi32, #tpu.memory_space<vmem>>
        %dma_start3A_693 = arith.constant 0 : i32
        %dma_start3A_694 = arith.constant 0 : i32
        %dma_start3A_695 = tpu.memref_slice %arg14[%dma_start3A_693, %dma_start3A_694] : memref<10112x128xf32, #tpu.memory_space<vmem_shared>> -> memref<10112x128xf32, #tpu.memory_space<vmem_shared>>
        tpu.enqueue_indirect_dma source(%arg10 : memref<64x128xf32, #tpu.memory_space<vmem>>) target(%dma_start3A_695 : memref<10112x128xf32, #tpu.memory_space<vmem_shared>>) offsets(%dma_start3A_692 : memref<64xi32, #tpu.memory_space<vmem>>) semaphore(%run_scoped3A_689 : memref<!tpu.dma_semaphore, #tpu.memory_space<semaphore_mem>>) {add = true}
        %dma_wait3A_696 = arith.constant 0 : i32
        %dma_wait3A_697 = tpu.memref_slice %arg7[%add3A_590, %dma_wait3A_696] : memref<32x64xi32, #tpu.memory_space<vmem>> -> memref<1x64xi32, #tpu.memory_space<vmem>>
        %dma_wait3A_698 = tpu.memref_squeeze %dma_wait3A_697 : memref<1x64xi32, #tpu.memory_space<vmem>> -> memref<64xi32, #tpu.memory_space<vmem>>
        %dma_wait3A_699 = arith.constant 0 : i32
        %dma_wait3A_700 = arith.constant 0 : i32
        %dma_wait3A_701 = tpu.memref_slice %arg14[%dma_wait3A_699, %dma_wait3A_700] : memref<10112x128xf32, #tpu.memory_space<vmem_shared>> -> memref<10112x128xf32, #tpu.memory_space<vmem_shared>>
        tpu.wait_indirect_dma semaphore(%run_scoped3A_689 : memref<!tpu.dma_semaphore, #tpu.memory_space<semaphore_mem>>) src(%arg10 : memref<64x128xf32, #tpu.memory_space<vmem>>) dst(%dma_wait3A_701 : memref<10112x128xf32, #tpu.memory_space<vmem_shared>>)
        tpu.yield
      }) : () -> ()
      %add3A_591 = arith.constant 0 : i32
      %add3A_592 = arith.addi %add3A_576, %add3A_591 : i32
      %add3A_593 = arith.constant 4 : i32
      %add3A_594 = arith.addi %add3A_592, %add3A_593 : i32
      %dma_start3A_595 = arith.constant 0 : i32
      %dma_start3A_596 = tpu.memref_slice %arg6[%add3A_594, %dma_start3A_595] : memref<32x64xi32, #tpu.memory_space<vmem>> -> memref<1x64xi32, #tpu.memory_space<vmem>>
      %dma_start3A_597 = tpu.memref_squeeze %dma_start3A_596 : memref<1x64xi32, #tpu.memory_space<vmem>> -> memref<64xi32, #tpu.memory_space<vmem>>
      %dma_start3A_598 = arith.constant 0 : i32
      %dma_start3A_599 = arith.constant 0 : i32
      %dma_start3A_600 = tpu.memref_slice %arg2[%arg0, %dma_start3A_598, %dma_start3A_599] : memref<2x10000x128xf32, #tpu.memory_space<hbm>> -> memref<1x10000x128xf32, #tpu.memory_space<hbm>>
      %dma_start3A_601 = tpu.memref_squeeze %dma_start3A_600 : memref<1x10000x128xf32, #tpu.memory_space<hbm>> -> memref<10000x128xf32, #tpu.memory_space<hbm>>
      %dma_start3A_602 = arith.constant 0 : i32
      %dma_start3A_603 = arith.constant 0 : i32
      %dma_start3A_604 = tpu.memref_slice %dma_start3A_601[%dma_start3A_602, %dma_start3A_603] : memref<10000x128xf32, #tpu.memory_space<hbm>> -> memref<10000x128xf32, #tpu.memory_space<hbm>>
      tpu.enqueue_indirect_dma source(%dma_start3A_604 : memref<10000x128xf32, #tpu.memory_space<hbm>>) target(%arg10 : memref<64x128xf32, #tpu.memory_space<vmem>>) offsets(%dma_start3A_597 : memref<64xi32, #tpu.memory_space<vmem>>) semaphore(%arg15 : memref<!tpu.dma_semaphore, #tpu.memory_space<semaphore_mem>>)
      %add3A_605 = arith.constant 1 : i32
      %add3A_606 = arith.addi %add3A_576, %add3A_605 : i32
      %dma_wait3A_607 = arith.constant 0 : i32
      %dma_wait3A_608 = tpu.memref_slice %arg6[%add3A_606, %dma_wait3A_607] : memref<32x64xi32, #tpu.memory_space<vmem>> -> memref<1x64xi32, #tpu.memory_space<vmem>>
      %dma_wait3A_609 = tpu.memref_squeeze %dma_wait3A_608 : memref<1x64xi32, #tpu.memory_space<vmem>> -> memref<64xi32, #tpu.memory_space<vmem>>
      %dma_wait3A_610 = arith.constant 0 : i32
      %dma_wait3A_611 = arith.constant 0 : i32
      %dma_wait3A_612 = tpu.memref_slice %arg2[%arg0, %dma_wait3A_610, %dma_wait3A_611] : memref<2x10000x128xf32, #tpu.memory_space<hbm>> -> memref<1x10000x128xf32, #tpu.memory_space<hbm>>
      %dma_wait3A_613 = tpu.memref_squeeze %dma_wait3A_612 : memref<1x10000x128xf32, #tpu.memory_space<hbm>> -> memref<10000x128xf32, #tpu.memory_space<hbm>>
      %dma_wait3A_614 = arith.constant 0 : i32
      %dma_wait3A_615 = arith.constant 0 : i32
      %dma_wait3A_616 = tpu.memref_slice %dma_wait3A_613[%dma_wait3A_614, %dma_wait3A_615] : memref<10000x128xf32, #tpu.memory_space<hbm>> -> memref<10000x128xf32, #tpu.memory_space<hbm>>
      tpu.wait_indirect_dma semaphore(%arg16 : memref<!tpu.dma_semaphore, #tpu.memory_space<semaphore_mem>>) src(%dma_wait3A_616 : memref<10000x128xf32, #tpu.memory_space<hbm>>) dst(%arg11 : memref<64x128xf32, #tpu.memory_space<vmem>>)
      %add3A_617 = arith.constant 1 : i32
      %add3A_618 = arith.addi %add3A_576, %add3A_617 : i32
      "tpu.region"() ({
        %run_scoped3A_689 = tpu.sem_alloc : memref<!tpu.dma_semaphore, #tpu.memory_space<semaphore_mem>>
        %dma_start3A_690 = arith.constant 0 : i32
        %dma_start3A_691 = tpu.memref_slice %arg7[%add3A_618, %dma_start3A_690] : memref<32x64xi32, #tpu.memory_space<vmem>> -> memref<1x64xi32, #tpu.memory_space<vmem>>
        %dma_start3A_692 = tpu.memref_squeeze %dma_start3A_691 : memref<1x64xi32, #tpu.memory_space<vmem>> -> memref<64xi32, #tpu.memory_space<vmem>>
        %dma_start3A_693 = arith.constant 0 : i32
        %dma_start3A_694 = arith.constant 0 : i32
        %dma_start3A_695 = tpu.memref_slice %arg14[%dma_start3A_693, %dma_start3A_694] : memref<10112x128xf32, #tpu.memory_space<vmem_shared>> -> memref<10112x128xf32, #tpu.memory_space<vmem_shared>>
        tpu.enqueue_indirect_dma source(%arg11 : memref<64x128xf32, #tpu.memory_space<vmem>>) target(%dma_start3A_695 : memref<10112x128xf32, #tpu.memory_space<vmem_shared>>) offsets(%dma_start3A_692 : memref<64xi32, #tpu.memory_space<vmem>>) semaphore(%run_scoped3A_689 : memref<!tpu.dma_semaphore, #tpu.memory_space<semaphore_mem>>) {add = true}
        %dma_wait3A_696 = arith.constant 0 : i32
        %dma_wait3A_697 = tpu.memref_slice %arg7[%add3A_618, %dma_wait3A_696] : memref<32x64xi32, #tpu.memory_space<vmem>> -> memref<1x64xi32, #tpu.memory_space<vmem>>
        %dma_wait3A_698 = tpu.memref_squeeze %dma_wait3A_697 : memref<1x64xi32, #tpu.memory_space<vmem>> -> memref<64xi32, #tpu.memory_space<vmem>>
        %dma_wait3A_699 = arith.constant 0 : i32
        %dma_wait3A_700 = arith.constant 0 : i32
        %dma_wait3A_701 = tpu.memref_slice %arg14[%dma_wait3A_699, %dma_wait3A_700] : memref<10112x128xf32, #tpu.memory_space<vmem_shared>> -> memref<10112x128xf32, #tpu.memory_space<vmem_shared>>
        tpu.wait_indirect_dma semaphore(%run_scoped3A_689 : memref<!tpu.dma_semaphore, #tpu.memory_space<semaphore_mem>>) src(%arg11 : memref<64x128xf32, #tpu.memory_space<vmem>>) dst(%dma_wait3A_701 : memref<10112x128xf32, #tpu.memory_space<vmem_shared>>)
        tpu.yield
      }) : () -> ()
      %add3A_619 = arith.constant 1 : i32
      %add3A_620 = arith.addi %add3A_576, %add3A_619 : i32
      %add3A_621 = arith.constant 4 : i32
      %add3A_622 = arith.addi %add3A_620, %add3A_621 : i32
      %dma_start3A_623 = arith.constant 0 : i32
      %dma_start3A_624 = tpu.memref_slice %arg6[%add3A_622, %dma_start3A_623] : memref<32x64xi32, #tpu.memory_space<vmem>> -> memref<1x64xi32, #tpu.memory_space<vmem>>
      %dma_start3A_625 = tpu.memref_squeeze %dma_start3A_624 : memref<1x64xi32, #tpu.memory_space<vmem>> -> memref<64xi32, #tpu.memory_space<vmem>>
      %dma_start3A_626 = arith.constant 0 : i32
      %dma_start3A_627 = arith.constant 0 : i32
      %dma_start3A_628 = tpu.memref_slice %arg2[%arg0, %dma_start3A_626, %dma_start3A_627] : memref<2x10000x128xf32, #tpu.memory_space<hbm>> -> memref<1x10000x128xf32, #tpu.memory_space<hbm>>
      %dma_start3A_629 = tpu.memref_squeeze %dma_start3A_628 : memref<1x10000x128xf32, #tpu.memory_space<hbm>> -> memref<10000x128xf32, #tpu.memory_space<hbm>>
      %dma_start3A_630 = arith.constant 0 : i32
      %dma_start3A_631 = arith.constant 0 : i32
      %dma_start3A_632 = tpu.memref_slice %dma_start3A_629[%dma_start3A_630, %dma_start3A_631] : memref<10000x128xf32, #tpu.memory_space<hbm>> -> memref<10000x128xf32, #tpu.memory_space<hbm>>
      tpu.enqueue_indirect_dma source(%dma_start3A_632 : memref<10000x128xf32, #tpu.memory_space<hbm>>) target(%arg11 : memref<64x128xf32, #tpu.memory_space<vmem>>) offsets(%dma_start3A_625 : memref<64xi32, #tpu.memory_space<vmem>>) semaphore(%arg16 : memref<!tpu.dma_semaphore, #tpu.memory_space<semaphore_mem>>)
      %add3A_633 = arith.constant 2 : i32
      %add3A_634 = arith.addi %add3A_576, %add3A_633 : i32
      %dma_wait3A_635 = arith.constant 0 : i32
      %dma_wait3A_636 = tpu.memref_slice %arg6[%add3A_634, %dma_wait3A_635] : memref<32x64xi32, #tpu.memory_space<vmem>> -> memref<1x64xi32, #tpu.memory_space<vmem>>
      %dma_wait3A_637 = tpu.memref_squeeze %dma_wait3A_636 : memref<1x64xi32, #tpu.memory_space<vmem>> -> memref<64xi32, #tpu.memory_space<vmem>>
      %dma_wait3A_638 = arith.constant 0 : i32
      %dma_wait3A_639 = arith.constant 0 : i32
      %dma_wait3A_640 = tpu.memref_slice %arg2[%arg0, %dma_wait3A_638, %dma_wait3A_639] : memref<2x10000x128xf32, #tpu.memory_space<hbm>> -> memref<1x10000x128xf32, #tpu.memory_space<hbm>>
      %dma_wait3A_641 = tpu.memref_squeeze %dma_wait3A_640 : memref<1x10000x128xf32, #tpu.memory_space<hbm>> -> memref<10000x128xf32, #tpu.memory_space<hbm>>
      %dma_wait3A_642 = arith.constant 0 : i32
      %dma_wait3A_643 = arith.constant 0 : i32
      %dma_wait3A_644 = tpu.memref_slice %dma_wait3A_641[%dma_wait3A_642, %dma_wait3A_643] : memref<10000x128xf32, #tpu.memory_space<hbm>> -> memref<10000x128xf32, #tpu.memory_space<hbm>>
      tpu.wait_indirect_dma semaphore(%arg17 : memref<!tpu.dma_semaphore, #tpu.memory_space<semaphore_mem>>) src(%dma_wait3A_644 : memref<10000x128xf32, #tpu.memory_space<hbm>>) dst(%arg12 : memref<64x128xf32, #tpu.memory_space<vmem>>)
      %add3A_645 = arith.constant 2 : i32
      %add3A_646 = arith.addi %add3A_576, %add3A_645 : i32
      "tpu.region"() ({
        %run_scoped3A_689 = tpu.sem_alloc : memref<!tpu.dma_semaphore, #tpu.memory_space<semaphore_mem>>
        %dma_start3A_690 = arith.constant 0 : i32
        %dma_start3A_691 = tpu.memref_slice %arg7[%add3A_646, %dma_start3A_690] : memref<32x64xi32, #tpu.memory_space<vmem>> -> memref<1x64xi32, #tpu.memory_space<vmem>>
        %dma_start3A_692 = tpu.memref_squeeze %dma_start3A_691 : memref<1x64xi32, #tpu.memory_space<vmem>> -> memref<64xi32, #tpu.memory_space<vmem>>
        %dma_start3A_693 = arith.constant 0 : i32
        %dma_start3A_694 = arith.constant 0 : i32
        %dma_start3A_695 = tpu.memref_slice %arg14[%dma_start3A_693, %dma_start3A_694] : memref<10112x128xf32, #tpu.memory_space<vmem_shared>> -> memref<10112x128xf32, #tpu.memory_space<vmem_shared>>
        tpu.enqueue_indirect_dma source(%arg12 : memref<64x128xf32, #tpu.memory_space<vmem>>) target(%dma_start3A_695 : memref<10112x128xf32, #tpu.memory_space<vmem_shared>>) offsets(%dma_start3A_692 : memref<64xi32, #tpu.memory_space<vmem>>) semaphore(%run_scoped3A_689 : memref<!tpu.dma_semaphore, #tpu.memory_space<semaphore_mem>>) {add = true}
        %dma_wait3A_696 = arith.constant 0 : i32
        %dma_wait3A_697 = tpu.memref_slice %arg7[%add3A_646, %dma_wait3A_696] : memref<32x64xi32, #tpu.memory_space<vmem>> -> memref<1x64xi32, #tpu.memory_space<vmem>>
        %dma_wait3A_698 = tpu.memref_squeeze %dma_wait3A_697 : memref<1x64xi32, #tpu.memory_space<vmem>> -> memref<64xi32, #tpu.memory_space<vmem>>
        %dma_wait3A_699 = arith.constant 0 : i32
        %dma_wait3A_700 = arith.constant 0 : i32
        %dma_wait3A_701 = tpu.memref_slice %arg14[%dma_wait3A_699, %dma_wait3A_700] : memref<10112x128xf32, #tpu.memory_space<vmem_shared>> -> memref<10112x128xf32, #tpu.memory_space<vmem_shared>>
        tpu.wait_indirect_dma semaphore(%run_scoped3A_689 : memref<!tpu.dma_semaphore, #tpu.memory_space<semaphore_mem>>) src(%arg12 : memref<64x128xf32, #tpu.memory_space<vmem>>) dst(%dma_wait3A_701 : memref<10112x128xf32, #tpu.memory_space<vmem_shared>>)
        tpu.yield
      }) : () -> ()
      %add3A_647 = arith.constant 2 : i32
      %add3A_648 = arith.addi %add3A_576, %add3A_647 : i32
      %add3A_649 = arith.constant 4 : i32
      %add3A_650 = arith.addi %add3A_648, %add3A_649 : i32
      %dma_start3A_651 = arith.constant 0 : i32
      %dma_start3A_652 = tpu.memref_slice %arg6[%add3A_650, %dma_start3A_651] : memref<32x64xi32, #tpu.memory_space<vmem>> -> memref<1x64xi32, #tpu.memory_space<vmem>>
      %dma_start3A_653 = tpu.memref_squeeze %dma_start3A_652 : memref<1x64xi32, #tpu.memory_space<vmem>> -> memref<64xi32, #tpu.memory_space<vmem>>
      %dma_start3A_654 = arith.constant 0 : i32
      %dma_start3A_655 = arith.constant 0 : i32
      %dma_start3A_656 = tpu.memref_slice %arg2[%arg0, %dma_start3A_654, %dma_start3A_655] : memref<2x10000x128xf32, #tpu.memory_space<hbm>> -> memref<1x10000x128xf32, #tpu.memory_space<hbm>>
      %dma_start3A_657 = tpu.memref_squeeze %dma_start3A_656 : memref<1x10000x128xf32, #tpu.memory_space<hbm>> -> memref<10000x128xf32, #tpu.memory_space<hbm>>
      %dma_start3A_658 = arith.constant 0 : i32
      %dma_start3A_659 = arith.constant 0 : i32
      %dma_start3A_660 = tpu.memref_slice %dma_start3A_657[%dma_start3A_658, %dma_start3A_659] : memref<10000x128xf32, #tpu.memory_space<hbm>> -> memref<10000x128xf32, #tpu.memory_space<hbm>>
      tpu.enqueue_indirect_dma source(%dma_start3A_660 : memref<10000x128xf32, #tpu.memory_space<hbm>>) target(%arg12 : memref<64x128xf32, #tpu.memory_space<vmem>>) offsets(%dma_start3A_653 : memref<64xi32, #tpu.memory_space<vmem>>) semaphore(%arg17 : memref<!tpu.dma_semaphore, #tpu.memory_space<semaphore_mem>>)
      %add3A_661 = arith.constant 3 : i32
      %add3A_662 = arith.addi %add3A_576, %add3A_661 : i32
      %dma_wait3A_663 = arith.constant 0 : i32
      %dma_wait3A_664 = tpu.memref_slice %arg6[%add3A_662, %dma_wait3A_663] : memref<32x64xi32, #tpu.memory_space<vmem>> -> memref<1x64xi32, #tpu.memory_space<vmem>>
      %dma_wait3A_665 = tpu.memref_squeeze %dma_wait3A_664 : memref<1x64xi32, #tpu.memory_space<vmem>> -> memref<64xi32, #tpu.memory_space<vmem>>
      %dma_wait3A_666 = arith.constant 0 : i32
      %dma_wait3A_667 = arith.constant 0 : i32
      %dma_wait3A_668 = tpu.memref_slice %arg2[%arg0, %dma_wait3A_666, %dma_wait3A_667] : memref<2x10000x128xf32, #tpu.memory_space<hbm>> -> memref<1x10000x128xf32, #tpu.memory_space<hbm>>
      %dma_wait3A_669 = tpu.memref_squeeze %dma_wait3A_668 : memref<1x10000x128xf32, #tpu.memory_space<hbm>> -> memref<10000x128xf32, #tpu.memory_space<hbm>>
      %dma_wait3A_670 = arith.constant 0 : i32
      %dma_wait3A_671 = arith.constant 0 : i32
      %dma_wait3A_672 = tpu.memref_slice %dma_wait3A_669[%dma_wait3A_670, %dma_wait3A_671] : memref<10000x128xf32, #tpu.memory_space<hbm>> -> memref<10000x128xf32, #tpu.memory_space<hbm>>
      tpu.wait_indirect_dma semaphore(%arg18 : memref<!tpu.dma_semaphore, #tpu.memory_space<semaphore_mem>>) src(%dma_wait3A_672 : memref<10000x128xf32, #tpu.memory_space<hbm>>) dst(%arg13 : memref<64x128xf32, #tpu.memory_space<vmem>>)
      %add3A_673 = arith.constant 3 : i32
      %add3A_674 = arith.addi %add3A_576, %add3A_673 : i32
      "tpu.region"() ({
        %run_scoped3A_689 = tpu.sem_alloc : memref<!tpu.dma_semaphore, #tpu.memory_space<semaphore_mem>>
        %dma_start3A_690 = arith.constant 0 : i32
        %dma_start3A_691 = tpu.memref_slice %arg7[%add3A_674, %dma_start3A_690] : memref<32x64xi32, #tpu.memory_space<vmem>> -> memref<1x64xi32, #tpu.memory_space<vmem>>
        %dma_start3A_692 = tpu.memref_squeeze %dma_start3A_691 : memref<1x64xi32, #tpu.memory_space<vmem>> -> memref<64xi32, #tpu.memory_space<vmem>>
        %dma_start3A_693 = arith.constant 0 : i32
        %dma_start3A_694 = arith.constant 0 : i32
        %dma_start3A_695 = tpu.memref_slice %arg14[%dma_start3A_693, %dma_start3A_694] : memref<10112x128xf32, #tpu.memory_space<vmem_shared>> -> memref<10112x128xf32, #tpu.memory_space<vmem_shared>>
        tpu.enqueue_indirect_dma source(%arg13 : memref<64x128xf32, #tpu.memory_space<vmem>>) target(%dma_start3A_695 : memref<10112x128xf32, #tpu.memory_space<vmem_shared>>) offsets(%dma_start3A_692 : memref<64xi32, #tpu.memory_space<vmem>>) semaphore(%run_scoped3A_689 : memref<!tpu.dma_semaphore, #tpu.memory_space<semaphore_mem>>) {add = true}
        %dma_wait3A_696 = arith.constant 0 : i32
        %dma_wait3A_697 = tpu.memref_slice %arg7[%add3A_674, %dma_wait3A_696] : memref<32x64xi32, #tpu.memory_space<vmem>> -> memref<1x64xi32, #tpu.memory_space<vmem>>
        %dma_wait3A_698 = tpu.memref_squeeze %dma_wait3A_697 : memref<1x64xi32, #tpu.memory_space<vmem>> -> memref<64xi32, #tpu.memory_space<vmem>>
        %dma_wait3A_699 = arith.constant 0 : i32
        %dma_wait3A_700 = arith.constant 0 : i32
        %dma_wait3A_701 = tpu.memref_slice %arg14[%dma_wait3A_699, %dma_wait3A_700] : memref<10112x128xf32, #tpu.memory_space<vmem_shared>> -> memref<10112x128xf32, #tpu.memory_space<vmem_shared>>
        tpu.wait_indirect_dma semaphore(%run_scoped3A_689 : memref<!tpu.dma_semaphore, #tpu.memory_space<semaphore_mem>>) src(%arg13 : memref<64x128xf32, #tpu.memory_space<vmem>>) dst(%dma_wait3A_701 : memref<10112x128xf32, #tpu.memory_space<vmem_shared>>)
        tpu.yield
      }) : () -> ()
      %add3A_675 = arith.constant 3 : i32
      %add3A_676 = arith.addi %add3A_576, %add3A_675 : i32
      %add3A_677 = arith.constant 4 : i32
      %add3A_678 = arith.addi %add3A_676, %add3A_677 : i32
      %dma_start3A_679 = arith.constant 0 : i32
      %dma_start3A_680 = tpu.memref_slice %arg6[%add3A_678, %dma_start3A_679] : memref<32x64xi32, #tpu.memory_space<vmem>> -> memref<1x64xi32, #tpu.memory_space<vmem>>
      %dma_start3A_681 = tpu.memref_squeeze %dma_start3A_680 : memref<1x64xi32, #tpu.memory_space<vmem>> -> memref<64xi32, #tpu.memory_space<vmem>>
      %dma_start3A_682 = arith.constant 0 : i32
      %dma_start3A_683 = arith.constant 0 : i32
      %dma_start3A_684 = tpu.memref_slice %arg2[%arg0, %dma_start3A_682, %dma_start3A_683] : memref<2x10000x128xf32, #tpu.memory_space<hbm>> -> memref<1x10000x128xf32, #tpu.memory_space<hbm>>
      %dma_start3A_685 = tpu.memref_squeeze %dma_start3A_684 : memref<1x10000x128xf32, #tpu.memory_space<hbm>> -> memref<10000x128xf32, #tpu.memory_space<hbm>>
      %dma_start3A_686 = arith.constant 0 : i32
      %dma_start3A_687 = arith.constant 0 : i32
      %dma_start3A_688 = tpu.memref_slice %dma_start3A_685[%dma_start3A_686, %dma_start3A_687] : memref<10000x128xf32, #tpu.memory_space<hbm>> -> memref<10000x128xf32, #tpu.memory_space<hbm>>
      tpu.enqueue_indirect_dma source(%dma_start3A_688 : memref<10000x128xf32, #tpu.memory_space<hbm>>) target(%arg13 : memref<64x128xf32, #tpu.memory_space<vmem>>) offsets(%dma_start3A_681 : memref<64xi32, #tpu.memory_space<vmem>>) semaphore(%arg18 : memref<!tpu.dma_semaphore, #tpu.memory_space<semaphore_mem>>)
    }
    %scan3A_298 = arith.constant 7 : i32
    %dma_wait3A_299 = arith.constant 0 : i32
    %dma_wait3A_300 = tpu.memref_slice %arg3[%add3A_285, %dma_wait3A_299] : memref<2560x64xi32, #tpu.memory_space<hbm>> -> memref<32x64xi32, #tpu.memory_space<hbm>>
    %dma_wait3A_301 = arith.constant 0 : i32
    %dma_wait3A_302 = tpu.memref_slice %arg3[%add3A_285, %dma_wait3A_301] : memref<2560x64xi32, #tpu.memory_space<hbm>> -> memref<32x64xi32, #tpu.memory_space<hbm>>
    tpu.wait_dma2 semaphore(%arg19 : memref<!tpu.dma_semaphore, #tpu.memory_space<semaphore_mem>>) src(%dma_wait3A_302 : memref<32x64xi32, #tpu.memory_space<hbm>>) dst(%arg8 : memref<32x64xi32, #tpu.memory_space<vmem>>)
    %dma_wait3A_303 = arith.constant 0 : i32
    %dma_wait3A_304 = tpu.memref_slice %arg4[%add3A_285, %dma_wait3A_303] : memref<2560x64xi32, #tpu.memory_space<hbm>> -> memref<32x64xi32, #tpu.memory_space<hbm>>
    %dma_wait3A_305 = arith.constant 0 : i32
    %dma_wait3A_306 = tpu.memref_slice %arg4[%add3A_285, %dma_wait3A_305] : memref<2560x64xi32, #tpu.memory_space<hbm>> -> memref<32x64xi32, #tpu.memory_space<hbm>>
    tpu.wait_dma2 semaphore(%arg20 : memref<!tpu.dma_semaphore, #tpu.memory_space<semaphore_mem>>) src(%dma_wait3A_306 : memref<32x64xi32, #tpu.memory_space<hbm>>) dst(%arg9 : memref<32x64xi32, #tpu.memory_space<vmem>>)
    %dma_wait3A_307 = arith.constant 28 : i32
    %dma_wait3A_308 = arith.constant 0 : i32
    %dma_wait3A_309 = tpu.memref_slice %arg6[%dma_wait3A_307, %dma_wait3A_308] : memref<32x64xi32, #tpu.memory_space<vmem>> -> memref<1x64xi32, #tpu.memory_space<vmem>>
    %dma_wait3A_310 = tpu.memref_squeeze %dma_wait3A_309 : memref<1x64xi32, #tpu.memory_space<vmem>> -> memref<64xi32, #tpu.memory_space<vmem>>
    %dma_wait3A_311 = arith.constant 0 : i32
    %dma_wait3A_312 = arith.constant 0 : i32
    %dma_wait3A_313 = tpu.memref_slice %arg2[%arg0, %dma_wait3A_311, %dma_wait3A_312] : memref<2x10000x128xf32, #tpu.memory_space<hbm>> -> memref<1x10000x128xf32, #tpu.memory_space<hbm>>
    %dma_wait3A_314 = tpu.memref_squeeze %dma_wait3A_313 : memref<1x10000x128xf32, #tpu.memory_space<hbm>> -> memref<10000x128xf32, #tpu.memory_space<hbm>>
    %dma_wait3A_315 = arith.constant 0 : i32
    %dma_wait3A_316 = arith.constant 0 : i32
    %dma_wait3A_317 = tpu.memref_slice %dma_wait3A_314[%dma_wait3A_315, %dma_wait3A_316] : memref<10000x128xf32, #tpu.memory_space<hbm>> -> memref<10000x128xf32, #tpu.memory_space<hbm>>
    tpu.wait_indirect_dma semaphore(%arg15 : memref<!tpu.dma_semaphore, #tpu.memory_space<semaphore_mem>>) src(%dma_wait3A_317 : memref<10000x128xf32, #tpu.memory_space<hbm>>) dst(%arg10 : memref<64x128xf32, #tpu.memory_space<vmem>>)
    %run_scoped3A_318 = arith.constant 28 : i32
    "tpu.region"() ({
      %run_scoped3A_572 = tpu.sem_alloc : memref<!tpu.dma_semaphore, #tpu.memory_space<semaphore_mem>>
      %dma_start3A_573 = arith.constant 0 : i32
      %dma_start3A_574 = tpu.memref_slice %arg7[%run_scoped3A_318, %dma_start3A_573] : memref<32x64xi32, #tpu.memory_space<vmem>> -> memref<1x64xi32, #tpu.memory_space<vmem>>
      %dma_start3A_575 = tpu.memref_squeeze %dma_start3A_574 : memref<1x64xi32, #tpu.memory_space<vmem>> -> memref<64xi32, #tpu.memory_space<vmem>>
      %dma_start3A_576 = arith.constant 0 : i32
      %dma_start3A_577 = arith.constant 0 : i32
      %dma_start3A_578 = tpu.memref_slice %arg14[%dma_start3A_576, %dma_start3A_577] : memref<10112x128xf32, #tpu.memory_space<vmem_shared>> -> memref<10112x128xf32, #tpu.memory_space<vmem_shared>>
      tpu.enqueue_indirect_dma source(%arg10 : memref<64x128xf32, #tpu.memory_space<vmem>>) target(%dma_start3A_578 : memref<10112x128xf32, #tpu.memory_space<vmem_shared>>) offsets(%dma_start3A_575 : memref<64xi32, #tpu.memory_space<vmem>>) semaphore(%run_scoped3A_572 : memref<!tpu.dma_semaphore, #tpu.memory_space<semaphore_mem>>) {add = true}
      %dma_wait3A_579 = arith.constant 0 : i32
      %dma_wait3A_580 = tpu.memref_slice %arg7[%run_scoped3A_318, %dma_wait3A_579] : memref<32x64xi32, #tpu.memory_space<vmem>> -> memref<1x64xi32, #tpu.memory_space<vmem>>
      %dma_wait3A_581 = tpu.memref_squeeze %dma_wait3A_580 : memref<1x64xi32, #tpu.memory_space<vmem>> -> memref<64xi32, #tpu.memory_space<vmem>>
      %dma_wait3A_582 = arith.constant 0 : i32
      %dma_wait3A_583 = arith.constant 0 : i32
      %dma_wait3A_584 = tpu.memref_slice %arg14[%dma_wait3A_582, %dma_wait3A_583] : memref<10112x128xf32, #tpu.memory_space<vmem_shared>> -> memref<10112x128xf32, #tpu.memory_space<vmem_shared>>
      tpu.wait_indirect_dma semaphore(%run_scoped3A_572 : memref<!tpu.dma_semaphore, #tpu.memory_space<semaphore_mem>>) src(%arg10 : memref<64x128xf32, #tpu.memory_space<vmem>>) dst(%dma_wait3A_584 : memref<10112x128xf32, #tpu.memory_space<vmem_shared>>)
      tpu.yield
    }) : () -> ()
    %dma_start3A_319 = arith.constant 0 : i32
    %dma_start3A_320 = arith.constant 0 : i32
    %dma_start3A_321 = tpu.memref_slice %arg8[%dma_start3A_319, %dma_start3A_320] : memref<32x64xi32, #tpu.memory_space<vmem>> -> memref<1x64xi32, #tpu.memory_space<vmem>>
    %dma_start3A_322 = tpu.memref_squeeze %dma_start3A_321 : memref<1x64xi32, #tpu.memory_space<vmem>> -> memref<64xi32, #tpu.memory_space<vmem>>
    %dma_start3A_323 = arith.constant 0 : i32
    %dma_start3A_324 = arith.constant 0 : i32
    %dma_start3A_325 = tpu.memref_slice %arg2[%arg0, %dma_start3A_323, %dma_start3A_324] : memref<2x10000x128xf32, #tpu.memory_space<hbm>> -> memref<1x10000x128xf32, #tpu.memory_space<hbm>>
    %dma_start3A_326 = tpu.memref_squeeze %dma_start3A_325 : memref<1x10000x128xf32, #tpu.memory_space<hbm>> -> memref<10000x128xf32, #tpu.memory_space<hbm>>
    %dma_start3A_327 = arith.constant 0 : i32
    %dma_start3A_328 = arith.constant 0 : i32
    %dma_start3A_329 = tpu.memref_slice %dma_start3A_326[%dma_start3A_327, %dma_start3A_328] : memref<10000x128xf32, #tpu.memory_space<hbm>> -> memref<10000x128xf32, #tpu.memory_space<hbm>>
    tpu.enqueue_indirect_dma source(%dma_start3A_329 : memref<10000x128xf32, #tpu.memory_space<hbm>>) target(%arg10 : memref<64x128xf32, #tpu.memory_space<vmem>>) offsets(%dma_start3A_322 : memref<64xi32, #tpu.memory_space<vmem>>) semaphore(%arg15 : memref<!tpu.dma_semaphore, #tpu.memory_space<semaphore_mem>>)
    %dma_wait3A_330 = arith.constant 29 : i32
    %dma_wait3A_331 = arith.constant 0 : i32
    %dma_wait3A_332 = tpu.memref_slice %arg6[%dma_wait3A_330, %dma_wait3A_331] : memref<32x64xi32, #tpu.memory_space<vmem>> -> memref<1x64xi32, #tpu.memory_space<vmem>>
    %dma_wait3A_333 = tpu.memref_squeeze %dma_wait3A_332 : memref<1x64xi32, #tpu.memory_space<vmem>> -> memref<64xi32, #tpu.memory_space<vmem>>
    %dma_wait3A_334 = arith.constant 0 : i32
    %dma_wait3A_335 = arith.constant 0 : i32
    %dma_wait3A_336 = tpu.memref_slice %arg2[%arg0, %dma_wait3A_334, %dma_wait3A_335] : memref<2x10000x128xf32, #tpu.memory_space<hbm>> -> memref<1x10000x128xf32, #tpu.memory_space<hbm>>
    %dma_wait3A_337 = tpu.memref_squeeze %dma_wait3A_336 : memref<1x10000x128xf32, #tpu.memory_space<hbm>> -> memref<10000x128xf32, #tpu.memory_space<hbm>>
    %dma_wait3A_338 = arith.constant 0 : i32
    %dma_wait3A_339 = arith.constant 0 : i32
    %dma_wait3A_340 = tpu.memref_slice %dma_wait3A_337[%dma_wait3A_338, %dma_wait3A_339] : memref<10000x128xf32, #tpu.memory_space<hbm>> -> memref<10000x128xf32, #tpu.memory_space<hbm>>
    tpu.wait_indirect_dma semaphore(%arg16 : memref<!tpu.dma_semaphore, #tpu.memory_space<semaphore_mem>>) src(%dma_wait3A_340 : memref<10000x128xf32, #tpu.memory_space<hbm>>) dst(%arg11 : memref<64x128xf32, #tpu.memory_space<vmem>>)
    %run_scoped3A_341 = arith.constant 29 : i32
    "tpu.region"() ({
      %run_scoped3A_572 = tpu.sem_alloc : memref<!tpu.dma_semaphore, #tpu.memory_space<semaphore_mem>>
      %dma_start3A_573 = arith.constant 0 : i32
      %dma_start3A_574 = tpu.memref_slice %arg7[%run_scoped3A_341, %dma_start3A_573] : memref<32x64xi32, #tpu.memory_space<vmem>> -> memref<1x64xi32, #tpu.memory_space<vmem>>
      %dma_start3A_575 = tpu.memref_squeeze %dma_start3A_574 : memref<1x64xi32, #tpu.memory_space<vmem>> -> memref<64xi32, #tpu.memory_space<vmem>>
      %dma_start3A_576 = arith.constant 0 : i32
      %dma_start3A_577 = arith.constant 0 : i32
      %dma_start3A_578 = tpu.memref_slice %arg14[%dma_start3A_576, %dma_start3A_577] : memref<10112x128xf32, #tpu.memory_space<vmem_shared>> -> memref<10112x128xf32, #tpu.memory_space<vmem_shared>>
      tpu.enqueue_indirect_dma source(%arg11 : memref<64x128xf32, #tpu.memory_space<vmem>>) target(%dma_start3A_578 : memref<10112x128xf32, #tpu.memory_space<vmem_shared>>) offsets(%dma_start3A_575 : memref<64xi32, #tpu.memory_space<vmem>>) semaphore(%run_scoped3A_572 : memref<!tpu.dma_semaphore, #tpu.memory_space<semaphore_mem>>) {add = true}
      %dma_wait3A_579 = arith.constant 0 : i32
      %dma_wait3A_580 = tpu.memref_slice %arg7[%run_scoped3A_341, %dma_wait3A_579] : memref<32x64xi32, #tpu.memory_space<vmem>> -> memref<1x64xi32, #tpu.memory_space<vmem>>
      %dma_wait3A_581 = tpu.memref_squeeze %dma_wait3A_580 : memref<1x64xi32, #tpu.memory_space<vmem>> -> memref<64xi32, #tpu.memory_space<vmem>>
      %dma_wait3A_582 = arith.constant 0 : i32
      %dma_wait3A_583 = arith.constant 0 : i32
      %dma_wait3A_584 = tpu.memref_slice %arg14[%dma_wait3A_582, %dma_wait3A_583] : memref<10112x128xf32, #tpu.memory_space<vmem_shared>> -> memref<10112x128xf32, #tpu.memory_space<vmem_shared>>
      tpu.wait_indirect_dma semaphore(%run_scoped3A_572 : memref<!tpu.dma_semaphore, #tpu.memory_space<semaphore_mem>>) src(%arg11 : memref<64x128xf32, #tpu.memory_space<vmem>>) dst(%dma_wait3A_584 : memref<10112x128xf32, #tpu.memory_space<vmem_shared>>)
      tpu.yield
    }) : () -> ()
    %dma_start3A_342 = arith.constant 1 : i32
    %dma_start3A_343 = arith.constant 0 : i32
    %dma_start3A_344 = tpu.memref_slice %arg8[%dma_start3A_342, %dma_start3A_343] : memref<32x64xi32, #tpu.memory_space<vmem>> -> memref<1x64xi32, #tpu.memory_space<vmem>>
    %dma_start3A_345 = tpu.memref_squeeze %dma_start3A_344 : memref<1x64xi32, #tpu.memory_space<vmem>> -> memref<64xi32, #tpu.memory_space<vmem>>
    %dma_start3A_346 = arith.constant 0 : i32
    %dma_start3A_347 = arith.constant 0 : i32
    %dma_start3A_348 = tpu.memref_slice %arg2[%arg0, %dma_start3A_346, %dma_start3A_347] : memref<2x10000x128xf32, #tpu.memory_space<hbm>> -> memref<1x10000x128xf32, #tpu.memory_space<hbm>>
    %dma_start3A_349 = tpu.memref_squeeze %dma_start3A_348 : memref<1x10000x128xf32, #tpu.memory_space<hbm>> -> memref<10000x128xf32, #tpu.memory_space<hbm>>
    %dma_start3A_350 = arith.constant 0 : i32
    %dma_start3A_351 = arith.constant 0 : i32
    %dma_start3A_352 = tpu.memref_slice %dma_start3A_349[%dma_start3A_350, %dma_start3A_351] : memref<10000x128xf32, #tpu.memory_space<hbm>> -> memref<10000x128xf32, #tpu.memory_space<hbm>>
    tpu.enqueue_indirect_dma source(%dma_start3A_352 : memref<10000x128xf32, #tpu.memory_space<hbm>>) target(%arg11 : memref<64x128xf32, #tpu.memory_space<vmem>>) offsets(%dma_start3A_345 : memref<64xi32, #tpu.memory_space<vmem>>) semaphore(%arg16 : memref<!tpu.dma_semaphore, #tpu.memory_space<semaphore_mem>>)
    %dma_wait3A_353 = arith.constant 30 : i32
    %dma_wait3A_354 = arith.constant 0 : i32
    %dma_wait3A_355 = tpu.memref_slice %arg6[%dma_wait3A_353, %dma_wait3A_354] : memref<32x64xi32, #tpu.memory_space<vmem>> -> memref<1x64xi32, #tpu.memory_space<vmem>>
    %dma_wait3A_356 = tpu.memref_squeeze %dma_wait3A_355 : memref<1x64xi32, #tpu.memory_space<vmem>> -> memref<64xi32, #tpu.memory_space<vmem>>
    %dma_wait3A_357 = arith.constant 0 : i32
    %dma_wait3A_358 = arith.constant 0 : i32
    %dma_wait3A_359 = tpu.memref_slice %arg2[%arg0, %dma_wait3A_357, %dma_wait3A_358] : memref<2x10000x128xf32, #tpu.memory_space<hbm>> -> memref<1x10000x128xf32, #tpu.memory_space<hbm>>
    %dma_wait3A_360 = tpu.memref_squeeze %dma_wait3A_359 : memref<1x10000x128xf32, #tpu.memory_space<hbm>> -> memref<10000x128xf32, #tpu.memory_space<hbm>>
    %dma_wait3A_361 = arith.constant 0 : i32
    %dma_wait3A_362 = arith.constant 0 : i32
    %dma_wait3A_363 = tpu.memref_slice %dma_wait3A_360[%dma_wait3A_361, %dma_wait3A_362] : memref<10000x128xf32, #tpu.memory_space<hbm>> -> memref<10000x128xf32, #tpu.memory_space<hbm>>
    tpu.wait_indirect_dma semaphore(%arg17 : memref<!tpu.dma_semaphore, #tpu.memory_space<semaphore_mem>>) src(%dma_wait3A_363 : memref<10000x128xf32, #tpu.memory_space<hbm>>) dst(%arg12 : memref<64x128xf32, #tpu.memory_space<vmem>>)
    %run_scoped3A_364 = arith.constant 30 : i32
    "tpu.region"() ({
      %run_scoped3A_572 = tpu.sem_alloc : memref<!tpu.dma_semaphore, #tpu.memory_space<semaphore_mem>>
      %dma_start3A_573 = arith.constant 0 : i32
      %dma_start3A_574 = tpu.memref_slice %arg7[%run_scoped3A_364, %dma_start3A_573] : memref<32x64xi32, #tpu.memory_space<vmem>> -> memref<1x64xi32, #tpu.memory_space<vmem>>
      %dma_start3A_575 = tpu.memref_squeeze %dma_start3A_574 : memref<1x64xi32, #tpu.memory_space<vmem>> -> memref<64xi32, #tpu.memory_space<vmem>>
      %dma_start3A_576 = arith.constant 0 : i32
      %dma_start3A_577 = arith.constant 0 : i32
      %dma_start3A_578 = tpu.memref_slice %arg14[%dma_start3A_576, %dma_start3A_577] : memref<10112x128xf32, #tpu.memory_space<vmem_shared>> -> memref<10112x128xf32, #tpu.memory_space<vmem_shared>>
      tpu.enqueue_indirect_dma source(%arg12 : memref<64x128xf32, #tpu.memory_space<vmem>>) target(%dma_start3A_578 : memref<10112x128xf32, #tpu.memory_space<vmem_shared>>) offsets(%dma_start3A_575 : memref<64xi32, #tpu.memory_space<vmem>>) semaphore(%run_scoped3A_572 : memref<!tpu.dma_semaphore, #tpu.memory_space<semaphore_mem>>) {add = true}
      %dma_wait3A_579 = arith.constant 0 : i32
      %dma_wait3A_580 = tpu.memref_slice %arg7[%run_scoped3A_364, %dma_wait3A_579] : memref<32x64xi32, #tpu.memory_space<vmem>> -> memref<1x64xi32, #tpu.memory_space<vmem>>
      %dma_wait3A_581 = tpu.memref_squeeze %dma_wait3A_580 : memref<1x64xi32, #tpu.memory_space<vmem>> -> memref<64xi32, #tpu.memory_space<vmem>>
      %dma_wait3A_582 = arith.constant 0 : i32
      %dma_wait3A_583 = arith.constant 0 : i32
      %dma_wait3A_584 = tpu.memref_slice %arg14[%dma_wait3A_582, %dma_wait3A_583] : memref<10112x128xf32, #tpu.memory_space<vmem_shared>> -> memref<10112x128xf32, #tpu.memory_space<vmem_shared>>
      tpu.wait_indirect_dma semaphore(%run_scoped3A_572 : memref<!tpu.dma_semaphore, #tpu.memory_space<semaphore_mem>>) src(%arg12 : memref<64x128xf32, #tpu.memory_space<vmem>>) dst(%dma_wait3A_584 : memref<10112x128xf32, #tpu.memory_space<vmem_shared>>)
      tpu.yield
    }) : () -> ()
    %dma_start3A_365 = arith.constant 2 : i32
    %dma_start3A_366 = arith.constant 0 : i32
    %dma_start3A_367 = tpu.memref_slice %arg8[%dma_start3A_365, %dma_start3A_366] : memref<32x64xi32, #tpu.memory_space<vmem>> -> memref<1x64xi32, #tpu.memory_space<vmem>>
    %dma_start3A_368 = tpu.memref_squeeze %dma_start3A_367 : memref<1x64xi32, #tpu.memory_space<vmem>> -> memref<64xi32, #tpu.memory_space<vmem>>
    %dma_start3A_369 = arith.constant 0 : i32
    %dma_start3A_370 = arith.constant 0 : i32
    %dma_start3A_371 = tpu.memref_slice %arg2[%arg0, %dma_start3A_369, %dma_start3A_370] : memref<2x10000x128xf32, #tpu.memory_space<hbm>> -> memref<1x10000x128xf32, #tpu.memory_space<hbm>>
    %dma_start3A_372 = tpu.memref_squeeze %dma_start3A_371 : memref<1x10000x128xf32, #tpu.memory_space<hbm>> -> memref<10000x128xf32, #tpu.memory_space<hbm>>
    %dma_start3A_373 = arith.constant 0 : i32
    %dma_start3A_374 = arith.constant 0 : i32
    %dma_start3A_375 = tpu.memref_slice %dma_start3A_372[%dma_start3A_373, %dma_start3A_374] : memref<10000x128xf32, #tpu.memory_space<hbm>> -> memref<10000x128xf32, #tpu.memory_space<hbm>>
    tpu.enqueue_indirect_dma source(%dma_start3A_375 : memref<10000x128xf32, #tpu.memory_space<hbm>>) target(%arg12 : memref<64x128xf32, #tpu.memory_space<vmem>>) offsets(%dma_start3A_368 : memref<64xi32, #tpu.memory_space<vmem>>) semaphore(%arg17 : memref<!tpu.dma_semaphore, #tpu.memory_space<semaphore_mem>>)
    %dma_wait3A_376 = arith.constant 31 : i32
    %dma_wait3A_377 = arith.constant 0 : i32
    %dma_wait3A_378 = tpu.memref_slice %arg6[%dma_wait3A_376, %dma_wait3A_377] : memref<32x64xi32, #tpu.memory_space<vmem>> -> memref<1x64xi32, #tpu.memory_space<vmem>>
    %dma_wait3A_379 = tpu.memref_squeeze %dma_wait3A_378 : memref<1x64xi32, #tpu.memory_space<vmem>> -> memref<64xi32, #tpu.memory_space<vmem>>
    %dma_wait3A_380 = arith.constant 0 : i32
    %dma_wait3A_381 = arith.constant 0 : i32
    %dma_wait3A_382 = tpu.memref_slice %arg2[%arg0, %dma_wait3A_380, %dma_wait3A_381] : memref<2x10000x128xf32, #tpu.memory_space<hbm>> -> memref<1x10000x128xf32, #tpu.memory_space<hbm>>
    %dma_wait3A_383 = tpu.memref_squeeze %dma_wait3A_382 : memref<1x10000x128xf32, #tpu.memory_space<hbm>> -> memref<10000x128xf32, #tpu.memory_space<hbm>>
    %dma_wait3A_384 = arith.constant 0 : i32
    %dma_wait3A_385 = arith.constant 0 : i32
    %dma_wait3A_386 = tpu.memref_slice %dma_wait3A_383[%dma_wait3A_384, %dma_wait3A_385] : memref<10000x128xf32, #tpu.memory_space<hbm>> -> memref<10000x128xf32, #tpu.memory_space<hbm>>
    tpu.wait_indirect_dma semaphore(%arg18 : memref<!tpu.dma_semaphore, #tpu.memory_space<semaphore_mem>>) src(%dma_wait3A_386 : memref<10000x128xf32, #tpu.memory_space<hbm>>) dst(%arg13 : memref<64x128xf32, #tpu.memory_space<vmem>>)
    %run_scoped3A_387 = arith.constant 31 : i32
    "tpu.region"() ({
      %run_scoped3A_572 = tpu.sem_alloc : memref<!tpu.dma_semaphore, #tpu.memory_space<semaphore_mem>>
      %dma_start3A_573 = arith.constant 0 : i32
      %dma_start3A_574 = tpu.memref_slice %arg7[%run_scoped3A_387, %dma_start3A_573] : memref<32x64xi32, #tpu.memory_space<vmem>> -> memref<1x64xi32, #tpu.memory_space<vmem>>
      %dma_start3A_575 = tpu.memref_squeeze %dma_start3A_574 : memref<1x64xi32, #tpu.memory_space<vmem>> -> memref<64xi32, #tpu.memory_space<vmem>>
      %dma_start3A_576 = arith.constant 0 : i32
      %dma_start3A_577 = arith.constant 0 : i32
      %dma_start3A_578 = tpu.memref_slice %arg14[%dma_start3A_576, %dma_start3A_577] : memref<10112x128xf32, #tpu.memory_space<vmem_shared>> -> memref<10112x128xf32, #tpu.memory_space<vmem_shared>>
      tpu.enqueue_indirect_dma source(%arg13 : memref<64x128xf32, #tpu.memory_space<vmem>>) target(%dma_start3A_578 : memref<10112x128xf32, #tpu.memory_space<vmem_shared>>) offsets(%dma_start3A_575 : memref<64xi32, #tpu.memory_space<vmem>>) semaphore(%run_scoped3A_572 : memref<!tpu.dma_semaphore, #tpu.memory_space<semaphore_mem>>) {add = true}
      %dma_wait3A_579 = arith.constant 0 : i32
      %dma_wait3A_580 = tpu.memref_slice %arg7[%run_scoped3A_387, %dma_wait3A_579] : memref<32x64xi32, #tpu.memory_space<vmem>> -> memref<1x64xi32, #tpu.memory_space<vmem>>
      %dma_wait3A_581 = tpu.memref_squeeze %dma_wait3A_580 : memref<1x64xi32, #tpu.memory_space<vmem>> -> memref<64xi32, #tpu.memory_space<vmem>>
      %dma_wait3A_582 = arith.constant 0 : i32
      %dma_wait3A_583 = arith.constant 0 : i32
      %dma_wait3A_584 = tpu.memref_slice %arg14[%dma_wait3A_582, %dma_wait3A_583] : memref<10112x128xf32, #tpu.memory_space<vmem_shared>> -> memref<10112x128xf32, #tpu.memory_space<vmem_shared>>
      tpu.wait_indirect_dma semaphore(%run_scoped3A_572 : memref<!tpu.dma_semaphore, #tpu.memory_space<semaphore_mem>>) src(%arg13 : memref<64x128xf32, #tpu.memory_space<vmem>>) dst(%dma_wait3A_584 : memref<10112x128xf32, #tpu.memory_space<vmem_shared>>)
      tpu.yield
    }) : () -> ()
    %dma_start3A_388 = arith.constant 3 : i32
    %dma_start3A_389 = arith.constant 0 : i32
    %dma_start3A_390 = tpu.memref_slice %arg8[%dma_start3A_388, %dma_start3A_389] : memref<32x64xi32, #tpu.memory_space<vmem>> -> memref<1x64xi32, #tpu.memory_space<vmem>>
    %dma_start3A_391 = tpu.memref_squeeze %dma_start3A_390 : memref<1x64xi32, #tpu.memory_space<vmem>> -> memref<64xi32, #tpu.memory_space<vmem>>
    %dma_start3A_392 = arith.constant 0 : i32
    %dma_start3A_393 = arith.constant 0 : i32
    %dma_start3A_394 = tpu.memref_slice %arg2[%arg0, %dma_start3A_392, %dma_start3A_393] : memref<2x10000x128xf32, #tpu.memory_space<hbm>> -> memref<1x10000x128xf32, #tpu.memory_space<hbm>>
    %dma_start3A_395 = tpu.memref_squeeze %dma_start3A_394 : memref<1x10000x128xf32, #tpu.memory_space<hbm>> -> memref<10000x128xf32, #tpu.memory_space<hbm>>
    %dma_start3A_396 = arith.constant 0 : i32
    %dma_start3A_397 = arith.constant 0 : i32
    %dma_start3A_398 = tpu.memref_slice %dma_start3A_395[%dma_start3A_396, %dma_start3A_397] : memref<10000x128xf32, #tpu.memory_space<hbm>> -> memref<10000x128xf32, #tpu.memory_space<hbm>>
    tpu.enqueue_indirect_dma source(%dma_start3A_398 : memref<10000x128xf32, #tpu.memory_space<hbm>>) target(%arg13 : memref<64x128xf32, #tpu.memory_space<vmem>>) offsets(%dma_start3A_391 : memref<64xi32, #tpu.memory_space<vmem>>) semaphore(%arg18 : memref<!tpu.dma_semaphore, #tpu.memory_space<semaphore_mem>>)
    %add3A_399 = arith.constant 128 : i32
    %add3A_400 = arith.addi %mul3A_12, %add3A_399 : i32
    %dma_start3A_401 = arith.constant 0 : i32
    %dma_start3A_402 = tpu.memref_slice %arg3[%add3A_400, %dma_start3A_401] : memref<2560x64xi32, #tpu.memory_space<hbm>> -> memref<32x64xi32, #tpu.memory_space<hbm>>
    %dma_start3A_403 = arith.constant 0 : i32
    %dma_start3A_404 = tpu.memref_slice %arg3[%add3A_400, %dma_start3A_403] : memref<2560x64xi32, #tpu.memory_space<hbm>> -> memref<32x64xi32, #tpu.memory_space<hbm>>
    tpu.enqueue_dma source(%dma_start3A_404 : memref<32x64xi32, #tpu.memory_space<hbm>>) target(%arg6 : memref<32x64xi32, #tpu.memory_space<vmem>>) target_semaphore(%arg19 : memref<!tpu.dma_semaphore, #tpu.memory_space<semaphore_mem>>)
    %dma_start3A_405 = arith.constant 0 : i32
    %dma_start3A_406 = tpu.memref_slice %arg4[%add3A_400, %dma_start3A_405] : memref<2560x64xi32, #tpu.memory_space<hbm>> -> memref<32x64xi32, #tpu.memory_space<hbm>>
    %dma_start3A_407 = arith.constant 0 : i32
    %dma_start3A_408 = tpu.memref_slice %arg4[%add3A_400, %dma_start3A_407] : memref<2560x64xi32, #tpu.memory_space<hbm>> -> memref<32x64xi32, #tpu.memory_space<hbm>>
    tpu.enqueue_dma source(%dma_start3A_408 : memref<32x64xi32, #tpu.memory_space<hbm>>) target(%arg7 : memref<32x64xi32, #tpu.memory_space<vmem>>) target_semaphore(%arg20 : memref<!tpu.dma_semaphore, #tpu.memory_space<semaphore_mem>>)
    %scan3A_409 = arith.constant 0 : i32
    %scan3A_410 = arith.constant 7 : i32
    %scan3A_411 = arith.addi %scan3A_409, %scan3A_410 : i32
    %scan3A_412 = arith.constant 1 : i32
    scf.for %scan3A_572 = %scan3A_409 to %scan3A_411 step %scan3A_412  : i32 {
      %mul3A_573 = arith.constant 4 : i32
      %mul3A_574 = arith.muli %scan3A_572, %mul3A_573 : i32
      %add3A_575 = arith.constant 0 : i32
      %add3A_576 = arith.addi %add3A_575, %mul3A_574 : i32
      %add3A_577 = arith.constant 0 : i32
      %add3A_578 = arith.addi %add3A_576, %add3A_577 : i32
      %dma_wait3A_579 = arith.constant 0 : i32
      %dma_wait3A_580 = tpu.memref_slice %arg8[%add3A_578, %dma_wait3A_579] : memref<32x64xi32, #tpu.memory_space<vmem>> -> memref<1x64xi32, #tpu.memory_space<vmem>>
      %dma_wait3A_581 = tpu.memref_squeeze %dma_wait3A_580 : memref<1x64xi32, #tpu.memory_space<vmem>> -> memref<64xi32, #tpu.memory_space<vmem>>
      %dma_wait3A_582 = arith.constant 0 : i32
      %dma_wait3A_583 = arith.constant 0 : i32
      %dma_wait3A_584 = tpu.memref_slice %arg2[%arg0, %dma_wait3A_582, %dma_wait3A_583] : memref<2x10000x128xf32, #tpu.memory_space<hbm>> -> memref<1x10000x128xf32, #tpu.memory_space<hbm>>
      %dma_wait3A_585 = tpu.memref_squeeze %dma_wait3A_584 : memref<1x10000x128xf32, #tpu.memory_space<hbm>> -> memref<10000x128xf32, #tpu.memory_space<hbm>>
      %dma_wait3A_586 = arith.constant 0 : i32
      %dma_wait3A_587 = arith.constant 0 : i32
      %dma_wait3A_588 = tpu.memref_slice %dma_wait3A_585[%dma_wait3A_586, %dma_wait3A_587] : memref<10000x128xf32, #tpu.memory_space<hbm>> -> memref<10000x128xf32, #tpu.memory_space<hbm>>
      tpu.wait_indirect_dma semaphore(%arg15 : memref<!tpu.dma_semaphore, #tpu.memory_space<semaphore_mem>>) src(%dma_wait3A_588 : memref<10000x128xf32, #tpu.memory_space<hbm>>) dst(%arg10 : memref<64x128xf32, #tpu.memory_space<vmem>>)
      %add3A_589 = arith.constant 0 : i32
      %add3A_590 = arith.addi %add3A_576, %add3A_589 : i32
      "tpu.region"() ({
        %run_scoped3A_689 = tpu.sem_alloc : memref<!tpu.dma_semaphore, #tpu.memory_space<semaphore_mem>>
        %dma_start3A_690 = arith.constant 0 : i32
        %dma_start3A_691 = tpu.memref_slice %arg9[%add3A_590, %dma_start3A_690] : memref<32x64xi32, #tpu.memory_space<vmem>> -> memref<1x64xi32, #tpu.memory_space<vmem>>
        %dma_start3A_692 = tpu.memref_squeeze %dma_start3A_691 : memref<1x64xi32, #tpu.memory_space<vmem>> -> memref<64xi32, #tpu.memory_space<vmem>>
        %dma_start3A_693 = arith.constant 0 : i32
        %dma_start3A_694 = arith.constant 0 : i32
        %dma_start3A_695 = tpu.memref_slice %arg14[%dma_start3A_693, %dma_start3A_694] : memref<10112x128xf32, #tpu.memory_space<vmem_shared>> -> memref<10112x128xf32, #tpu.memory_space<vmem_shared>>
        tpu.enqueue_indirect_dma source(%arg10 : memref<64x128xf32, #tpu.memory_space<vmem>>) target(%dma_start3A_695 : memref<10112x128xf32, #tpu.memory_space<vmem_shared>>) offsets(%dma_start3A_692 : memref<64xi32, #tpu.memory_space<vmem>>) semaphore(%run_scoped3A_689 : memref<!tpu.dma_semaphore, #tpu.memory_space<semaphore_mem>>) {add = true}
        %dma_wait3A_696 = arith.constant 0 : i32
        %dma_wait3A_697 = tpu.memref_slice %arg9[%add3A_590, %dma_wait3A_696] : memref<32x64xi32, #tpu.memory_space<vmem>> -> memref<1x64xi32, #tpu.memory_space<vmem>>
        %dma_wait3A_698 = tpu.memref_squeeze %dma_wait3A_697 : memref<1x64xi32, #tpu.memory_space<vmem>> -> memref<64xi32, #tpu.memory_space<vmem>>
        %dma_wait3A_699 = arith.constant 0 : i32
        %dma_wait3A_700 = arith.constant 0 : i32
        %dma_wait3A_701 = tpu.memref_slice %arg14[%dma_wait3A_699, %dma_wait3A_700] : memref<10112x128xf32, #tpu.memory_space<vmem_shared>> -> memref<10112x128xf32, #tpu.memory_space<vmem_shared>>
        tpu.wait_indirect_dma semaphore(%run_scoped3A_689 : memref<!tpu.dma_semaphore, #tpu.memory_space<semaphore_mem>>) src(%arg10 : memref<64x128xf32, #tpu.memory_space<vmem>>) dst(%dma_wait3A_701 : memref<10112x128xf32, #tpu.memory_space<vmem_shared>>)
        tpu.yield
      }) : () -> ()
      %add3A_591 = arith.constant 0 : i32
      %add3A_592 = arith.addi %add3A_576, %add3A_591 : i32
      %add3A_593 = arith.constant 4 : i32
      %add3A_594 = arith.addi %add3A_592, %add3A_593 : i32
      %dma_start3A_595 = arith.constant 0 : i32
      %dma_start3A_596 = tpu.memref_slice %arg8[%add3A_594, %dma_start3A_595] : memref<32x64xi32, #tpu.memory_space<vmem>> -> memref<1x64xi32, #tpu.memory_space<vmem>>
      %dma_start3A_597 = tpu.memref_squeeze %dma_start3A_596 : memref<1x64xi32, #tpu.memory_space<vmem>> -> memref<64xi32, #tpu.memory_space<vmem>>
      %dma_start3A_598 = arith.constant 0 : i32
      %dma_start3A_599 = arith.constant 0 : i32
      %dma_start3A_600 = tpu.memref_slice %arg2[%arg0, %dma_start3A_598, %dma_start3A_599] : memref<2x10000x128xf32, #tpu.memory_space<hbm>> -> memref<1x10000x128xf32, #tpu.memory_space<hbm>>
      %dma_start3A_601 = tpu.memref_squeeze %dma_start3A_600 : memref<1x10000x128xf32, #tpu.memory_space<hbm>> -> memref<10000x128xf32, #tpu.memory_space<hbm>>
      %dma_start3A_602 = arith.constant 0 : i32
      %dma_start3A_603 = arith.constant 0 : i32
      %dma_start3A_604 = tpu.memref_slice %dma_start3A_601[%dma_start3A_602, %dma_start3A_603] : memref<10000x128xf32, #tpu.memory_space<hbm>> -> memref<10000x128xf32, #tpu.memory_space<hbm>>
      tpu.enqueue_indirect_dma source(%dma_start3A_604 : memref<10000x128xf32, #tpu.memory_space<hbm>>) target(%arg10 : memref<64x128xf32, #tpu.memory_space<vmem>>) offsets(%dma_start3A_597 : memref<64xi32, #tpu.memory_space<vmem>>) semaphore(%arg15 : memref<!tpu.dma_semaphore, #tpu.memory_space<semaphore_mem>>)
      %add3A_605 = arith.constant 1 : i32
      %add3A_606 = arith.addi %add3A_576, %add3A_605 : i32
      %dma_wait3A_607 = arith.constant 0 : i32
      %dma_wait3A_608 = tpu.memref_slice %arg8[%add3A_606, %dma_wait3A_607] : memref<32x64xi32, #tpu.memory_space<vmem>> -> memref<1x64xi32, #tpu.memory_space<vmem>>
      %dma_wait3A_609 = tpu.memref_squeeze %dma_wait3A_608 : memref<1x64xi32, #tpu.memory_space<vmem>> -> memref<64xi32, #tpu.memory_space<vmem>>
      %dma_wait3A_610 = arith.constant 0 : i32
      %dma_wait3A_611 = arith.constant 0 : i32
      %dma_wait3A_612 = tpu.memref_slice %arg2[%arg0, %dma_wait3A_610, %dma_wait3A_611] : memref<2x10000x128xf32, #tpu.memory_space<hbm>> -> memref<1x10000x128xf32, #tpu.memory_space<hbm>>
      %dma_wait3A_613 = tpu.memref_squeeze %dma_wait3A_612 : memref<1x10000x128xf32, #tpu.memory_space<hbm>> -> memref<10000x128xf32, #tpu.memory_space<hbm>>
      %dma_wait3A_614 = arith.constant 0 : i32
      %dma_wait3A_615 = arith.constant 0 : i32
      %dma_wait3A_616 = tpu.memref_slice %dma_wait3A_613[%dma_wait3A_614, %dma_wait3A_615] : memref<10000x128xf32, #tpu.memory_space<hbm>> -> memref<10000x128xf32, #tpu.memory_space<hbm>>
      tpu.wait_indirect_dma semaphore(%arg16 : memref<!tpu.dma_semaphore, #tpu.memory_space<semaphore_mem>>) src(%dma_wait3A_616 : memref<10000x128xf32, #tpu.memory_space<hbm>>) dst(%arg11 : memref<64x128xf32, #tpu.memory_space<vmem>>)
      %add3A_617 = arith.constant 1 : i32
      %add3A_618 = arith.addi %add3A_576, %add3A_617 : i32
      "tpu.region"() ({
        %run_scoped3A_689 = tpu.sem_alloc : memref<!tpu.dma_semaphore, #tpu.memory_space<semaphore_mem>>
        %dma_start3A_690 = arith.constant 0 : i32
        %dma_start3A_691 = tpu.memref_slice %arg9[%add3A_618, %dma_start3A_690] : memref<32x64xi32, #tpu.memory_space<vmem>> -> memref<1x64xi32, #tpu.memory_space<vmem>>
        %dma_start3A_692 = tpu.memref_squeeze %dma_start3A_691 : memref<1x64xi32, #tpu.memory_space<vmem>> -> memref<64xi32, #tpu.memory_space<vmem>>
        %dma_start3A_693 = arith.constant 0 : i32
        %dma_start3A_694 = arith.constant 0 : i32
        %dma_start3A_695 = tpu.memref_slice %arg14[%dma_start3A_693, %dma_start3A_694] : memref<10112x128xf32, #tpu.memory_space<vmem_shared>> -> memref<10112x128xf32, #tpu.memory_space<vmem_shared>>
        tpu.enqueue_indirect_dma source(%arg11 : memref<64x128xf32, #tpu.memory_space<vmem>>) target(%dma_start3A_695 : memref<10112x128xf32, #tpu.memory_space<vmem_shared>>) offsets(%dma_start3A_692 : memref<64xi32, #tpu.memory_space<vmem>>) semaphore(%run_scoped3A_689 : memref<!tpu.dma_semaphore, #tpu.memory_space<semaphore_mem>>) {add = true}
        %dma_wait3A_696 = arith.constant 0 : i32
        %dma_wait3A_697 = tpu.memref_slice %arg9[%add3A_618, %dma_wait3A_696] : memref<32x64xi32, #tpu.memory_space<vmem>> -> memref<1x64xi32, #tpu.memory_space<vmem>>
        %dma_wait3A_698 = tpu.memref_squeeze %dma_wait3A_697 : memref<1x64xi32, #tpu.memory_space<vmem>> -> memref<64xi32, #tpu.memory_space<vmem>>
        %dma_wait3A_699 = arith.constant 0 : i32
        %dma_wait3A_700 = arith.constant 0 : i32
        %dma_wait3A_701 = tpu.memref_slice %arg14[%dma_wait3A_699, %dma_wait3A_700] : memref<10112x128xf32, #tpu.memory_space<vmem_shared>> -> memref<10112x128xf32, #tpu.memory_space<vmem_shared>>
        tpu.wait_indirect_dma semaphore(%run_scoped3A_689 : memref<!tpu.dma_semaphore, #tpu.memory_space<semaphore_mem>>) src(%arg11 : memref<64x128xf32, #tpu.memory_space<vmem>>) dst(%dma_wait3A_701 : memref<10112x128xf32, #tpu.memory_space<vmem_shared>>)
        tpu.yield
      }) : () -> ()
      %add3A_619 = arith.constant 1 : i32
      %add3A_620 = arith.addi %add3A_576, %add3A_619 : i32
      %add3A_621 = arith.constant 4 : i32
      %add3A_622 = arith.addi %add3A_620, %add3A_621 : i32
      %dma_start3A_623 = arith.constant 0 : i32
      %dma_start3A_624 = tpu.memref_slice %arg8[%add3A_622, %dma_start3A_623] : memref<32x64xi32, #tpu.memory_space<vmem>> -> memref<1x64xi32, #tpu.memory_space<vmem>>
      %dma_start3A_625 = tpu.memref_squeeze %dma_start3A_624 : memref<1x64xi32, #tpu.memory_space<vmem>> -> memref<64xi32, #tpu.memory_space<vmem>>
      %dma_start3A_626 = arith.constant 0 : i32
      %dma_start3A_627 = arith.constant 0 : i32
      %dma_start3A_628 = tpu.memref_slice %arg2[%arg0, %dma_start3A_626, %dma_start3A_627] : memref<2x10000x128xf32, #tpu.memory_space<hbm>> -> memref<1x10000x128xf32, #tpu.memory_space<hbm>>
      %dma_start3A_629 = tpu.memref_squeeze %dma_start3A_628 : memref<1x10000x128xf32, #tpu.memory_space<hbm>> -> memref<10000x128xf32, #tpu.memory_space<hbm>>
      %dma_start3A_630 = arith.constant 0 : i32
      %dma_start3A_631 = arith.constant 0 : i32
      %dma_start3A_632 = tpu.memref_slice %dma_start3A_629[%dma_start3A_630, %dma_start3A_631] : memref<10000x128xf32, #tpu.memory_space<hbm>> -> memref<10000x128xf32, #tpu.memory_space<hbm>>
      tpu.enqueue_indirect_dma source(%dma_start3A_632 : memref<10000x128xf32, #tpu.memory_space<hbm>>) target(%arg11 : memref<64x128xf32, #tpu.memory_space<vmem>>) offsets(%dma_start3A_625 : memref<64xi32, #tpu.memory_space<vmem>>) semaphore(%arg16 : memref<!tpu.dma_semaphore, #tpu.memory_space<semaphore_mem>>)
      %add3A_633 = arith.constant 2 : i32
      %add3A_634 = arith.addi %add3A_576, %add3A_633 : i32
      %dma_wait3A_635 = arith.constant 0 : i32
      %dma_wait3A_636 = tpu.memref_slice %arg8[%add3A_634, %dma_wait3A_635] : memref<32x64xi32, #tpu.memory_space<vmem>> -> memref<1x64xi32, #tpu.memory_space<vmem>>
      %dma_wait3A_637 = tpu.memref_squeeze %dma_wait3A_636 : memref<1x64xi32, #tpu.memory_space<vmem>> -> memref<64xi32, #tpu.memory_space<vmem>>
      %dma_wait3A_638 = arith.constant 0 : i32
      %dma_wait3A_639 = arith.constant 0 : i32
      %dma_wait3A_640 = tpu.memref_slice %arg2[%arg0, %dma_wait3A_638, %dma_wait3A_639] : memref<2x10000x128xf32, #tpu.memory_space<hbm>> -> memref<1x10000x128xf32, #tpu.memory_space<hbm>>
      %dma_wait3A_641 = tpu.memref_squeeze %dma_wait3A_640 : memref<1x10000x128xf32, #tpu.memory_space<hbm>> -> memref<10000x128xf32, #tpu.memory_space<hbm>>
      %dma_wait3A_642 = arith.constant 0 : i32
      %dma_wait3A_643 = arith.constant 0 : i32
      %dma_wait3A_644 = tpu.memref_slice %dma_wait3A_641[%dma_wait3A_642, %dma_wait3A_643] : memref<10000x128xf32, #tpu.memory_space<hbm>> -> memref<10000x128xf32, #tpu.memory_space<hbm>>
      tpu.wait_indirect_dma semaphore(%arg17 : memref<!tpu.dma_semaphore, #tpu.memory_space<semaphore_mem>>) src(%dma_wait3A_644 : memref<10000x128xf32, #tpu.memory_space<hbm>>) dst(%arg12 : memref<64x128xf32, #tpu.memory_space<vmem>>)
      %add3A_645 = arith.constant 2 : i32
      %add3A_646 = arith.addi %add3A_576, %add3A_645 : i32
      "tpu.region"() ({
        %run_scoped3A_689 = tpu.sem_alloc : memref<!tpu.dma_semaphore, #tpu.memory_space<semaphore_mem>>
        %dma_start3A_690 = arith.constant 0 : i32
        %dma_start3A_691 = tpu.memref_slice %arg9[%add3A_646, %dma_start3A_690] : memref<32x64xi32, #tpu.memory_space<vmem>> -> memref<1x64xi32, #tpu.memory_space<vmem>>
        %dma_start3A_692 = tpu.memref_squeeze %dma_start3A_691 : memref<1x64xi32, #tpu.memory_space<vmem>> -> memref<64xi32, #tpu.memory_space<vmem>>
        %dma_start3A_693 = arith.constant 0 : i32
        %dma_start3A_694 = arith.constant 0 : i32
        %dma_start3A_695 = tpu.memref_slice %arg14[%dma_start3A_693, %dma_start3A_694] : memref<10112x128xf32, #tpu.memory_space<vmem_shared>> -> memref<10112x128xf32, #tpu.memory_space<vmem_shared>>
        tpu.enqueue_indirect_dma source(%arg12 : memref<64x128xf32, #tpu.memory_space<vmem>>) target(%dma_start3A_695 : memref<10112x128xf32, #tpu.memory_space<vmem_shared>>) offsets(%dma_start3A_692 : memref<64xi32, #tpu.memory_space<vmem>>) semaphore(%run_scoped3A_689 : memref<!tpu.dma_semaphore, #tpu.memory_space<semaphore_mem>>) {add = true}
        %dma_wait3A_696 = arith.constant 0 : i32
        %dma_wait3A_697 = tpu.memref_slice %arg9[%add3A_646, %dma_wait3A_696] : memref<32x64xi32, #tpu.memory_space<vmem>> -> memref<1x64xi32, #tpu.memory_space<vmem>>
        %dma_wait3A_698 = tpu.memref_squeeze %dma_wait3A_697 : memref<1x64xi32, #tpu.memory_space<vmem>> -> memref<64xi32, #tpu.memory_space<vmem>>
        %dma_wait3A_699 = arith.constant 0 : i32
        %dma_wait3A_700 = arith.constant 0 : i32
        %dma_wait3A_701 = tpu.memref_slice %arg14[%dma_wait3A_699, %dma_wait3A_700] : memref<10112x128xf32, #tpu.memory_space<vmem_shared>> -> memref<10112x128xf32, #tpu.memory_space<vmem_shared>>
        tpu.wait_indirect_dma semaphore(%run_scoped3A_689 : memref<!tpu.dma_semaphore, #tpu.memory_space<semaphore_mem>>) src(%arg12 : memref<64x128xf32, #tpu.memory_space<vmem>>) dst(%dma_wait3A_701 : memref<10112x128xf32, #tpu.memory_space<vmem_shared>>)
        tpu.yield
      }) : () -> ()
      %add3A_647 = arith.constant 2 : i32
      %add3A_648 = arith.addi %add3A_576, %add3A_647 : i32
      %add3A_649 = arith.constant 4 : i32
      %add3A_650 = arith.addi %add3A_648, %add3A_649 : i32
      %dma_start3A_651 = arith.constant 0 : i32
      %dma_start3A_652 = tpu.memref_slice %arg8[%add3A_650, %dma_start3A_651] : memref<32x64xi32, #tpu.memory_space<vmem>> -> memref<1x64xi32, #tpu.memory_space<vmem>>
      %dma_start3A_653 = tpu.memref_squeeze %dma_start3A_652 : memref<1x64xi32, #tpu.memory_space<vmem>> -> memref<64xi32, #tpu.memory_space<vmem>>
      %dma_start3A_654 = arith.constant 0 : i32
      %dma_start3A_655 = arith.constant 0 : i32
      %dma_start3A_656 = tpu.memref_slice %arg2[%arg0, %dma_start3A_654, %dma_start3A_655] : memref<2x10000x128xf32, #tpu.memory_space<hbm>> -> memref<1x10000x128xf32, #tpu.memory_space<hbm>>
      %dma_start3A_657 = tpu.memref_squeeze %dma_start3A_656 : memref<1x10000x128xf32, #tpu.memory_space<hbm>> -> memref<10000x128xf32, #tpu.memory_space<hbm>>
      %dma_start3A_658 = arith.constant 0 : i32
      %dma_start3A_659 = arith.constant 0 : i32
      %dma_start3A_660 = tpu.memref_slice %dma_start3A_657[%dma_start3A_658, %dma_start3A_659] : memref<10000x128xf32, #tpu.memory_space<hbm>> -> memref<10000x128xf32, #tpu.memory_space<hbm>>
      tpu.enqueue_indirect_dma source(%dma_start3A_660 : memref<10000x128xf32, #tpu.memory_space<hbm>>) target(%arg12 : memref<64x128xf32, #tpu.memory_space<vmem>>) offsets(%dma_start3A_653 : memref<64xi32, #tpu.memory_space<vmem>>) semaphore(%arg17 : memref<!tpu.dma_semaphore, #tpu.memory_space<semaphore_mem>>)
      %add3A_661 = arith.constant 3 : i32
      %add3A_662 = arith.addi %add3A_576, %add3A_661 : i32
      %dma_wait3A_663 = arith.constant 0 : i32
      %dma_wait3A_664 = tpu.memref_slice %arg8[%add3A_662, %dma_wait3A_663] : memref<32x64xi32, #tpu.memory_space<vmem>> -> memref<1x64xi32, #tpu.memory_space<vmem>>
      %dma_wait3A_665 = tpu.memref_squeeze %dma_wait3A_664 : memref<1x64xi32, #tpu.memory_space<vmem>> -> memref<64xi32, #tpu.memory_space<vmem>>
      %dma_wait3A_666 = arith.constant 0 : i32
      %dma_wait3A_667 = arith.constant 0 : i32
      %dma_wait3A_668 = tpu.memref_slice %arg2[%arg0, %dma_wait3A_666, %dma_wait3A_667] : memref<2x10000x128xf32, #tpu.memory_space<hbm>> -> memref<1x10000x128xf32, #tpu.memory_space<hbm>>
      %dma_wait3A_669 = tpu.memref_squeeze %dma_wait3A_668 : memref<1x10000x128xf32, #tpu.memory_space<hbm>> -> memref<10000x128xf32, #tpu.memory_space<hbm>>
      %dma_wait3A_670 = arith.constant 0 : i32
      %dma_wait3A_671 = arith.constant 0 : i32
      %dma_wait3A_672 = tpu.memref_slice %dma_wait3A_669[%dma_wait3A_670, %dma_wait3A_671] : memref<10000x128xf32, #tpu.memory_space<hbm>> -> memref<10000x128xf32, #tpu.memory_space<hbm>>
      tpu.wait_indirect_dma semaphore(%arg18 : memref<!tpu.dma_semaphore, #tpu.memory_space<semaphore_mem>>) src(%dma_wait3A_672 : memref<10000x128xf32, #tpu.memory_space<hbm>>) dst(%arg13 : memref<64x128xf32, #tpu.memory_space<vmem>>)
      %add3A_673 = arith.constant 3 : i32
      %add3A_674 = arith.addi %add3A_576, %add3A_673 : i32
      "tpu.region"() ({
        %run_scoped3A_689 = tpu.sem_alloc : memref<!tpu.dma_semaphore, #tpu.memory_space<semaphore_mem>>
        %dma_start3A_690 = arith.constant 0 : i32
        %dma_start3A_691 = tpu.memref_slice %arg9[%add3A_674, %dma_start3A_690] : memref<32x64xi32, #tpu.memory_space<vmem>> -> memref<1x64xi32, #tpu.memory_space<vmem>>
        %dma_start3A_692 = tpu.memref_squeeze %dma_start3A_691 : memref<1x64xi32, #tpu.memory_space<vmem>> -> memref<64xi32, #tpu.memory_space<vmem>>
        %dma_start3A_693 = arith.constant 0 : i32
        %dma_start3A_694 = arith.constant 0 : i32
        %dma_start3A_695 = tpu.memref_slice %arg14[%dma_start3A_693, %dma_start3A_694] : memref<10112x128xf32, #tpu.memory_space<vmem_shared>> -> memref<10112x128xf32, #tpu.memory_space<vmem_shared>>
        tpu.enqueue_indirect_dma source(%arg13 : memref<64x128xf32, #tpu.memory_space<vmem>>) target(%dma_start3A_695 : memref<10112x128xf32, #tpu.memory_space<vmem_shared>>) offsets(%dma_start3A_692 : memref<64xi32, #tpu.memory_space<vmem>>) semaphore(%run_scoped3A_689 : memref<!tpu.dma_semaphore, #tpu.memory_space<semaphore_mem>>) {add = true}
        %dma_wait3A_696 = arith.constant 0 : i32
        %dma_wait3A_697 = tpu.memref_slice %arg9[%add3A_674, %dma_wait3A_696] : memref<32x64xi32, #tpu.memory_space<vmem>> -> memref<1x64xi32, #tpu.memory_space<vmem>>
        %dma_wait3A_698 = tpu.memref_squeeze %dma_wait3A_697 : memref<1x64xi32, #tpu.memory_space<vmem>> -> memref<64xi32, #tpu.memory_space<vmem>>
        %dma_wait3A_699 = arith.constant 0 : i32
        %dma_wait3A_700 = arith.constant 0 : i32
        %dma_wait3A_701 = tpu.memref_slice %arg14[%dma_wait3A_699, %dma_wait3A_700] : memref<10112x128xf32, #tpu.memory_space<vmem_shared>> -> memref<10112x128xf32, #tpu.memory_space<vmem_shared>>
        tpu.wait_indirect_dma semaphore(%run_scoped3A_689 : memref<!tpu.dma_semaphore, #tpu.memory_space<semaphore_mem>>) src(%arg13 : memref<64x128xf32, #tpu.memory_space<vmem>>) dst(%dma_wait3A_701 : memref<10112x128xf32, #tpu.memory_space<vmem_shared>>)
        tpu.yield
      }) : () -> ()
      %add3A_675 = arith.constant 3 : i32
      %add3A_676 = arith.addi %add3A_576, %add3A_675 : i32
      %add3A_677 = arith.constant 4 : i32
      %add3A_678 = arith.addi %add3A_676, %add3A_677 : i32
      %dma_start3A_679 = arith.constant 0 : i32
      %dma_start3A_680 = tpu.memref_slice %arg8[%add3A_678, %dma_start3A_679] : memref<32x64xi32, #tpu.memory_space<vmem>> -> memref<1x64xi32, #tpu.memory_space<vmem>>
      %dma_start3A_681 = tpu.memref_squeeze %dma_start3A_680 : memref<1x64xi32, #tpu.memory_space<vmem>> -> memref<64xi32, #tpu.memory_space<vmem>>
      %dma_start3A_682 = arith.constant 0 : i32
      %dma_start3A_683 = arith.constant 0 : i32
      %dma_start3A_684 = tpu.memref_slice %arg2[%arg0, %dma_start3A_682, %dma_start3A_683] : memref<2x10000x128xf32, #tpu.memory_space<hbm>> -> memref<1x10000x128xf32, #tpu.memory_space<hbm>>
      %dma_start3A_685 = tpu.memref_squeeze %dma_start3A_684 : memref<1x10000x128xf32, #tpu.memory_space<hbm>> -> memref<10000x128xf32, #tpu.memory_space<hbm>>
      %dma_start3A_686 = arith.constant 0 : i32
      %dma_start3A_687 = arith.constant 0 : i32
      %dma_start3A_688 = tpu.memref_slice %dma_start3A_685[%dma_start3A_686, %dma_start3A_687] : memref<10000x128xf32, #tpu.memory_space<hbm>> -> memref<10000x128xf32, #tpu.memory_space<hbm>>
      tpu.enqueue_indirect_dma source(%dma_start3A_688 : memref<10000x128xf32, #tpu.memory_space<hbm>>) target(%arg13 : memref<64x128xf32, #tpu.memory_space<vmem>>) offsets(%dma_start3A_681 : memref<64xi32, #tpu.memory_space<vmem>>) semaphore(%arg18 : memref<!tpu.dma_semaphore, #tpu.memory_space<semaphore_mem>>)
    }
    %scan3A_413 = arith.constant 7 : i32
    %dma_wait3A_414 = arith.constant 0 : i32
    %dma_wait3A_415 = tpu.memref_slice %arg3[%add3A_400, %dma_wait3A_414] : memref<2560x64xi32, #tpu.memory_space<hbm>> -> memref<32x64xi32, #tpu.memory_space<hbm>>
    %dma_wait3A_416 = arith.constant 0 : i32
    %dma_wait3A_417 = tpu.memref_slice %arg3[%add3A_400, %dma_wait3A_416] : memref<2560x64xi32, #tpu.memory_space<hbm>> -> memref<32x64xi32, #tpu.memory_space<hbm>>
    tpu.wait_dma2 semaphore(%arg19 : memref<!tpu.dma_semaphore, #tpu.memory_space<semaphore_mem>>) src(%dma_wait3A_417 : memref<32x64xi32, #tpu.memory_space<hbm>>) dst(%arg6 : memref<32x64xi32, #tpu.memory_space<vmem>>)
    %dma_wait3A_418 = arith.constant 0 : i32
    %dma_wait3A_419 = tpu.memref_slice %arg4[%add3A_400, %dma_wait3A_418] : memref<2560x64xi32, #tpu.memory_space<hbm>> -> memref<32x64xi32, #tpu.memory_space<hbm>>
    %dma_wait3A_420 = arith.constant 0 : i32
    %dma_wait3A_421 = tpu.memref_slice %arg4[%add3A_400, %dma_wait3A_420] : memref<2560x64xi32, #tpu.memory_space<hbm>> -> memref<32x64xi32, #tpu.memory_space<hbm>>
    tpu.wait_dma2 semaphore(%arg20 : memref<!tpu.dma_semaphore, #tpu.memory_space<semaphore_mem>>) src(%dma_wait3A_421 : memref<32x64xi32, #tpu.memory_space<hbm>>) dst(%arg7 : memref<32x64xi32, #tpu.memory_space<vmem>>)
    %dma_wait3A_422 = arith.constant 28 : i32
    %dma_wait3A_423 = arith.constant 0 : i32
    %dma_wait3A_424 = tpu.memref_slice %arg8[%dma_wait3A_422, %dma_wait3A_423] : memref<32x64xi32, #tpu.memory_space<vmem>> -> memref<1x64xi32, #tpu.memory_space<vmem>>
    %dma_wait3A_425 = tpu.memref_squeeze %dma_wait3A_424 : memref<1x64xi32, #tpu.memory_space<vmem>> -> memref<64xi32, #tpu.memory_space<vmem>>
    %dma_wait3A_426 = arith.constant 0 : i32
    %dma_wait3A_427 = arith.constant 0 : i32
    %dma_wait3A_428 = tpu.memref_slice %arg2[%arg0, %dma_wait3A_426, %dma_wait3A_427] : memref<2x10000x128xf32, #tpu.memory_space<hbm>> -> memref<1x10000x128xf32, #tpu.memory_space<hbm>>
    %dma_wait3A_429 = tpu.memref_squeeze %dma_wait3A_428 : memref<1x10000x128xf32, #tpu.memory_space<hbm>> -> memref<10000x128xf32, #tpu.memory_space<hbm>>
    %dma_wait3A_430 = arith.constant 0 : i32
    %dma_wait3A_431 = arith.constant 0 : i32
    %dma_wait3A_432 = tpu.memref_slice %dma_wait3A_429[%dma_wait3A_430, %dma_wait3A_431] : memref<10000x128xf32, #tpu.memory_space<hbm>> -> memref<10000x128xf32, #tpu.memory_space<hbm>>
    tpu.wait_indirect_dma semaphore(%arg15 : memref<!tpu.dma_semaphore, #tpu.memory_space<semaphore_mem>>) src(%dma_wait3A_432 : memref<10000x128xf32, #tpu.memory_space<hbm>>) dst(%arg10 : memref<64x128xf32, #tpu.memory_space<vmem>>)
    %run_scoped3A_433 = arith.constant 28 : i32
    "tpu.region"() ({
      %run_scoped3A_572 = tpu.sem_alloc : memref<!tpu.dma_semaphore, #tpu.memory_space<semaphore_mem>>
      %dma_start3A_573 = arith.constant 0 : i32
      %dma_start3A_574 = tpu.memref_slice %arg9[%run_scoped3A_433, %dma_start3A_573] : memref<32x64xi32, #tpu.memory_space<vmem>> -> memref<1x64xi32, #tpu.memory_space<vmem>>
      %dma_start3A_575 = tpu.memref_squeeze %dma_start3A_574 : memref<1x64xi32, #tpu.memory_space<vmem>> -> memref<64xi32, #tpu.memory_space<vmem>>
      %dma_start3A_576 = arith.constant 0 : i32
      %dma_start3A_577 = arith.constant 0 : i32
      %dma_start3A_578 = tpu.memref_slice %arg14[%dma_start3A_576, %dma_start3A_577] : memref<10112x128xf32, #tpu.memory_space<vmem_shared>> -> memref<10112x128xf32, #tpu.memory_space<vmem_shared>>
      tpu.enqueue_indirect_dma source(%arg10 : memref<64x128xf32, #tpu.memory_space<vmem>>) target(%dma_start3A_578 : memref<10112x128xf32, #tpu.memory_space<vmem_shared>>) offsets(%dma_start3A_575 : memref<64xi32, #tpu.memory_space<vmem>>) semaphore(%run_scoped3A_572 : memref<!tpu.dma_semaphore, #tpu.memory_space<semaphore_mem>>) {add = true}
      %dma_wait3A_579 = arith.constant 0 : i32
      %dma_wait3A_580 = tpu.memref_slice %arg9[%run_scoped3A_433, %dma_wait3A_579] : memref<32x64xi32, #tpu.memory_space<vmem>> -> memref<1x64xi32, #tpu.memory_space<vmem>>
      %dma_wait3A_581 = tpu.memref_squeeze %dma_wait3A_580 : memref<1x64xi32, #tpu.memory_space<vmem>> -> memref<64xi32, #tpu.memory_space<vmem>>
      %dma_wait3A_582 = arith.constant 0 : i32
      %dma_wait3A_583 = arith.constant 0 : i32
      %dma_wait3A_584 = tpu.memref_slice %arg14[%dma_wait3A_582, %dma_wait3A_583] : memref<10112x128xf32, #tpu.memory_space<vmem_shared>> -> memref<10112x128xf32, #tpu.memory_space<vmem_shared>>
      tpu.wait_indirect_dma semaphore(%run_scoped3A_572 : memref<!tpu.dma_semaphore, #tpu.memory_space<semaphore_mem>>) src(%arg10 : memref<64x128xf32, #tpu.memory_space<vmem>>) dst(%dma_wait3A_584 : memref<10112x128xf32, #tpu.memory_space<vmem_shared>>)
      tpu.yield
    }) : () -> ()
    %dma_start3A_434 = arith.constant 0 : i32
    %dma_start3A_435 = arith.constant 0 : i32
    %dma_start3A_436 = tpu.memref_slice %arg6[%dma_start3A_434, %dma_start3A_435] : memref<32x64xi32, #tpu.memory_space<vmem>> -> memref<1x64xi32, #tpu.memory_space<vmem>>
    %dma_start3A_437 = tpu.memref_squeeze %dma_start3A_436 : memref<1x64xi32, #tpu.memory_space<vmem>> -> memref<64xi32, #tpu.memory_space<vmem>>
    %dma_start3A_438 = arith.constant 0 : i32
    %dma_start3A_439 = arith.constant 0 : i32
    %dma_start3A_440 = tpu.memref_slice %arg2[%arg0, %dma_start3A_438, %dma_start3A_439] : memref<2x10000x128xf32, #tpu.memory_space<hbm>> -> memref<1x10000x128xf32, #tpu.memory_space<hbm>>
    %dma_start3A_441 = tpu.memref_squeeze %dma_start3A_440 : memref<1x10000x128xf32, #tpu.memory_space<hbm>> -> memref<10000x128xf32, #tpu.memory_space<hbm>>
    %dma_start3A_442 = arith.constant 0 : i32
    %dma_start3A_443 = arith.constant 0 : i32
    %dma_start3A_444 = tpu.memref_slice %dma_start3A_441[%dma_start3A_442, %dma_start3A_443] : memref<10000x128xf32, #tpu.memory_space<hbm>> -> memref<10000x128xf32, #tpu.memory_space<hbm>>
    tpu.enqueue_indirect_dma source(%dma_start3A_444 : memref<10000x128xf32, #tpu.memory_space<hbm>>) target(%arg10 : memref<64x128xf32, #tpu.memory_space<vmem>>) offsets(%dma_start3A_437 : memref<64xi32, #tpu.memory_space<vmem>>) semaphore(%arg15 : memref<!tpu.dma_semaphore, #tpu.memory_space<semaphore_mem>>)
    %dma_wait3A_445 = arith.constant 29 : i32
    %dma_wait3A_446 = arith.constant 0 : i32
    %dma_wait3A_447 = tpu.memref_slice %arg8[%dma_wait3A_445, %dma_wait3A_446] : memref<32x64xi32, #tpu.memory_space<vmem>> -> memref<1x64xi32, #tpu.memory_space<vmem>>
    %dma_wait3A_448 = tpu.memref_squeeze %dma_wait3A_447 : memref<1x64xi32, #tpu.memory_space<vmem>> -> memref<64xi32, #tpu.memory_space<vmem>>
    %dma_wait3A_449 = arith.constant 0 : i32
    %dma_wait3A_450 = arith.constant 0 : i32
    %dma_wait3A_451 = tpu.memref_slice %arg2[%arg0, %dma_wait3A_449, %dma_wait3A_450] : memref<2x10000x128xf32, #tpu.memory_space<hbm>> -> memref<1x10000x128xf32, #tpu.memory_space<hbm>>
    %dma_wait3A_452 = tpu.memref_squeeze %dma_wait3A_451 : memref<1x10000x128xf32, #tpu.memory_space<hbm>> -> memref<10000x128xf32, #tpu.memory_space<hbm>>
    %dma_wait3A_453 = arith.constant 0 : i32
    %dma_wait3A_454 = arith.constant 0 : i32
    %dma_wait3A_455 = tpu.memref_slice %dma_wait3A_452[%dma_wait3A_453, %dma_wait3A_454] : memref<10000x128xf32, #tpu.memory_space<hbm>> -> memref<10000x128xf32, #tpu.memory_space<hbm>>
    tpu.wait_indirect_dma semaphore(%arg16 : memref<!tpu.dma_semaphore, #tpu.memory_space<semaphore_mem>>) src(%dma_wait3A_455 : memref<10000x128xf32, #tpu.memory_space<hbm>>) dst(%arg11 : memref<64x128xf32, #tpu.memory_space<vmem>>)
    %run_scoped3A_456 = arith.constant 29 : i32
    "tpu.region"() ({
      %run_scoped3A_572 = tpu.sem_alloc : memref<!tpu.dma_semaphore, #tpu.memory_space<semaphore_mem>>
      %dma_start3A_573 = arith.constant 0 : i32
      %dma_start3A_574 = tpu.memref_slice %arg9[%run_scoped3A_456, %dma_start3A_573] : memref<32x64xi32, #tpu.memory_space<vmem>> -> memref<1x64xi32, #tpu.memory_space<vmem>>
      %dma_start3A_575 = tpu.memref_squeeze %dma_start3A_574 : memref<1x64xi32, #tpu.memory_space<vmem>> -> memref<64xi32, #tpu.memory_space<vmem>>
      %dma_start3A_576 = arith.constant 0 : i32
      %dma_start3A_577 = arith.constant 0 : i32
      %dma_start3A_578 = tpu.memref_slice %arg14[%dma_start3A_576, %dma_start3A_577] : memref<10112x128xf32, #tpu.memory_space<vmem_shared>> -> memref<10112x128xf32, #tpu.memory_space<vmem_shared>>
      tpu.enqueue_indirect_dma source(%arg11 : memref<64x128xf32, #tpu.memory_space<vmem>>) target(%dma_start3A_578 : memref<10112x128xf32, #tpu.memory_space<vmem_shared>>) offsets(%dma_start3A_575 : memref<64xi32, #tpu.memory_space<vmem>>) semaphore(%run_scoped3A_572 : memref<!tpu.dma_semaphore, #tpu.memory_space<semaphore_mem>>) {add = true}
      %dma_wait3A_579 = arith.constant 0 : i32
      %dma_wait3A_580 = tpu.memref_slice %arg9[%run_scoped3A_456, %dma_wait3A_579] : memref<32x64xi32, #tpu.memory_space<vmem>> -> memref<1x64xi32, #tpu.memory_space<vmem>>
      %dma_wait3A_581 = tpu.memref_squeeze %dma_wait3A_580 : memref<1x64xi32, #tpu.memory_space<vmem>> -> memref<64xi32, #tpu.memory_space<vmem>>
      %dma_wait3A_582 = arith.constant 0 : i32
      %dma_wait3A_583 = arith.constant 0 : i32
      %dma_wait3A_584 = tpu.memref_slice %arg14[%dma_wait3A_582, %dma_wait3A_583] : memref<10112x128xf32, #tpu.memory_space<vmem_shared>> -> memref<10112x128xf32, #tpu.memory_space<vmem_shared>>
      tpu.wait_indirect_dma semaphore(%run_scoped3A_572 : memref<!tpu.dma_semaphore, #tpu.memory_space<semaphore_mem>>) src(%arg11 : memref<64x128xf32, #tpu.memory_space<vmem>>) dst(%dma_wait3A_584 : memref<10112x128xf32, #tpu.memory_space<vmem_shared>>)
      tpu.yield
    }) : () -> ()
    %dma_start3A_457 = arith.constant 1 : i32
    %dma_start3A_458 = arith.constant 0 : i32
    %dma_start3A_459 = tpu.memref_slice %arg6[%dma_start3A_457, %dma_start3A_458] : memref<32x64xi32, #tpu.memory_space<vmem>> -> memref<1x64xi32, #tpu.memory_space<vmem>>
    %dma_start3A_460 = tpu.memref_squeeze %dma_start3A_459 : memref<1x64xi32, #tpu.memory_space<vmem>> -> memref<64xi32, #tpu.memory_space<vmem>>
    %dma_start3A_461 = arith.constant 0 : i32
    %dma_start3A_462 = arith.constant 0 : i32
    %dma_start3A_463 = tpu.memref_slice %arg2[%arg0, %dma_start3A_461, %dma_start3A_462] : memref<2x10000x128xf32, #tpu.memory_space<hbm>> -> memref<1x10000x128xf32, #tpu.memory_space<hbm>>
    %dma_start3A_464 = tpu.memref_squeeze %dma_start3A_463 : memref<1x10000x128xf32, #tpu.memory_space<hbm>> -> memref<10000x128xf32, #tpu.memory_space<hbm>>
    %dma_start3A_465 = arith.constant 0 : i32
    %dma_start3A_466 = arith.constant 0 : i32
    %dma_start3A_467 = tpu.memref_slice %dma_start3A_464[%dma_start3A_465, %dma_start3A_466] : memref<10000x128xf32, #tpu.memory_space<hbm>> -> memref<10000x128xf32, #tpu.memory_space<hbm>>
    tpu.enqueue_indirect_dma source(%dma_start3A_467 : memref<10000x128xf32, #tpu.memory_space<hbm>>) target(%arg11 : memref<64x128xf32, #tpu.memory_space<vmem>>) offsets(%dma_start3A_460 : memref<64xi32, #tpu.memory_space<vmem>>) semaphore(%arg16 : memref<!tpu.dma_semaphore, #tpu.memory_space<semaphore_mem>>)
    %dma_wait3A_468 = arith.constant 30 : i32
    %dma_wait3A_469 = arith.constant 0 : i32
    %dma_wait3A_470 = tpu.memref_slice %arg8[%dma_wait3A_468, %dma_wait3A_469] : memref<32x64xi32, #tpu.memory_space<vmem>> -> memref<1x64xi32, #tpu.memory_space<vmem>>
    %dma_wait3A_471 = tpu.memref_squeeze %dma_wait3A_470 : memref<1x64xi32, #tpu.memory_space<vmem>> -> memref<64xi32, #tpu.memory_space<vmem>>
    %dma_wait3A_472 = arith.constant 0 : i32
    %dma_wait3A_473 = arith.constant 0 : i32
    %dma_wait3A_474 = tpu.memref_slice %arg2[%arg0, %dma_wait3A_472, %dma_wait3A_473] : memref<2x10000x128xf32, #tpu.memory_space<hbm>> -> memref<1x10000x128xf32, #tpu.memory_space<hbm>>
    %dma_wait3A_475 = tpu.memref_squeeze %dma_wait3A_474 : memref<1x10000x128xf32, #tpu.memory_space<hbm>> -> memref<10000x128xf32, #tpu.memory_space<hbm>>
    %dma_wait3A_476 = arith.constant 0 : i32
    %dma_wait3A_477 = arith.constant 0 : i32
    %dma_wait3A_478 = tpu.memref_slice %dma_wait3A_475[%dma_wait3A_476, %dma_wait3A_477] : memref<10000x128xf32, #tpu.memory_space<hbm>> -> memref<10000x128xf32, #tpu.memory_space<hbm>>
    tpu.wait_indirect_dma semaphore(%arg17 : memref<!tpu.dma_semaphore, #tpu.memory_space<semaphore_mem>>) src(%dma_wait3A_478 : memref<10000x128xf32, #tpu.memory_space<hbm>>) dst(%arg12 : memref<64x128xf32, #tpu.memory_space<vmem>>)
    %run_scoped3A_479 = arith.constant 30 : i32
    "tpu.region"() ({
      %run_scoped3A_572 = tpu.sem_alloc : memref<!tpu.dma_semaphore, #tpu.memory_space<semaphore_mem>>
      %dma_start3A_573 = arith.constant 0 : i32
      %dma_start3A_574 = tpu.memref_slice %arg9[%run_scoped3A_479, %dma_start3A_573] : memref<32x64xi32, #tpu.memory_space<vmem>> -> memref<1x64xi32, #tpu.memory_space<vmem>>
      %dma_start3A_575 = tpu.memref_squeeze %dma_start3A_574 : memref<1x64xi32, #tpu.memory_space<vmem>> -> memref<64xi32, #tpu.memory_space<vmem>>
      %dma_start3A_576 = arith.constant 0 : i32
      %dma_start3A_577 = arith.constant 0 : i32
      %dma_start3A_578 = tpu.memref_slice %arg14[%dma_start3A_576, %dma_start3A_577] : memref<10112x128xf32, #tpu.memory_space<vmem_shared>> -> memref<10112x128xf32, #tpu.memory_space<vmem_shared>>
      tpu.enqueue_indirect_dma source(%arg12 : memref<64x128xf32, #tpu.memory_space<vmem>>) target(%dma_start3A_578 : memref<10112x128xf32, #tpu.memory_space<vmem_shared>>) offsets(%dma_start3A_575 : memref<64xi32, #tpu.memory_space<vmem>>) semaphore(%run_scoped3A_572 : memref<!tpu.dma_semaphore, #tpu.memory_space<semaphore_mem>>) {add = true}
      %dma_wait3A_579 = arith.constant 0 : i32
      %dma_wait3A_580 = tpu.memref_slice %arg9[%run_scoped3A_479, %dma_wait3A_579] : memref<32x64xi32, #tpu.memory_space<vmem>> -> memref<1x64xi32, #tpu.memory_space<vmem>>
      %dma_wait3A_581 = tpu.memref_squeeze %dma_wait3A_580 : memref<1x64xi32, #tpu.memory_space<vmem>> -> memref<64xi32, #tpu.memory_space<vmem>>
      %dma_wait3A_582 = arith.constant 0 : i32
      %dma_wait3A_583 = arith.constant 0 : i32
      %dma_wait3A_584 = tpu.memref_slice %arg14[%dma_wait3A_582, %dma_wait3A_583] : memref<10112x128xf32, #tpu.memory_space<vmem_shared>> -> memref<10112x128xf32, #tpu.memory_space<vmem_shared>>
      tpu.wait_indirect_dma semaphore(%run_scoped3A_572 : memref<!tpu.dma_semaphore, #tpu.memory_space<semaphore_mem>>) src(%arg12 : memref<64x128xf32, #tpu.memory_space<vmem>>) dst(%dma_wait3A_584 : memref<10112x128xf32, #tpu.memory_space<vmem_shared>>)
      tpu.yield
    }) : () -> ()
    %dma_start3A_480 = arith.constant 2 : i32
    %dma_start3A_481 = arith.constant 0 : i32
    %dma_start3A_482 = tpu.memref_slice %arg6[%dma_start3A_480, %dma_start3A_481] : memref<32x64xi32, #tpu.memory_space<vmem>> -> memref<1x64xi32, #tpu.memory_space<vmem>>
    %dma_start3A_483 = tpu.memref_squeeze %dma_start3A_482 : memref<1x64xi32, #tpu.memory_space<vmem>> -> memref<64xi32, #tpu.memory_space<vmem>>
    %dma_start3A_484 = arith.constant 0 : i32
    %dma_start3A_485 = arith.constant 0 : i32
    %dma_start3A_486 = tpu.memref_slice %arg2[%arg0, %dma_start3A_484, %dma_start3A_485] : memref<2x10000x128xf32, #tpu.memory_space<hbm>> -> memref<1x10000x128xf32, #tpu.memory_space<hbm>>
    %dma_start3A_487 = tpu.memref_squeeze %dma_start3A_486 : memref<1x10000x128xf32, #tpu.memory_space<hbm>> -> memref<10000x128xf32, #tpu.memory_space<hbm>>
    %dma_start3A_488 = arith.constant 0 : i32
    %dma_start3A_489 = arith.constant 0 : i32
    %dma_start3A_490 = tpu.memref_slice %dma_start3A_487[%dma_start3A_488, %dma_start3A_489] : memref<10000x128xf32, #tpu.memory_space<hbm>> -> memref<10000x128xf32, #tpu.memory_space<hbm>>
    tpu.enqueue_indirect_dma source(%dma_start3A_490 : memref<10000x128xf32, #tpu.memory_space<hbm>>) target(%arg12 : memref<64x128xf32, #tpu.memory_space<vmem>>) offsets(%dma_start3A_483 : memref<64xi32, #tpu.memory_space<vmem>>) semaphore(%arg17 : memref<!tpu.dma_semaphore, #tpu.memory_space<semaphore_mem>>)
    %dma_wait3A_491 = arith.constant 31 : i32
    %dma_wait3A_492 = arith.constant 0 : i32
    %dma_wait3A_493 = tpu.memref_slice %arg8[%dma_wait3A_491, %dma_wait3A_492] : memref<32x64xi32, #tpu.memory_space<vmem>> -> memref<1x64xi32, #tpu.memory_space<vmem>>
    %dma_wait3A_494 = tpu.memref_squeeze %dma_wait3A_493 : memref<1x64xi32, #tpu.memory_space<vmem>> -> memref<64xi32, #tpu.memory_space<vmem>>
    %dma_wait3A_495 = arith.constant 0 : i32
    %dma_wait3A_496 = arith.constant 0 : i32
    %dma_wait3A_497 = tpu.memref_slice %arg2[%arg0, %dma_wait3A_495, %dma_wait3A_496] : memref<2x10000x128xf32, #tpu.memory_space<hbm>> -> memref<1x10000x128xf32, #tpu.memory_space<hbm>>
    %dma_wait3A_498 = tpu.memref_squeeze %dma_wait3A_497 : memref<1x10000x128xf32, #tpu.memory_space<hbm>> -> memref<10000x128xf32, #tpu.memory_space<hbm>>
    %dma_wait3A_499 = arith.constant 0 : i32
    %dma_wait3A_500 = arith.constant 0 : i32
    %dma_wait3A_501 = tpu.memref_slice %dma_wait3A_498[%dma_wait3A_499, %dma_wait3A_500] : memref<10000x128xf32, #tpu.memory_space<hbm>> -> memref<10000x128xf32, #tpu.memory_space<hbm>>
    tpu.wait_indirect_dma semaphore(%arg18 : memref<!tpu.dma_semaphore, #tpu.memory_space<semaphore_mem>>) src(%dma_wait3A_501 : memref<10000x128xf32, #tpu.memory_space<hbm>>) dst(%arg13 : memref<64x128xf32, #tpu.memory_space<vmem>>)
    %run_scoped3A_502 = arith.constant 31 : i32
    "tpu.region"() ({
      %run_scoped3A_572 = tpu.sem_alloc : memref<!tpu.dma_semaphore, #tpu.memory_space<semaphore_mem>>
      %dma_start3A_573 = arith.constant 0 : i32
      %dma_start3A_574 = tpu.memref_slice %arg9[%run_scoped3A_502, %dma_start3A_573] : memref<32x64xi32, #tpu.memory_space<vmem>> -> memref<1x64xi32, #tpu.memory_space<vmem>>
      %dma_start3A_575 = tpu.memref_squeeze %dma_start3A_574 : memref<1x64xi32, #tpu.memory_space<vmem>> -> memref<64xi32, #tpu.memory_space<vmem>>
      %dma_start3A_576 = arith.constant 0 : i32
      %dma_start3A_577 = arith.constant 0 : i32
      %dma_start3A_578 = tpu.memref_slice %arg14[%dma_start3A_576, %dma_start3A_577] : memref<10112x128xf32, #tpu.memory_space<vmem_shared>> -> memref<10112x128xf32, #tpu.memory_space<vmem_shared>>
      tpu.enqueue_indirect_dma source(%arg13 : memref<64x128xf32, #tpu.memory_space<vmem>>) target(%dma_start3A_578 : memref<10112x128xf32, #tpu.memory_space<vmem_shared>>) offsets(%dma_start3A_575 : memref<64xi32, #tpu.memory_space<vmem>>) semaphore(%run_scoped3A_572 : memref<!tpu.dma_semaphore, #tpu.memory_space<semaphore_mem>>) {add = true}
      %dma_wait3A_579 = arith.constant 0 : i32
      %dma_wait3A_580 = tpu.memref_slice %arg9[%run_scoped3A_502, %dma_wait3A_579] : memref<32x64xi32, #tpu.memory_space<vmem>> -> memref<1x64xi32, #tpu.memory_space<vmem>>
      %dma_wait3A_581 = tpu.memref_squeeze %dma_wait3A_580 : memref<1x64xi32, #tpu.memory_space<vmem>> -> memref<64xi32, #tpu.memory_space<vmem>>
      %dma_wait3A_582 = arith.constant 0 : i32
      %dma_wait3A_583 = arith.constant 0 : i32
      %dma_wait3A_584 = tpu.memref_slice %arg14[%dma_wait3A_582, %dma_wait3A_583] : memref<10112x128xf32, #tpu.memory_space<vmem_shared>> -> memref<10112x128xf32, #tpu.memory_space<vmem_shared>>
      tpu.wait_indirect_dma semaphore(%run_scoped3A_572 : memref<!tpu.dma_semaphore, #tpu.memory_space<semaphore_mem>>) src(%arg13 : memref<64x128xf32, #tpu.memory_space<vmem>>) dst(%dma_wait3A_584 : memref<10112x128xf32, #tpu.memory_space<vmem_shared>>)
      tpu.yield
    }) : () -> ()
    %dma_start3A_503 = arith.constant 3 : i32
    %dma_start3A_504 = arith.constant 0 : i32
    %dma_start3A_505 = tpu.memref_slice %arg6[%dma_start3A_503, %dma_start3A_504] : memref<32x64xi32, #tpu.memory_space<vmem>> -> memref<1x64xi32, #tpu.memory_space<vmem>>
    %dma_start3A_506 = tpu.memref_squeeze %dma_start3A_505 : memref<1x64xi32, #tpu.memory_space<vmem>> -> memref<64xi32, #tpu.memory_space<vmem>>
    %dma_start3A_507 = arith.constant 0 : i32
    %dma_start3A_508 = arith.constant 0 : i32
    %dma_start3A_509 = tpu.memref_slice %arg2[%arg0, %dma_start3A_507, %dma_start3A_508] : memref<2x10000x128xf32, #tpu.memory_space<hbm>> -> memref<1x10000x128xf32, #tpu.memory_space<hbm>>
    %dma_start3A_510 = tpu.memref_squeeze %dma_start3A_509 : memref<1x10000x128xf32, #tpu.memory_space<hbm>> -> memref<10000x128xf32, #tpu.memory_space<hbm>>
    %dma_start3A_511 = arith.constant 0 : i32
    %dma_start3A_512 = arith.constant 0 : i32
    %dma_start3A_513 = tpu.memref_slice %dma_start3A_510[%dma_start3A_511, %dma_start3A_512] : memref<10000x128xf32, #tpu.memory_space<hbm>> -> memref<10000x128xf32, #tpu.memory_space<hbm>>
    tpu.enqueue_indirect_dma source(%dma_start3A_513 : memref<10000x128xf32, #tpu.memory_space<hbm>>) target(%arg13 : memref<64x128xf32, #tpu.memory_space<vmem>>) offsets(%dma_start3A_506 : memref<64xi32, #tpu.memory_space<vmem>>) semaphore(%arg18 : memref<!tpu.dma_semaphore, #tpu.memory_space<semaphore_mem>>)
    %scan3A_514 = arith.constant 0 : i32
    %scan3A_515 = arith.constant 7 : i32
    %scan3A_516 = arith.addi %scan3A_514, %scan3A_515 : i32
    %scan3A_517 = arith.constant 1 : i32
    scf.for %scan3A_572 = %scan3A_514 to %scan3A_516 step %scan3A_517  : i32 {
      %mul3A_573 = arith.constant 4 : i32
      %mul3A_574 = arith.muli %scan3A_572, %mul3A_573 : i32
      %add3A_575 = arith.constant 0 : i32
      %add3A_576 = arith.addi %add3A_575, %mul3A_574 : i32
      %add3A_577 = arith.constant 0 : i32
      %add3A_578 = arith.addi %add3A_576, %add3A_577 : i32
      %dma_wait3A_579 = arith.constant 0 : i32
      %dma_wait3A_580 = tpu.memref_slice %arg6[%add3A_578, %dma_wait3A_579] : memref<32x64xi32, #tpu.memory_space<vmem>> -> memref<1x64xi32, #tpu.memory_space<vmem>>
      %dma_wait3A_581 = tpu.memref_squeeze %dma_wait3A_580 : memref<1x64xi32, #tpu.memory_space<vmem>> -> memref<64xi32, #tpu.memory_space<vmem>>
      %dma_wait3A_582 = arith.constant 0 : i32
      %dma_wait3A_583 = arith.constant 0 : i32
      %dma_wait3A_584 = tpu.memref_slice %arg2[%arg0, %dma_wait3A_582, %dma_wait3A_583] : memref<2x10000x128xf32, #tpu.memory_space<hbm>> -> memref<1x10000x128xf32, #tpu.memory_space<hbm>>
      %dma_wait3A_585 = tpu.memref_squeeze %dma_wait3A_584 : memref<1x10000x128xf32, #tpu.memory_space<hbm>> -> memref<10000x128xf32, #tpu.memory_space<hbm>>
      %dma_wait3A_586 = arith.constant 0 : i32
      %dma_wait3A_587 = arith.constant 0 : i32
      %dma_wait3A_588 = tpu.memref_slice %dma_wait3A_585[%dma_wait3A_586, %dma_wait3A_587] : memref<10000x128xf32, #tpu.memory_space<hbm>> -> memref<10000x128xf32, #tpu.memory_space<hbm>>
      tpu.wait_indirect_dma semaphore(%arg15 : memref<!tpu.dma_semaphore, #tpu.memory_space<semaphore_mem>>) src(%dma_wait3A_588 : memref<10000x128xf32, #tpu.memory_space<hbm>>) dst(%arg10 : memref<64x128xf32, #tpu.memory_space<vmem>>)
      %add3A_589 = arith.constant 0 : i32
      %add3A_590 = arith.addi %add3A_576, %add3A_589 : i32
      "tpu.region"() ({
        %run_scoped3A_689 = tpu.sem_alloc : memref<!tpu.dma_semaphore, #tpu.memory_space<semaphore_mem>>
        %dma_start3A_690 = arith.constant 0 : i32
        %dma_start3A_691 = tpu.memref_slice %arg7[%add3A_590, %dma_start3A_690] : memref<32x64xi32, #tpu.memory_space<vmem>> -> memref<1x64xi32, #tpu.memory_space<vmem>>
        %dma_start3A_692 = tpu.memref_squeeze %dma_start3A_691 : memref<1x64xi32, #tpu.memory_space<vmem>> -> memref<64xi32, #tpu.memory_space<vmem>>
        %dma_start3A_693 = arith.constant 0 : i32
        %dma_start3A_694 = arith.constant 0 : i32
        %dma_start3A_695 = tpu.memref_slice %arg14[%dma_start3A_693, %dma_start3A_694] : memref<10112x128xf32, #tpu.memory_space<vmem_shared>> -> memref<10112x128xf32, #tpu.memory_space<vmem_shared>>
        tpu.enqueue_indirect_dma source(%arg10 : memref<64x128xf32, #tpu.memory_space<vmem>>) target(%dma_start3A_695 : memref<10112x128xf32, #tpu.memory_space<vmem_shared>>) offsets(%dma_start3A_692 : memref<64xi32, #tpu.memory_space<vmem>>) semaphore(%run_scoped3A_689 : memref<!tpu.dma_semaphore, #tpu.memory_space<semaphore_mem>>) {add = true}
        %dma_wait3A_696 = arith.constant 0 : i32
        %dma_wait3A_697 = tpu.memref_slice %arg7[%add3A_590, %dma_wait3A_696] : memref<32x64xi32, #tpu.memory_space<vmem>> -> memref<1x64xi32, #tpu.memory_space<vmem>>
        %dma_wait3A_698 = tpu.memref_squeeze %dma_wait3A_697 : memref<1x64xi32, #tpu.memory_space<vmem>> -> memref<64xi32, #tpu.memory_space<vmem>>
        %dma_wait3A_699 = arith.constant 0 : i32
        %dma_wait3A_700 = arith.constant 0 : i32
        %dma_wait3A_701 = tpu.memref_slice %arg14[%dma_wait3A_699, %dma_wait3A_700] : memref<10112x128xf32, #tpu.memory_space<vmem_shared>> -> memref<10112x128xf32, #tpu.memory_space<vmem_shared>>
        tpu.wait_indirect_dma semaphore(%run_scoped3A_689 : memref<!tpu.dma_semaphore, #tpu.memory_space<semaphore_mem>>) src(%arg10 : memref<64x128xf32, #tpu.memory_space<vmem>>) dst(%dma_wait3A_701 : memref<10112x128xf32, #tpu.memory_space<vmem_shared>>)
        tpu.yield
      }) : () -> ()
      %add3A_591 = arith.constant 0 : i32
      %add3A_592 = arith.addi %add3A_576, %add3A_591 : i32
      %add3A_593 = arith.constant 4 : i32
      %add3A_594 = arith.addi %add3A_592, %add3A_593 : i32
      %dma_start3A_595 = arith.constant 0 : i32
      %dma_start3A_596 = tpu.memref_slice %arg6[%add3A_594, %dma_start3A_595] : memref<32x64xi32, #tpu.memory_space<vmem>> -> memref<1x64xi32, #tpu.memory_space<vmem>>
      %dma_start3A_597 = tpu.memref_squeeze %dma_start3A_596 : memref<1x64xi32, #tpu.memory_space<vmem>> -> memref<64xi32, #tpu.memory_space<vmem>>
      %dma_start3A_598 = arith.constant 0 : i32
      %dma_start3A_599 = arith.constant 0 : i32
      %dma_start3A_600 = tpu.memref_slice %arg2[%arg0, %dma_start3A_598, %dma_start3A_599] : memref<2x10000x128xf32, #tpu.memory_space<hbm>> -> memref<1x10000x128xf32, #tpu.memory_space<hbm>>
      %dma_start3A_601 = tpu.memref_squeeze %dma_start3A_600 : memref<1x10000x128xf32, #tpu.memory_space<hbm>> -> memref<10000x128xf32, #tpu.memory_space<hbm>>
      %dma_start3A_602 = arith.constant 0 : i32
      %dma_start3A_603 = arith.constant 0 : i32
      %dma_start3A_604 = tpu.memref_slice %dma_start3A_601[%dma_start3A_602, %dma_start3A_603] : memref<10000x128xf32, #tpu.memory_space<hbm>> -> memref<10000x128xf32, #tpu.memory_space<hbm>>
      tpu.enqueue_indirect_dma source(%dma_start3A_604 : memref<10000x128xf32, #tpu.memory_space<hbm>>) target(%arg10 : memref<64x128xf32, #tpu.memory_space<vmem>>) offsets(%dma_start3A_597 : memref<64xi32, #tpu.memory_space<vmem>>) semaphore(%arg15 : memref<!tpu.dma_semaphore, #tpu.memory_space<semaphore_mem>>)
      %add3A_605 = arith.constant 1 : i32
      %add3A_606 = arith.addi %add3A_576, %add3A_605 : i32
      %dma_wait3A_607 = arith.constant 0 : i32
      %dma_wait3A_608 = tpu.memref_slice %arg6[%add3A_606, %dma_wait3A_607] : memref<32x64xi32, #tpu.memory_space<vmem>> -> memref<1x64xi32, #tpu.memory_space<vmem>>
      %dma_wait3A_609 = tpu.memref_squeeze %dma_wait3A_608 : memref<1x64xi32, #tpu.memory_space<vmem>> -> memref<64xi32, #tpu.memory_space<vmem>>
      %dma_wait3A_610 = arith.constant 0 : i32
      %dma_wait3A_611 = arith.constant 0 : i32
      %dma_wait3A_612 = tpu.memref_slice %arg2[%arg0, %dma_wait3A_610, %dma_wait3A_611] : memref<2x10000x128xf32, #tpu.memory_space<hbm>> -> memref<1x10000x128xf32, #tpu.memory_space<hbm>>
      %dma_wait3A_613 = tpu.memref_squeeze %dma_wait3A_612 : memref<1x10000x128xf32, #tpu.memory_space<hbm>> -> memref<10000x128xf32, #tpu.memory_space<hbm>>
      %dma_wait3A_614 = arith.constant 0 : i32
      %dma_wait3A_615 = arith.constant 0 : i32
      %dma_wait3A_616 = tpu.memref_slice %dma_wait3A_613[%dma_wait3A_614, %dma_wait3A_615] : memref<10000x128xf32, #tpu.memory_space<hbm>> -> memref<10000x128xf32, #tpu.memory_space<hbm>>
      tpu.wait_indirect_dma semaphore(%arg16 : memref<!tpu.dma_semaphore, #tpu.memory_space<semaphore_mem>>) src(%dma_wait3A_616 : memref<10000x128xf32, #tpu.memory_space<hbm>>) dst(%arg11 : memref<64x128xf32, #tpu.memory_space<vmem>>)
      %add3A_617 = arith.constant 1 : i32
      %add3A_618 = arith.addi %add3A_576, %add3A_617 : i32
      "tpu.region"() ({
        %run_scoped3A_689 = tpu.sem_alloc : memref<!tpu.dma_semaphore, #tpu.memory_space<semaphore_mem>>
        %dma_start3A_690 = arith.constant 0 : i32
        %dma_start3A_691 = tpu.memref_slice %arg7[%add3A_618, %dma_start3A_690] : memref<32x64xi32, #tpu.memory_space<vmem>> -> memref<1x64xi32, #tpu.memory_space<vmem>>
        %dma_start3A_692 = tpu.memref_squeeze %dma_start3A_691 : memref<1x64xi32, #tpu.memory_space<vmem>> -> memref<64xi32, #tpu.memory_space<vmem>>
        %dma_start3A_693 = arith.constant 0 : i32
        %dma_start3A_694 = arith.constant 0 : i32
        %dma_start3A_695 = tpu.memref_slice %arg14[%dma_start3A_693, %dma_start3A_694] : memref<10112x128xf32, #tpu.memory_space<vmem_shared>> -> memref<10112x128xf32, #tpu.memory_space<vmem_shared>>
        tpu.enqueue_indirect_dma source(%arg11 : memref<64x128xf32, #tpu.memory_space<vmem>>) target(%dma_start3A_695 : memref<10112x128xf32, #tpu.memory_space<vmem_shared>>) offsets(%dma_start3A_692 : memref<64xi32, #tpu.memory_space<vmem>>) semaphore(%run_scoped3A_689 : memref<!tpu.dma_semaphore, #tpu.memory_space<semaphore_mem>>) {add = true}
        %dma_wait3A_696 = arith.constant 0 : i32
        %dma_wait3A_697 = tpu.memref_slice %arg7[%add3A_618, %dma_wait3A_696] : memref<32x64xi32, #tpu.memory_space<vmem>> -> memref<1x64xi32, #tpu.memory_space<vmem>>
        %dma_wait3A_698 = tpu.memref_squeeze %dma_wait3A_697 : memref<1x64xi32, #tpu.memory_space<vmem>> -> memref<64xi32, #tpu.memory_space<vmem>>
        %dma_wait3A_699 = arith.constant 0 : i32
        %dma_wait3A_700 = arith.constant 0 : i32
        %dma_wait3A_701 = tpu.memref_slice %arg14[%dma_wait3A_699, %dma_wait3A_700] : memref<10112x128xf32, #tpu.memory_space<vmem_shared>> -> memref<10112x128xf32, #tpu.memory_space<vmem_shared>>
        tpu.wait_indirect_dma semaphore(%run_scoped3A_689 : memref<!tpu.dma_semaphore, #tpu.memory_space<semaphore_mem>>) src(%arg11 : memref<64x128xf32, #tpu.memory_space<vmem>>) dst(%dma_wait3A_701 : memref<10112x128xf32, #tpu.memory_space<vmem_shared>>)
        tpu.yield
      }) : () -> ()
      %add3A_619 = arith.constant 1 : i32
      %add3A_620 = arith.addi %add3A_576, %add3A_619 : i32
      %add3A_621 = arith.constant 4 : i32
      %add3A_622 = arith.addi %add3A_620, %add3A_621 : i32
      %dma_start3A_623 = arith.constant 0 : i32
      %dma_start3A_624 = tpu.memref_slice %arg6[%add3A_622, %dma_start3A_623] : memref<32x64xi32, #tpu.memory_space<vmem>> -> memref<1x64xi32, #tpu.memory_space<vmem>>
      %dma_start3A_625 = tpu.memref_squeeze %dma_start3A_624 : memref<1x64xi32, #tpu.memory_space<vmem>> -> memref<64xi32, #tpu.memory_space<vmem>>
      %dma_start3A_626 = arith.constant 0 : i32
      %dma_start3A_627 = arith.constant 0 : i32
      %dma_start3A_628 = tpu.memref_slice %arg2[%arg0, %dma_start3A_626, %dma_start3A_627] : memref<2x10000x128xf32, #tpu.memory_space<hbm>> -> memref<1x10000x128xf32, #tpu.memory_space<hbm>>
      %dma_start3A_629 = tpu.memref_squeeze %dma_start3A_628 : memref<1x10000x128xf32, #tpu.memory_space<hbm>> -> memref<10000x128xf32, #tpu.memory_space<hbm>>
      %dma_start3A_630 = arith.constant 0 : i32
      %dma_start3A_631 = arith.constant 0 : i32
      %dma_start3A_632 = tpu.memref_slice %dma_start3A_629[%dma_start3A_630, %dma_start3A_631] : memref<10000x128xf32, #tpu.memory_space<hbm>> -> memref<10000x128xf32, #tpu.memory_space<hbm>>
      tpu.enqueue_indirect_dma source(%dma_start3A_632 : memref<10000x128xf32, #tpu.memory_space<hbm>>) target(%arg11 : memref<64x128xf32, #tpu.memory_space<vmem>>) offsets(%dma_start3A_625 : memref<64xi32, #tpu.memory_space<vmem>>) semaphore(%arg16 : memref<!tpu.dma_semaphore, #tpu.memory_space<semaphore_mem>>)
      %add3A_633 = arith.constant 2 : i32
      %add3A_634 = arith.addi %add3A_576, %add3A_633 : i32
      %dma_wait3A_635 = arith.constant 0 : i32
      %dma_wait3A_636 = tpu.memref_slice %arg6[%add3A_634, %dma_wait3A_635] : memref<32x64xi32, #tpu.memory_space<vmem>> -> memref<1x64xi32, #tpu.memory_space<vmem>>
      %dma_wait3A_637 = tpu.memref_squeeze %dma_wait3A_636 : memref<1x64xi32, #tpu.memory_space<vmem>> -> memref<64xi32, #tpu.memory_space<vmem>>
      %dma_wait3A_638 = arith.constant 0 : i32
      %dma_wait3A_639 = arith.constant 0 : i32
      %dma_wait3A_640 = tpu.memref_slice %arg2[%arg0, %dma_wait3A_638, %dma_wait3A_639] : memref<2x10000x128xf32, #tpu.memory_space<hbm>> -> memref<1x10000x128xf32, #tpu.memory_space<hbm>>
      %dma_wait3A_641 = tpu.memref_squeeze %dma_wait3A_640 : memref<1x10000x128xf32, #tpu.memory_space<hbm>> -> memref<10000x128xf32, #tpu.memory_space<hbm>>
      %dma_wait3A_642 = arith.constant 0 : i32
      %dma_wait3A_643 = arith.constant 0 : i32
      %dma_wait3A_644 = tpu.memref_slice %dma_wait3A_641[%dma_wait3A_642, %dma_wait3A_643] : memref<10000x128xf32, #tpu.memory_space<hbm>> -> memref<10000x128xf32, #tpu.memory_space<hbm>>
      tpu.wait_indirect_dma semaphore(%arg17 : memref<!tpu.dma_semaphore, #tpu.memory_space<semaphore_mem>>) src(%dma_wait3A_644 : memref<10000x128xf32, #tpu.memory_space<hbm>>) dst(%arg12 : memref<64x128xf32, #tpu.memory_space<vmem>>)
      %add3A_645 = arith.constant 2 : i32
      %add3A_646 = arith.addi %add3A_576, %add3A_645 : i32
      "tpu.region"() ({
        %run_scoped3A_689 = tpu.sem_alloc : memref<!tpu.dma_semaphore, #tpu.memory_space<semaphore_mem>>
        %dma_start3A_690 = arith.constant 0 : i32
        %dma_start3A_691 = tpu.memref_slice %arg7[%add3A_646, %dma_start3A_690] : memref<32x64xi32, #tpu.memory_space<vmem>> -> memref<1x64xi32, #tpu.memory_space<vmem>>
        %dma_start3A_692 = tpu.memref_squeeze %dma_start3A_691 : memref<1x64xi32, #tpu.memory_space<vmem>> -> memref<64xi32, #tpu.memory_space<vmem>>
        %dma_start3A_693 = arith.constant 0 : i32
        %dma_start3A_694 = arith.constant 0 : i32
        %dma_start3A_695 = tpu.memref_slice %arg14[%dma_start3A_693, %dma_start3A_694] : memref<10112x128xf32, #tpu.memory_space<vmem_shared>> -> memref<10112x128xf32, #tpu.memory_space<vmem_shared>>
        tpu.enqueue_indirect_dma source(%arg12 : memref<64x128xf32, #tpu.memory_space<vmem>>) target(%dma_start3A_695 : memref<10112x128xf32, #tpu.memory_space<vmem_shared>>) offsets(%dma_start3A_692 : memref<64xi32, #tpu.memory_space<vmem>>) semaphore(%run_scoped3A_689 : memref<!tpu.dma_semaphore, #tpu.memory_space<semaphore_mem>>) {add = true}
        %dma_wait3A_696 = arith.constant 0 : i32
        %dma_wait3A_697 = tpu.memref_slice %arg7[%add3A_646, %dma_wait3A_696] : memref<32x64xi32, #tpu.memory_space<vmem>> -> memref<1x64xi32, #tpu.memory_space<vmem>>
        %dma_wait3A_698 = tpu.memref_squeeze %dma_wait3A_697 : memref<1x64xi32, #tpu.memory_space<vmem>> -> memref<64xi32, #tpu.memory_space<vmem>>
        %dma_wait3A_699 = arith.constant 0 : i32
        %dma_wait3A_700 = arith.constant 0 : i32
        %dma_wait3A_701 = tpu.memref_slice %arg14[%dma_wait3A_699, %dma_wait3A_700] : memref<10112x128xf32, #tpu.memory_space<vmem_shared>> -> memref<10112x128xf32, #tpu.memory_space<vmem_shared>>
        tpu.wait_indirect_dma semaphore(%run_scoped3A_689 : memref<!tpu.dma_semaphore, #tpu.memory_space<semaphore_mem>>) src(%arg12 : memref<64x128xf32, #tpu.memory_space<vmem>>) dst(%dma_wait3A_701 : memref<10112x128xf32, #tpu.memory_space<vmem_shared>>)
        tpu.yield
      }) : () -> ()
      %add3A_647 = arith.constant 2 : i32
      %add3A_648 = arith.addi %add3A_576, %add3A_647 : i32
      %add3A_649 = arith.constant 4 : i32
      %add3A_650 = arith.addi %add3A_648, %add3A_649 : i32
      %dma_start3A_651 = arith.constant 0 : i32
      %dma_start3A_652 = tpu.memref_slice %arg6[%add3A_650, %dma_start3A_651] : memref<32x64xi32, #tpu.memory_space<vmem>> -> memref<1x64xi32, #tpu.memory_space<vmem>>
      %dma_start3A_653 = tpu.memref_squeeze %dma_start3A_652 : memref<1x64xi32, #tpu.memory_space<vmem>> -> memref<64xi32, #tpu.memory_space<vmem>>
      %dma_start3A_654 = arith.constant 0 : i32
      %dma_start3A_655 = arith.constant 0 : i32
      %dma_start3A_656 = tpu.memref_slice %arg2[%arg0, %dma_start3A_654, %dma_start3A_655] : memref<2x10000x128xf32, #tpu.memory_space<hbm>> -> memref<1x10000x128xf32, #tpu.memory_space<hbm>>
      %dma_start3A_657 = tpu.memref_squeeze %dma_start3A_656 : memref<1x10000x128xf32, #tpu.memory_space<hbm>> -> memref<10000x128xf32, #tpu.memory_space<hbm>>
      %dma_start3A_658 = arith.constant 0 : i32
      %dma_start3A_659 = arith.constant 0 : i32
      %dma_start3A_660 = tpu.memref_slice %dma_start3A_657[%dma_start3A_658, %dma_start3A_659] : memref<10000x128xf32, #tpu.memory_space<hbm>> -> memref<10000x128xf32, #tpu.memory_space<hbm>>
      tpu.enqueue_indirect_dma source(%dma_start3A_660 : memref<10000x128xf32, #tpu.memory_space<hbm>>) target(%arg12 : memref<64x128xf32, #tpu.memory_space<vmem>>) offsets(%dma_start3A_653 : memref<64xi32, #tpu.memory_space<vmem>>) semaphore(%arg17 : memref<!tpu.dma_semaphore, #tpu.memory_space<semaphore_mem>>)
      %add3A_661 = arith.constant 3 : i32
      %add3A_662 = arith.addi %add3A_576, %add3A_661 : i32
      %dma_wait3A_663 = arith.constant 0 : i32
      %dma_wait3A_664 = tpu.memref_slice %arg6[%add3A_662, %dma_wait3A_663] : memref<32x64xi32, #tpu.memory_space<vmem>> -> memref<1x64xi32, #tpu.memory_space<vmem>>
      %dma_wait3A_665 = tpu.memref_squeeze %dma_wait3A_664 : memref<1x64xi32, #tpu.memory_space<vmem>> -> memref<64xi32, #tpu.memory_space<vmem>>
      %dma_wait3A_666 = arith.constant 0 : i32
      %dma_wait3A_667 = arith.constant 0 : i32
      %dma_wait3A_668 = tpu.memref_slice %arg2[%arg0, %dma_wait3A_666, %dma_wait3A_667] : memref<2x10000x128xf32, #tpu.memory_space<hbm>> -> memref<1x10000x128xf32, #tpu.memory_space<hbm>>
      %dma_wait3A_669 = tpu.memref_squeeze %dma_wait3A_668 : memref<1x10000x128xf32, #tpu.memory_space<hbm>> -> memref<10000x128xf32, #tpu.memory_space<hbm>>
      %dma_wait3A_670 = arith.constant 0 : i32
      %dma_wait3A_671 = arith.constant 0 : i32
      %dma_wait3A_672 = tpu.memref_slice %dma_wait3A_669[%dma_wait3A_670, %dma_wait3A_671] : memref<10000x128xf32, #tpu.memory_space<hbm>> -> memref<10000x128xf32, #tpu.memory_space<hbm>>
      tpu.wait_indirect_dma semaphore(%arg18 : memref<!tpu.dma_semaphore, #tpu.memory_space<semaphore_mem>>) src(%dma_wait3A_672 : memref<10000x128xf32, #tpu.memory_space<hbm>>) dst(%arg13 : memref<64x128xf32, #tpu.memory_space<vmem>>)
      %add3A_673 = arith.constant 3 : i32
      %add3A_674 = arith.addi %add3A_576, %add3A_673 : i32
      "tpu.region"() ({
        %run_scoped3A_689 = tpu.sem_alloc : memref<!tpu.dma_semaphore, #tpu.memory_space<semaphore_mem>>
        %dma_start3A_690 = arith.constant 0 : i32
        %dma_start3A_691 = tpu.memref_slice %arg7[%add3A_674, %dma_start3A_690] : memref<32x64xi32, #tpu.memory_space<vmem>> -> memref<1x64xi32, #tpu.memory_space<vmem>>
        %dma_start3A_692 = tpu.memref_squeeze %dma_start3A_691 : memref<1x64xi32, #tpu.memory_space<vmem>> -> memref<64xi32, #tpu.memory_space<vmem>>
        %dma_start3A_693 = arith.constant 0 : i32
        %dma_start3A_694 = arith.constant 0 : i32
        %dma_start3A_695 = tpu.memref_slice %arg14[%dma_start3A_693, %dma_start3A_694] : memref<10112x128xf32, #tpu.memory_space<vmem_shared>> -> memref<10112x128xf32, #tpu.memory_space<vmem_shared>>
        tpu.enqueue_indirect_dma source(%arg13 : memref<64x128xf32, #tpu.memory_space<vmem>>) target(%dma_start3A_695 : memref<10112x128xf32, #tpu.memory_space<vmem_shared>>) offsets(%dma_start3A_692 : memref<64xi32, #tpu.memory_space<vmem>>) semaphore(%run_scoped3A_689 : memref<!tpu.dma_semaphore, #tpu.memory_space<semaphore_mem>>) {add = true}
        %dma_wait3A_696 = arith.constant 0 : i32
        %dma_wait3A_697 = tpu.memref_slice %arg7[%add3A_674, %dma_wait3A_696] : memref<32x64xi32, #tpu.memory_space<vmem>> -> memref<1x64xi32, #tpu.memory_space<vmem>>
        %dma_wait3A_698 = tpu.memref_squeeze %dma_wait3A_697 : memref<1x64xi32, #tpu.memory_space<vmem>> -> memref<64xi32, #tpu.memory_space<vmem>>
        %dma_wait3A_699 = arith.constant 0 : i32
        %dma_wait3A_700 = arith.constant 0 : i32
        %dma_wait3A_701 = tpu.memref_slice %arg14[%dma_wait3A_699, %dma_wait3A_700] : memref<10112x128xf32, #tpu.memory_space<vmem_shared>> -> memref<10112x128xf32, #tpu.memory_space<vmem_shared>>
        tpu.wait_indirect_dma semaphore(%run_scoped3A_689 : memref<!tpu.dma_semaphore, #tpu.memory_space<semaphore_mem>>) src(%arg13 : memref<64x128xf32, #tpu.memory_space<vmem>>) dst(%dma_wait3A_701 : memref<10112x128xf32, #tpu.memory_space<vmem_shared>>)
        tpu.yield
      }) : () -> ()
      %add3A_675 = arith.constant 3 : i32
      %add3A_676 = arith.addi %add3A_576, %add3A_675 : i32
      %add3A_677 = arith.constant 4 : i32
      %add3A_678 = arith.addi %add3A_676, %add3A_677 : i32
      %dma_start3A_679 = arith.constant 0 : i32
      %dma_start3A_680 = tpu.memref_slice %arg6[%add3A_678, %dma_start3A_679] : memref<32x64xi32, #tpu.memory_space<vmem>> -> memref<1x64xi32, #tpu.memory_space<vmem>>
      %dma_start3A_681 = tpu.memref_squeeze %dma_start3A_680 : memref<1x64xi32, #tpu.memory_space<vmem>> -> memref<64xi32, #tpu.memory_space<vmem>>
      %dma_start3A_682 = arith.constant 0 : i32
      %dma_start3A_683 = arith.constant 0 : i32
      %dma_start3A_684 = tpu.memref_slice %arg2[%arg0, %dma_start3A_682, %dma_start3A_683] : memref<2x10000x128xf32, #tpu.memory_space<hbm>> -> memref<1x10000x128xf32, #tpu.memory_space<hbm>>
      %dma_start3A_685 = tpu.memref_squeeze %dma_start3A_684 : memref<1x10000x128xf32, #tpu.memory_space<hbm>> -> memref<10000x128xf32, #tpu.memory_space<hbm>>
      %dma_start3A_686 = arith.constant 0 : i32
      %dma_start3A_687 = arith.constant 0 : i32
      %dma_start3A_688 = tpu.memref_slice %dma_start3A_685[%dma_start3A_686, %dma_start3A_687] : memref<10000x128xf32, #tpu.memory_space<hbm>> -> memref<10000x128xf32, #tpu.memory_space<hbm>>
      tpu.enqueue_indirect_dma source(%dma_start3A_688 : memref<10000x128xf32, #tpu.memory_space<hbm>>) target(%arg13 : memref<64x128xf32, #tpu.memory_space<vmem>>) offsets(%dma_start3A_681 : memref<64xi32, #tpu.memory_space<vmem>>) semaphore(%arg18 : memref<!tpu.dma_semaphore, #tpu.memory_space<semaphore_mem>>)
    }
    %scan3A_518 = arith.constant 7 : i32
    %dma_wait3A_519 = arith.constant 28 : i32
    %dma_wait3A_520 = arith.constant 0 : i32
    %dma_wait3A_521 = tpu.memref_slice %arg6[%dma_wait3A_519, %dma_wait3A_520] : memref<32x64xi32, #tpu.memory_space<vmem>> -> memref<1x64xi32, #tpu.memory_space<vmem>>
    %dma_wait3A_522 = tpu.memref_squeeze %dma_wait3A_521 : memref<1x64xi32, #tpu.memory_space<vmem>> -> memref<64xi32, #tpu.memory_space<vmem>>
    %dma_wait3A_523 = arith.constant 0 : i32
    %dma_wait3A_524 = arith.constant 0 : i32
    %dma_wait3A_525 = tpu.memref_slice %arg2[%arg0, %dma_wait3A_523, %dma_wait3A_524] : memref<2x10000x128xf32, #tpu.memory_space<hbm>> -> memref<1x10000x128xf32, #tpu.memory_space<hbm>>
    %dma_wait3A_526 = tpu.memref_squeeze %dma_wait3A_525 : memref<1x10000x128xf32, #tpu.memory_space<hbm>> -> memref<10000x128xf32, #tpu.memory_space<hbm>>
    %dma_wait3A_527 = arith.constant 0 : i32
    %dma_wait3A_528 = arith.constant 0 : i32
    %dma_wait3A_529 = tpu.memref_slice %dma_wait3A_526[%dma_wait3A_527, %dma_wait3A_528] : memref<10000x128xf32, #tpu.memory_space<hbm>> -> memref<10000x128xf32, #tpu.memory_space<hbm>>
    tpu.wait_indirect_dma semaphore(%arg15 : memref<!tpu.dma_semaphore, #tpu.memory_space<semaphore_mem>>) src(%dma_wait3A_529 : memref<10000x128xf32, #tpu.memory_space<hbm>>) dst(%arg10 : memref<64x128xf32, #tpu.memory_space<vmem>>)
    %run_scoped3A_530 = arith.constant 28 : i32
    "tpu.region"() ({
      %run_scoped3A_572 = tpu.sem_alloc : memref<!tpu.dma_semaphore, #tpu.memory_space<semaphore_mem>>
      %dma_start3A_573 = arith.constant 0 : i32
      %dma_start3A_574 = tpu.memref_slice %arg7[%run_scoped3A_530, %dma_start3A_573] : memref<32x64xi32, #tpu.memory_space<vmem>> -> memref<1x64xi32, #tpu.memory_space<vmem>>
      %dma_start3A_575 = tpu.memref_squeeze %dma_start3A_574 : memref<1x64xi32, #tpu.memory_space<vmem>> -> memref<64xi32, #tpu.memory_space<vmem>>
      %dma_start3A_576 = arith.constant 0 : i32
      %dma_start3A_577 = arith.constant 0 : i32
      %dma_start3A_578 = tpu.memref_slice %arg14[%dma_start3A_576, %dma_start3A_577] : memref<10112x128xf32, #tpu.memory_space<vmem_shared>> -> memref<10112x128xf32, #tpu.memory_space<vmem_shared>>
      tpu.enqueue_indirect_dma source(%arg10 : memref<64x128xf32, #tpu.memory_space<vmem>>) target(%dma_start3A_578 : memref<10112x128xf32, #tpu.memory_space<vmem_shared>>) offsets(%dma_start3A_575 : memref<64xi32, #tpu.memory_space<vmem>>) semaphore(%run_scoped3A_572 : memref<!tpu.dma_semaphore, #tpu.memory_space<semaphore_mem>>) {add = true}
      %dma_wait3A_579 = arith.constant 0 : i32
      %dma_wait3A_580 = tpu.memref_slice %arg7[%run_scoped3A_530, %dma_wait3A_579] : memref<32x64xi32, #tpu.memory_space<vmem>> -> memref<1x64xi32, #tpu.memory_space<vmem>>
      %dma_wait3A_581 = tpu.memref_squeeze %dma_wait3A_580 : memref<1x64xi32, #tpu.memory_space<vmem>> -> memref<64xi32, #tpu.memory_space<vmem>>
      %dma_wait3A_582 = arith.constant 0 : i32
      %dma_wait3A_583 = arith.constant 0 : i32
      %dma_wait3A_584 = tpu.memref_slice %arg14[%dma_wait3A_582, %dma_wait3A_583] : memref<10112x128xf32, #tpu.memory_space<vmem_shared>> -> memref<10112x128xf32, #tpu.memory_space<vmem_shared>>
      tpu.wait_indirect_dma semaphore(%run_scoped3A_572 : memref<!tpu.dma_semaphore, #tpu.memory_space<semaphore_mem>>) src(%arg10 : memref<64x128xf32, #tpu.memory_space<vmem>>) dst(%dma_wait3A_584 : memref<10112x128xf32, #tpu.memory_space<vmem_shared>>)
      tpu.yield
    }) : () -> ()
    %dma_wait3A_531 = arith.constant 29 : i32
    %dma_wait3A_532 = arith.constant 0 : i32
    %dma_wait3A_533 = tpu.memref_slice %arg6[%dma_wait3A_531, %dma_wait3A_532] : memref<32x64xi32, #tpu.memory_space<vmem>> -> memref<1x64xi32, #tpu.memory_space<vmem>>
    %dma_wait3A_534 = tpu.memref_squeeze %dma_wait3A_533 : memref<1x64xi32, #tpu.memory_space<vmem>> -> memref<64xi32, #tpu.memory_space<vmem>>
    %dma_wait3A_535 = arith.constant 0 : i32
    %dma_wait3A_536 = arith.constant 0 : i32
    %dma_wait3A_537 = tpu.memref_slice %arg2[%arg0, %dma_wait3A_535, %dma_wait3A_536] : memref<2x10000x128xf32, #tpu.memory_space<hbm>> -> memref<1x10000x128xf32, #tpu.memory_space<hbm>>
    %dma_wait3A_538 = tpu.memref_squeeze %dma_wait3A_537 : memref<1x10000x128xf32, #tpu.memory_space<hbm>> -> memref<10000x128xf32, #tpu.memory_space<hbm>>
    %dma_wait3A_539 = arith.constant 0 : i32
    %dma_wait3A_540 = arith.constant 0 : i32
    %dma_wait3A_541 = tpu.memref_slice %dma_wait3A_538[%dma_wait3A_539, %dma_wait3A_540] : memref<10000x128xf32, #tpu.memory_space<hbm>> -> memref<10000x128xf32, #tpu.memory_space<hbm>>
    tpu.wait_indirect_dma semaphore(%arg16 : memref<!tpu.dma_semaphore, #tpu.memory_space<semaphore_mem>>) src(%dma_wait3A_541 : memref<10000x128xf32, #tpu.memory_space<hbm>>) dst(%arg11 : memref<64x128xf32, #tpu.memory_space<vmem>>)
    %run_scoped3A_542 = arith.constant 29 : i32
    "tpu.region"() ({
      %run_scoped3A_572 = tpu.sem_alloc : memref<!tpu.dma_semaphore, #tpu.memory_space<semaphore_mem>>
      %dma_start3A_573 = arith.constant 0 : i32
      %dma_start3A_574 = tpu.memref_slice %arg7[%run_scoped3A_542, %dma_start3A_573] : memref<32x64xi32, #tpu.memory_space<vmem>> -> memref<1x64xi32, #tpu.memory_space<vmem>>
      %dma_start3A_575 = tpu.memref_squeeze %dma_start3A_574 : memref<1x64xi32, #tpu.memory_space<vmem>> -> memref<64xi32, #tpu.memory_space<vmem>>
      %dma_start3A_576 = arith.constant 0 : i32
      %dma_start3A_577 = arith.constant 0 : i32
      %dma_start3A_578 = tpu.memref_slice %arg14[%dma_start3A_576, %dma_start3A_577] : memref<10112x128xf32, #tpu.memory_space<vmem_shared>> -> memref<10112x128xf32, #tpu.memory_space<vmem_shared>>
      tpu.enqueue_indirect_dma source(%arg11 : memref<64x128xf32, #tpu.memory_space<vmem>>) target(%dma_start3A_578 : memref<10112x128xf32, #tpu.memory_space<vmem_shared>>) offsets(%dma_start3A_575 : memref<64xi32, #tpu.memory_space<vmem>>) semaphore(%run_scoped3A_572 : memref<!tpu.dma_semaphore, #tpu.memory_space<semaphore_mem>>) {add = true}
      %dma_wait3A_579 = arith.constant 0 : i32
      %dma_wait3A_580 = tpu.memref_slice %arg7[%run_scoped3A_542, %dma_wait3A_579] : memref<32x64xi32, #tpu.memory_space<vmem>> -> memref<1x64xi32, #tpu.memory_space<vmem>>
      %dma_wait3A_581 = tpu.memref_squeeze %dma_wait3A_580 : memref<1x64xi32, #tpu.memory_space<vmem>> -> memref<64xi32, #tpu.memory_space<vmem>>
      %dma_wait3A_582 = arith.constant 0 : i32
      %dma_wait3A_583 = arith.constant 0 : i32
      %dma_wait3A_584 = tpu.memref_slice %arg14[%dma_wait3A_582, %dma_wait3A_583] : memref<10112x128xf32, #tpu.memory_space<vmem_shared>> -> memref<10112x128xf32, #tpu.memory_space<vmem_shared>>
      tpu.wait_indirect_dma semaphore(%run_scoped3A_572 : memref<!tpu.dma_semaphore, #tpu.memory_space<semaphore_mem>>) src(%arg11 : memref<64x128xf32, #tpu.memory_space<vmem>>) dst(%dma_wait3A_584 : memref<10112x128xf32, #tpu.memory_space<vmem_shared>>)
      tpu.yield
    }) : () -> ()
    %dma_wait3A_543 = arith.constant 30 : i32
    %dma_wait3A_544 = arith.constant 0 : i32
    %dma_wait3A_545 = tpu.memref_slice %arg6[%dma_wait3A_543, %dma_wait3A_544] : memref<32x64xi32, #tpu.memory_space<vmem>> -> memref<1x64xi32, #tpu.memory_space<vmem>>
    %dma_wait3A_546 = tpu.memref_squeeze %dma_wait3A_545 : memref<1x64xi32, #tpu.memory_space<vmem>> -> memref<64xi32, #tpu.memory_space<vmem>>
    %dma_wait3A_547 = arith.constant 0 : i32
    %dma_wait3A_548 = arith.constant 0 : i32
    %dma_wait3A_549 = tpu.memref_slice %arg2[%arg0, %dma_wait3A_547, %dma_wait3A_548] : memref<2x10000x128xf32, #tpu.memory_space<hbm>> -> memref<1x10000x128xf32, #tpu.memory_space<hbm>>
    %dma_wait3A_550 = tpu.memref_squeeze %dma_wait3A_549 : memref<1x10000x128xf32, #tpu.memory_space<hbm>> -> memref<10000x128xf32, #tpu.memory_space<hbm>>
    %dma_wait3A_551 = arith.constant 0 : i32
    %dma_wait3A_552 = arith.constant 0 : i32
    %dma_wait3A_553 = tpu.memref_slice %dma_wait3A_550[%dma_wait3A_551, %dma_wait3A_552] : memref<10000x128xf32, #tpu.memory_space<hbm>> -> memref<10000x128xf32, #tpu.memory_space<hbm>>
    tpu.wait_indirect_dma semaphore(%arg17 : memref<!tpu.dma_semaphore, #tpu.memory_space<semaphore_mem>>) src(%dma_wait3A_553 : memref<10000x128xf32, #tpu.memory_space<hbm>>) dst(%arg12 : memref<64x128xf32, #tpu.memory_space<vmem>>)
    %run_scoped3A_554 = arith.constant 30 : i32
    "tpu.region"() ({
      %run_scoped3A_572 = tpu.sem_alloc : memref<!tpu.dma_semaphore, #tpu.memory_space<semaphore_mem>>
      %dma_start3A_573 = arith.constant 0 : i32
      %dma_start3A_574 = tpu.memref_slice %arg7[%run_scoped3A_554, %dma_start3A_573] : memref<32x64xi32, #tpu.memory_space<vmem>> -> memref<1x64xi32, #tpu.memory_space<vmem>>
      %dma_start3A_575 = tpu.memref_squeeze %dma_start3A_574 : memref<1x64xi32, #tpu.memory_space<vmem>> -> memref<64xi32, #tpu.memory_space<vmem>>
      %dma_start3A_576 = arith.constant 0 : i32
      %dma_start3A_577 = arith.constant 0 : i32
      %dma_start3A_578 = tpu.memref_slice %arg14[%dma_start3A_576, %dma_start3A_577] : memref<10112x128xf32, #tpu.memory_space<vmem_shared>> -> memref<10112x128xf32, #tpu.memory_space<vmem_shared>>
      tpu.enqueue_indirect_dma source(%arg12 : memref<64x128xf32, #tpu.memory_space<vmem>>) target(%dma_start3A_578 : memref<10112x128xf32, #tpu.memory_space<vmem_shared>>) offsets(%dma_start3A_575 : memref<64xi32, #tpu.memory_space<vmem>>) semaphore(%run_scoped3A_572 : memref<!tpu.dma_semaphore, #tpu.memory_space<semaphore_mem>>) {add = true}
      %dma_wait3A_579 = arith.constant 0 : i32
      %dma_wait3A_580 = tpu.memref_slice %arg7[%run_scoped3A_554, %dma_wait3A_579] : memref<32x64xi32, #tpu.memory_space<vmem>> -> memref<1x64xi32, #tpu.memory_space<vmem>>
      %dma_wait3A_581 = tpu.memref_squeeze %dma_wait3A_580 : memref<1x64xi32, #tpu.memory_space<vmem>> -> memref<64xi32, #tpu.memory_space<vmem>>
      %dma_wait3A_582 = arith.constant 0 : i32
      %dma_wait3A_583 = arith.constant 0 : i32
      %dma_wait3A_584 = tpu.memref_slice %arg14[%dma_wait3A_582, %dma_wait3A_583] : memref<10112x128xf32, #tpu.memory_space<vmem_shared>> -> memref<10112x128xf32, #tpu.memory_space<vmem_shared>>
      tpu.wait_indirect_dma semaphore(%run_scoped3A_572 : memref<!tpu.dma_semaphore, #tpu.memory_space<semaphore_mem>>) src(%arg12 : memref<64x128xf32, #tpu.memory_space<vmem>>) dst(%dma_wait3A_584 : memref<10112x128xf32, #tpu.memory_space<vmem_shared>>)
      tpu.yield
    }) : () -> ()
    %dma_wait3A_555 = arith.constant 31 : i32
    %dma_wait3A_556 = arith.constant 0 : i32
    %dma_wait3A_557 = tpu.memref_slice %arg6[%dma_wait3A_555, %dma_wait3A_556] : memref<32x64xi32, #tpu.memory_space<vmem>> -> memref<1x64xi32, #tpu.memory_space<vmem>>
    %dma_wait3A_558 = tpu.memref_squeeze %dma_wait3A_557 : memref<1x64xi32, #tpu.memory_space<vmem>> -> memref<64xi32, #tpu.memory_space<vmem>>
    %dma_wait3A_559 = arith.constant 0 : i32
    %dma_wait3A_560 = arith.constant 0 : i32
    %dma_wait3A_561 = tpu.memref_slice %arg2[%arg0, %dma_wait3A_559, %dma_wait3A_560] : memref<2x10000x128xf32, #tpu.memory_space<hbm>> -> memref<1x10000x128xf32, #tpu.memory_space<hbm>>
    %dma_wait3A_562 = tpu.memref_squeeze %dma_wait3A_561 : memref<1x10000x128xf32, #tpu.memory_space<hbm>> -> memref<10000x128xf32, #tpu.memory_space<hbm>>
    %dma_wait3A_563 = arith.constant 0 : i32
    %dma_wait3A_564 = arith.constant 0 : i32
    %dma_wait3A_565 = tpu.memref_slice %dma_wait3A_562[%dma_wait3A_563, %dma_wait3A_564] : memref<10000x128xf32, #tpu.memory_space<hbm>> -> memref<10000x128xf32, #tpu.memory_space<hbm>>
    tpu.wait_indirect_dma semaphore(%arg18 : memref<!tpu.dma_semaphore, #tpu.memory_space<semaphore_mem>>) src(%dma_wait3A_565 : memref<10000x128xf32, #tpu.memory_space<hbm>>) dst(%arg13 : memref<64x128xf32, #tpu.memory_space<vmem>>)
    %run_scoped3A_566 = arith.constant 31 : i32
    "tpu.region"() ({
      %run_scoped3A_572 = tpu.sem_alloc : memref<!tpu.dma_semaphore, #tpu.memory_space<semaphore_mem>>
      %dma_start3A_573 = arith.constant 0 : i32
      %dma_start3A_574 = tpu.memref_slice %arg7[%run_scoped3A_566, %dma_start3A_573] : memref<32x64xi32, #tpu.memory_space<vmem>> -> memref<1x64xi32, #tpu.memory_space<vmem>>
      %dma_start3A_575 = tpu.memref_squeeze %dma_start3A_574 : memref<1x64xi32, #tpu.memory_space<vmem>> -> memref<64xi32, #tpu.memory_space<vmem>>
      %dma_start3A_576 = arith.constant 0 : i32
      %dma_start3A_577 = arith.constant 0 : i32
      %dma_start3A_578 = tpu.memref_slice %arg14[%dma_start3A_576, %dma_start3A_577] : memref<10112x128xf32, #tpu.memory_space<vmem_shared>> -> memref<10112x128xf32, #tpu.memory_space<vmem_shared>>
      tpu.enqueue_indirect_dma source(%arg13 : memref<64x128xf32, #tpu.memory_space<vmem>>) target(%dma_start3A_578 : memref<10112x128xf32, #tpu.memory_space<vmem_shared>>) offsets(%dma_start3A_575 : memref<64xi32, #tpu.memory_space<vmem>>) semaphore(%run_scoped3A_572 : memref<!tpu.dma_semaphore, #tpu.memory_space<semaphore_mem>>) {add = true}
      %dma_wait3A_579 = arith.constant 0 : i32
      %dma_wait3A_580 = tpu.memref_slice %arg7[%run_scoped3A_566, %dma_wait3A_579] : memref<32x64xi32, #tpu.memory_space<vmem>> -> memref<1x64xi32, #tpu.memory_space<vmem>>
      %dma_wait3A_581 = tpu.memref_squeeze %dma_wait3A_580 : memref<1x64xi32, #tpu.memory_space<vmem>> -> memref<64xi32, #tpu.memory_space<vmem>>
      %dma_wait3A_582 = arith.constant 0 : i32
      %dma_wait3A_583 = arith.constant 0 : i32
      %dma_wait3A_584 = tpu.memref_slice %arg14[%dma_wait3A_582, %dma_wait3A_583] : memref<10112x128xf32, #tpu.memory_space<vmem_shared>> -> memref<10112x128xf32, #tpu.memory_space<vmem_shared>>
      tpu.wait_indirect_dma semaphore(%run_scoped3A_572 : memref<!tpu.dma_semaphore, #tpu.memory_space<semaphore_mem>>) src(%arg13 : memref<64x128xf32, #tpu.memory_space<vmem>>) dst(%dma_wait3A_584 : memref<10112x128xf32, #tpu.memory_space<vmem_shared>>)
      tpu.yield
    }) : () -> ()
    %barrier3A_567 = arith.constant 0 : index
    tpu.barrier barrier_id(%barrier3A_567)
    %mul3A_568 = arith.constant 632 : i32
    %mul3A_569 = arith.muli %arg1, %mul3A_568 : i32
    %mul3A_570 = arith.constant 632 : i32
    %mul3A_571 = arith.muli %arg1, %mul3A_570 : i32
    "tpu.region"() ({
      %run_scoped3A_572 = tpu.sem_alloc : memref<!tpu.dma_semaphore, #tpu.memory_space<semaphore_mem>>
      %dma_start3A_573 = arith.constant 0 : i32
      %dma_start3A_574 = tpu.memref_slice %arg5[%arg0, %mul3A_571, %dma_start3A_573] : memref<2x10112x128xf32, #tpu.memory_space<hbm>> -> memref<1x632x128xf32, #tpu.memory_space<hbm>>
      %dma_start3A_575 = tpu.memref_squeeze %dma_start3A_574 : memref<1x632x128xf32, #tpu.memory_space<hbm>> -> memref<632x128xf32, #tpu.memory_space<hbm>>
      %dma_start3A_576 = arith.constant 0 : i32
      %dma_start3A_577 = tpu.memref_slice %arg14[%mul3A_569, %dma_start3A_576] : memref<10112x128xf32, #tpu.memory_space<vmem_shared>> -> memref<632x128xf32, #tpu.memory_space<vmem_shared>>
      tpu.enqueue_dma source(%dma_start3A_577 : memref<632x128xf32, #tpu.memory_space<vmem_shared>>) target(%dma_start3A_575 : memref<632x128xf32, #tpu.memory_space<hbm>>) target_semaphore(%run_scoped3A_572 : memref<!tpu.dma_semaphore, #tpu.memory_space<semaphore_mem>>)
      %dma_wait3A_578 = arith.constant 0 : i32
      %dma_wait3A_579 = tpu.memref_slice %arg5[%arg0, %mul3A_571, %dma_wait3A_578] : memref<2x10112x128xf32, #tpu.memory_space<hbm>> -> memref<1x632x128xf32, #tpu.memory_space<hbm>>
      %dma_wait3A_580 = tpu.memref_squeeze %dma_wait3A_579 : memref<1x632x128xf32, #tpu.memory_space<hbm>> -> memref<632x128xf32, #tpu.memory_space<hbm>>
      %dma_wait3A_581 = arith.constant 0 : i32
      %dma_wait3A_582 = tpu.memref_slice %arg14[%mul3A_569, %dma_wait3A_581] : memref<10112x128xf32, #tpu.memory_space<vmem_shared>> -> memref<632x128xf32, #tpu.memory_space<vmem_shared>>
      tpu.wait_dma2 semaphore(%run_scoped3A_572 : memref<!tpu.dma_semaphore, #tpu.memory_space<semaphore_mem>>) src(%dma_wait3A_582 : memref<632x128xf32, #tpu.memory_space<vmem_shared>>) dst(%dma_wait3A_580 : memref<632x128xf32, #tpu.memory_space<hbm>>)
      tpu.yield
    }) : () -> ()
    return
  }
}

module attributes {stable_mosaic.version = 14 : i64} {
  func.func @_combine_kernel(%arg0: i32, %arg1: memref<2000x256xf32, #tpu.memory_space<vmem>>, %arg2: memref<2x2000x128xf32, #tpu.memory_space<vmem>>, %arg3: memref<256x256xf32, #tpu.memory_space<vmem>>, %arg4: memref<1x256xf32, #tpu.memory_space<vmem>>, %arg5: memref<256x256xf32, #tpu.memory_space<vmem>>, %arg6: memref<1x256xf32, #tpu.memory_space<vmem>>, %arg7: memref<2000x256xf32, #tpu.memory_space<vmem>>) attributes {dimension_semantics = [#tpu.dimension_semantics<arbitrary>], iteration_bounds = array<i64: 5>, scalar_prefetch = 0 : i64, scratch_operands = 0 : i64, tpu.core_type = #tpu.core_type<tc>, window_params = [{transform_indices = @transform_0, window_bounds = array<i64: 2000, 256>}, {transform_indices = @transform_1, window_bounds = array<i64: 2, 2000, 128>}, {pipeline_mode = #tpu.pipeline_mode<synchronous>, transform_indices = @transform_2, window_bounds = array<i64: 256, 256>}, {pipeline_mode = #tpu.pipeline_mode<synchronous>, transform_indices = @transform_3, window_bounds = array<i64: 1, 256>}, {pipeline_mode = #tpu.pipeline_mode<synchronous>, transform_indices = @transform_4, window_bounds = array<i64: 256, 256>}, {pipeline_mode = #tpu.pipeline_mode<synchronous>, transform_indices = @transform_5, window_bounds = array<i64: 1, 256>}, {transform_indices = @transform_6, window_bounds = array<i64: 2000, 256>}]} {
    %get3A = arith.constant 0 : index
    %get3A_0 = arith.constant 0 : index
    %get3A_1 = arith.constant 0 : index
    %get3A_2 = vector.load %arg2[%get3A, %get3A_0, %get3A_1] : memref<2x2000x128xf32, #tpu.memory_space<vmem>>, vector<1x2000x128xf32>
    %get3A_3 = vector.shape_cast %get3A_2 : vector<1x2000x128xf32> to vector<2000x128xf32>
    %get3A_4 = arith.constant 1 : index
    %get3A_5 = arith.constant 0 : index
    %get3A_6 = arith.constant 0 : index
    %get3A_7 = vector.load %arg2[%get3A_4, %get3A_5, %get3A_6] : memref<2x2000x128xf32, #tpu.memory_space<vmem>>, vector<1x2000x128xf32>
    %get3A_8 = vector.shape_cast %get3A_7 : vector<1x2000x128xf32> to vector<2000x128xf32>
    %concatenate3A = tpu.concatenate %get3A_3, %get3A_8 in 1 : vector<2000x128xf32>, vector<2000x128xf32> -> vector<2000x256xf32>
    %get3A_9 = arith.constant 0 : index
    %get3A_10 = arith.constant 0 : index
    %get3A_11 = vector.load %arg1[%get3A_9, %get3A_10] : memref<2000x256xf32, #tpu.memory_space<vmem>>, vector<2000x256xf32>
    %get3A_12 = arith.constant 0 : index
    %get3A_13 = arith.constant 0 : index
    %get3A_14 = vector.load %arg3[%get3A_12, %get3A_13] : memref<256x256xf32, #tpu.memory_space<vmem>>, vector<256x256xf32>
    %dot_general3A = arith.constant dense<0.000000e+00> : vector<2000x256xf32>
    %dot_general3A_15 = tpu.matmul %get3A_11, %get3A_14, %dot_general3A {dimension_numbers = #tpu.dot_dimension_numbers<[1], [1], [0], [0], [0, 0, 1, 0], [], []>, transpose_lhs_hint = false} : vector<2000x256xf32>, vector<256x256xf32>, vector<2000x256xf32> -> vector<2000x256xf32>
    %get3A_16 = arith.constant 0 : index
    %get3A_17 = arith.constant 0 : index
    %get3A_18 = vector.load %arg4[%get3A_16, %get3A_17] : memref<1x256xf32, #tpu.memory_space<vmem>>, vector<1x256xf32>
    %add3A = vector.broadcast %get3A_18 : vector<1x256xf32> to vector<2000x256xf32>
    %add3A_19 = arith.addf %dot_general3A_15, %add3A : vector<2000x256xf32>
    %add3A_20 = arith.addf %add3A_19, %concatenate3A : vector<2000x256xf32>
    %get3A_21 = arith.constant 0 : index
    %get3A_22 = arith.constant 0 : index
    %get3A_23 = vector.load %arg5[%get3A_21, %get3A_22] : memref<256x256xf32, #tpu.memory_space<vmem>>, vector<256x256xf32>
    %dot_general3A_24 = arith.constant dense<0.000000e+00> : vector<2000x256xf32>
    %dot_general3A_25 = tpu.matmul %add3A_20, %get3A_23, %dot_general3A_24 {dimension_numbers = #tpu.dot_dimension_numbers<[1], [1], [0], [0], [0, 0, 1, 0], [], []>, transpose_lhs_hint = false} : vector<2000x256xf32>, vector<256x256xf32>, vector<2000x256xf32> -> vector<2000x256xf32>
    %get3A_26 = arith.constant 0 : index
    %get3A_27 = arith.constant 0 : index
    %get3A_28 = vector.load %arg6[%get3A_26, %get3A_27] : memref<1x256xf32, #tpu.memory_space<vmem>>, vector<1x256xf32>
    %add3A_29 = vector.broadcast %get3A_28 : vector<1x256xf32> to vector<2000x256xf32>
    %add3A_30 = arith.addf %dot_general3A_25, %add3A_29 : vector<2000x256xf32>
    %swap3A = arith.constant 0 : index
    %swap3A_31 = arith.constant 0 : index
    %swap3A_32 = vector.load %arg7[%swap3A, %swap3A_31] : memref<2000x256xf32, #tpu.memory_space<vmem>>, vector<2000x256xf32>
    tpu.vector_store %arg7[%swap3A, %swap3A_31], %add3A_30 {strides = array<i32>} : memref<2000x256xf32, #tpu.memory_space<vmem>>, vector<2000x256xf32>,
    return
  }
  func.func @transform_0(%arg0: i32) -> (i32, i32) {
    %c0_i32 = arith.constant 0 : i32
    %c0_i32_0 = arith.constant 0 : i32
    return %arg0, %c0_i32 : i32, i32
  }
  func.func @transform_1(%arg0: i32) -> (i32, i32, i32) {
    %c0_i32 = arith.constant 0 : i32
    %c0_i32_0 = arith.constant 0 : i32
    %c0_i32_1 = arith.constant 0 : i32
    return %c0_i32, %arg0, %c0_i32_0 : i32, i32, i32
  }
  func.func @transform_2(%arg0: i32) -> (i32, i32) {
    %c0_i32 = arith.constant 0 : i32
    %c0_i32_0 = arith.constant 0 : i32
    %c0_i32_1 = arith.constant 0 : i32
    return %c0_i32, %c0_i32_0 : i32, i32
  }
  func.func @transform_3(%arg0: i32) -> (i32, i32) {
    %c0_i32 = arith.constant 0 : i32
    %c0_i32_0 = arith.constant 0 : i32
    %c0_i32_1 = arith.constant 0 : i32
    return %c0_i32, %c0_i32_0 : i32, i32
  }
  func.func @transform_4(%arg0: i32) -> (i32, i32) {
    %c0_i32 = arith.constant 0 : i32
    %c0_i32_0 = arith.constant 0 : i32
    %c0_i32_1 = arith.constant 0 : i32
    return %c0_i32, %c0_i32_0 : i32, i32
  }
  func.func @transform_5(%arg0: i32) -> (i32, i32) {
    %c0_i32 = arith.constant 0 : i32
    %c0_i32_0 = arith.constant 0 : i32
    %c0_i32_1 = arith.constant 0 : i32
    return %c0_i32, %c0_i32_0 : i32, i32
  }
  func.func @transform_6(%arg0: i32) -> (i32, i32) {
    %c0_i32 = arith.constant 0 : i32
    %c0_i32_0 = arith.constant 0 : i32
    return %arg0, %c0_i32 : i32, i32
  }
}

module attributes {stable_mosaic.version = 14 : i64} {
  func.func @_linear_split_kernel(%arg0: i32, %arg1: memref<2000x256xf32, #tpu.memory_space<vmem>>, %arg2: memref<256x256xf32, #tpu.memory_space<vmem>>, %arg3: memref<1x256xf32, #tpu.memory_space<vmem>>, %arg4: memref<2x2000x128xf32, #tpu.memory_space<vmem>>) attributes {dimension_semantics = [#tpu.dimension_semantics<arbitrary>], iteration_bounds = array<i64: 5>, scalar_prefetch = 0 : i64, scratch_operands = 0 : i64, tpu.core_type = #tpu.core_type<tc>, window_params = [{transform_indices = @transform_0, window_bounds = array<i64: 2000, 256>}, {pipeline_mode = #tpu.pipeline_mode<synchronous>, transform_indices = @transform_1, window_bounds = array<i64: 256, 256>}, {pipeline_mode = #tpu.pipeline_mode<synchronous>, transform_indices = @transform_2, window_bounds = array<i64: 1, 256>}, {transform_indices = @transform_3, window_bounds = array<i64: 2, 2000, 128>}]} {
    %get3A = arith.constant 0 : index
    %get3A_0 = arith.constant 0 : index
    %get3A_1 = vector.load %arg1[%get3A, %get3A_0] : memref<2000x256xf32, #tpu.memory_space<vmem>>, vector<2000x256xf32>
    %get3A_2 = arith.constant 0 : index
    %get3A_3 = arith.constant 0 : index
    %get3A_4 = vector.load %arg2[%get3A_2, %get3A_3] : memref<256x256xf32, #tpu.memory_space<vmem>>, vector<256x256xf32>
    %dot_general3A = arith.constant dense<0.000000e+00> : vector<2000x256xf32>
    %dot_general3A_5 = tpu.matmul %get3A_1, %get3A_4, %dot_general3A {dimension_numbers = #tpu.dot_dimension_numbers<[1], [1], [0], [0], [0, 0, 1, 0], [], []>, transpose_lhs_hint = false} : vector<2000x256xf32>, vector<256x256xf32>, vector<2000x256xf32> -> vector<2000x256xf32>
    %get3A_6 = arith.constant 0 : index
    %get3A_7 = arith.constant 0 : index
    %get3A_8 = vector.load %arg3[%get3A_6, %get3A_7] : memref<1x256xf32, #tpu.memory_space<vmem>>, vector<1x256xf32>
    %add3A = vector.broadcast %get3A_8 : vector<1x256xf32> to vector<2000x256xf32>
    %add3A_9 = arith.addf %dot_general3A_5, %add3A : vector<2000x256xf32>
    %slice3A = vector.extract_strided_slice %add3A_9 {offsets = [0, 0], sizes = [2000, 128], strides = [1, 1]} : vector<2000x256xf32> to vector<2000x128xf32>
    %swap3A = arith.constant 0 : index
    %swap3A_10 = arith.constant 0 : index
    %swap3A_11 = arith.constant 0 : index
    %swap3A_12 = vector.load %arg4[%swap3A, %swap3A_10, %swap3A_11] : memref<2x2000x128xf32, #tpu.memory_space<vmem>>, vector<1x2000x128xf32>
    %swap3A_13 = vector.shape_cast %swap3A_12 : vector<1x2000x128xf32> to vector<2000x128xf32>
    %swap3A_14 = vector.shape_cast %slice3A : vector<2000x128xf32> to vector<1x2000x128xf32>
    tpu.vector_store %arg4[%swap3A, %swap3A_10, %swap3A_11], %swap3A_14 {strides = array<i32>} : memref<2x2000x128xf32, #tpu.memory_space<vmem>>, vector<1x2000x128xf32>,
    %slice3A_15 = vector.extract_strided_slice %add3A_9 {offsets = [0, 128], sizes = [2000, 128], strides = [1, 1]} : vector<2000x256xf32> to vector<2000x128xf32>
    %swap3A_16 = arith.constant 1 : index
    %swap3A_17 = arith.constant 0 : index
    %swap3A_18 = arith.constant 0 : index
    %swap3A_19 = vector.load %arg4[%swap3A_16, %swap3A_17, %swap3A_18] : memref<2x2000x128xf32, #tpu.memory_space<vmem>>, vector<1x2000x128xf32>
    %swap3A_20 = vector.shape_cast %swap3A_19 : vector<1x2000x128xf32> to vector<2000x128xf32>
    %swap3A_21 = vector.shape_cast %slice3A_15 : vector<2000x128xf32> to vector<1x2000x128xf32>
    tpu.vector_store %arg4[%swap3A_16, %swap3A_17, %swap3A_18], %swap3A_21 {strides = array<i32>} : memref<2x2000x128xf32, #tpu.memory_space<vmem>>, vector<1x2000x128xf32>,
    return
  }
  func.func @transform_0(%arg0: i32) -> (i32, i32) {
    %c0_i32 = arith.constant 0 : i32
    %c0_i32_0 = arith.constant 0 : i32
    return %arg0, %c0_i32 : i32, i32
  }
  func.func @transform_1(%arg0: i32) -> (i32, i32) {
    %c0_i32 = arith.constant 0 : i32
    %c0_i32_0 = arith.constant 0 : i32
    %c0_i32_1 = arith.constant 0 : i32
    return %c0_i32, %c0_i32_0 : i32, i32
  }
  func.func @transform_2(%arg0: i32) -> (i32, i32) {
    %c0_i32 = arith.constant 0 : i32
    %c0_i32_0 = arith.constant 0 : i32
    %c0_i32_1 = arith.constant 0 : i32
    return %c0_i32, %c0_i32_0 : i32, i32
  }
  func.func @transform_3(%arg0: i32) -> (i32, i32, i32) {
    %c0_i32 = arith.constant 0 : i32
    %c0_i32_0 = arith.constant 0 : i32
    %c0_i32_1 = arith.constant 0 : i32
    return %c0_i32, %arg0, %c0_i32_0 : i32, i32, i32
  }
}

</mosaic_0001>

<sc_bundles>
// kernel: kernel.5.cloned.1.call-start
scs
__scs_entry_jumppad:
0x0: {  	(pc) =	sbr.rel $0x88, $3  }
0x1: {  	(tag) =	ssettag $0x0;
	lr =	simm.s32 $0x1  }
0x2: {  	[smem:$0x3F99] =	sst lr;
	_ =	strace $0xD0000000  }
0x3: {  	_ = 	snop  }
0x4: {  	_ = 	snop  }
0x5: {  	_ = 	snop  }
0x6: {  	_ = 	snop  }
0x7: {  	_ = 	snop  }
__scs_overlays_trampoline_lowered:
0x8: {  	[smem:$0x3FA8] =	sst s0  }
0x9: {  	[smem:$0x3FA9] =	sst s1  }
0xa: {  	[smem:$0x3FAA] =	sst s2  }
0xb: {  	[smem:$0x3FAB] =	sst s3  }
0xc: {  	[smem:$0x3FAC] =	sst s4  }
0xd: {  	[smem:$0x3FAD] =	sst s5  }
0xe: {  	[smem:$0x3FAE] =	sst s6  }
0xf: {  	[smem:$0x3FAF] =	sst s7  }
0x10: {  	[smem:$0x3FB0] =	sst s8  }
0x11: {  	[smem:$0x3FB1] =	sst s9;
	s0 =	simm.s32 @!p0 $0x0  }
0x12: {  	s1 =	sld [smem:$0x3F97];
	s0 =	simm.s32 @p0 $0x1  }
0x13: {  	[smem:$0x3FB2] =	sst s0;
	s0 =	simm.s32 @!p1 $0x0  }
0x14: {  	s2 =	sld [smem:$0x3F96];
	s0 =	simm.s32 @p1 $0x1  }
0x15: {  	[smem:$0x3FB3] =	sst s0;
	s0 =	simm.s32 @!p2 $0x0  }
0x16: {  	s3 =	sld [smem:$0x3FDB];
	s0 =	simm.s32 @p2 $0x1  }
0x17: {  	s4 =	simm.s32 $0x1BF5;
	[smem:$0x3FB5] =	sst s0  }
0x18: {  	s0 =	sld [smem:$0x3F98];
	_ =	swait.ge [sflag:s4], $0x0  }
0x19: {  	s7 =	sld [smem:$0x3F99]  }
0x1a: {  	s8 =	sadd.s32 $0xFFFFE003, lr  }
0x1b: {  	s9 =	sadd.s32 $0xFFFFFEF7, lr;
	s5 =	simm.s32 $0xFFFFFFFF;
	p2 =	slt.u32 s8, $0xFFFFF086  }
0x1c: {  	p1 =	slt.u32 s9, $0xF7A;
	s5 =	simm.s32 @!p2 $0x0  }
0x1d: {  	s5 =	simm.s32 @p1 $0x1;
	p0 =	seq.s32 s7, s2  }
0x1e: {  	s7 =	smul.u32 @!p0 $0xF7A, s2;
	p2 =	seq.s32 @!p0 s5, $0x0  }
0x1f: {  	s9 =	smul.u32 $0xF7A, s1;
	s8 =	simm.s32 @!p0 $0x1BF5;
	p2 =	por !p2, p0  }
0x20: {  	[sflag:s8] =	ssyncset.s32 @!p0 $0xFFFFF086;
	s6 =	sadd.s32 @!p0 s3, s7;
	s7 =	simm.s32 @!p0 $0x108  }
0x21: {  	s3 =	sadd.s32 s3, s9;
	s6 =	sadd.s32 @!p0 $0x88, s6;
	s7 =	simm.s32 @p2 $0x1082  }
0x22: {  	[simem:s7], [sflag:s8] =	dma.local @!p0 [hbm:s6], $0xF7A  }
0x23: {  	s9 =	sor.u32 $0xD0000000, s2;
	s6 =	simm.s32 $0x108;
	_ =	swait.ge @!p0 [sflag:s8], $0x0  }
0x24: {  	s3 =	sadd.s32 $0x88, s3;
	s6 =	simm.s32 @!p1 $0x1082;
	[sflag:s4] =	ssyncset.s32 $0xFFFFF086  }
0x25: {  	[simem:s6], [sflag:s4] =	dma.local [hbm:s3], $0xF7A  }
0x26: {  	[smem:$0x3F99] =	sst s1;
	(tag) =	ssettag s2;
	_ =	strace s9  }
0x27: {  	s1 =	sld [smem:$0x3FA9]  }
0x28: {  	s2 =	sld [smem:$0x3FAA]  }
0x29: {  	s4 =	sld [smem:$0x3FAC]  }
0x2a: {  	p0 =	seq.s32 s5, $0x0;
	s5 =	sld [smem:$0x3FAD]  }
0x2b: {  	s6 =	sld [smem:$0x3FAE]  }
0x2c: {  	s7 =	sld [smem:$0x3FAF]  }
0x2d: {  	s3 =	simm.s32 $0x108;
	s8 =	sld [smem:$0x3FB0]  }
0x2e: {  	s3 =	simm.s32 @!p0 $0x1082;
	s9 =	sld [smem:$0x3FB1]  }
0x2f: {  	lr =	sadd.s32 s0, s3;
	s0 =	sld [smem:$0x3FA8]  }
0x30: {  	s3 =	sld [smem:$0x3FAB]  }
0x31: {  	[smem:$0x3FB4] =	sst s10  }
0x32: {  	s10 =	sld [smem:$0x3FB2];
	_ =	sdelay $0x3  }
0x33: {  	p0 =	seq.s32 s10, $0x1;
	s10 =	sld [smem:$0x3FB4];
	_ =	sdelay $0x3  }
0x34: {  	[smem:$0x3FB4] =	sst s10  }
0x35: {  	s10 =	sld [smem:$0x3FB3];
	_ =	sdelay $0x3  }
0x36: {  	p1 =	seq.s32 s10, $0x1;
	s10 =	sld [smem:$0x3FB4];
	_ =	sdelay $0x3  }
0x37: {  	[smem:$0x3FB4] =	sst s10  }
0x38: {  	s10 =	sld [smem:$0x3FB5]  }
0x39: {  	_ = 	snop;
	(pc) =	sbr.ind lr, $3  }
0x3a: {  	_ = 	snop  }
0x3b: {  	_ = 	snop  }
0x3c: {  	p2 =	seq.s32 s10, $0x1;
	s10 =	sld [smem:$0x3FB4]  }
0x3d: {  	_ =	shalt  }
0x3e: {  	_ =	shalt  }
0x3f: {  	_ =	shalt  }
0x40: {  	_ =	shalt  }
0x41: {  	_ =	shalt  }
0x42: {  	_ =	shalt  }
0x43: {  	_ =	shalt  }
0x44: {  	_ =	shalt  }
0x45: {  	_ =	shalt  }
0x46: {  	_ =	shalt  }
0x47: {  	_ =	shalt  }
0x48: {  	_ =	shalt  }
0x49: {  	_ =	shalt  }
0x4a: {  	_ =	shalt  }
0x4b: {  	_ =	shalt  }
0x4c: {  	_ =	shalt  }
0x4d: {  	_ =	shalt  }
0x4e: {  	_ =	shalt  }
0x4f: {  	_ =	shalt  }
0x50: {  	_ =	shalt  }
0x51: {  	_ =	shalt  }
0x52: {  	_ =	shalt  }
0x53: {  	_ =	shalt  }
0x54: {  	_ =	shalt  }
0x55: {  	_ =	shalt  }
0x56: {  	_ =	shalt  }
0x57: {  	_ =	shalt  }
0x58: {  	_ =	shalt  }
0x59: {  	_ =	shalt  }
0x5a: {  	_ =	shalt  }
0x5b: {  	_ =	shalt  }
0x5c: {  	_ =	shalt  }
0x5d: {  	_ =	shalt  }
0x5e: {  	_ =	shalt  }
0x5f: {  	_ =	shalt  }
0x60: {  	_ =	shalt  }
0x61: {  	_ =	shalt  }
0x62: {  	_ =	shalt  }
0x63: {  	_ =	shalt  }
0x64: {  	_ =	shalt  }
0x65: {  	_ =	shalt  }
0x66: {  	_ =	shalt  }
0x67: {  	_ =	shalt  }
0x68: {  	_ =	shalt  }
0x69: {  	_ =	shalt  }
0x6a: {  	_ =	shalt  }
0x6b: {  	_ =	shalt  }
0x6c: {  	_ =	shalt  }
0x6d: {  	_ =	shalt  }
0x6e: {  	_ =	shalt  }
0x6f: {  	_ =	shalt  }
0x70: {  	_ =	shalt  }
0x71: {  	_ =	shalt  }
0x72: {  	_ =	shalt  }
0x73: {  	_ =	shalt  }
0x74: {  	_ =	shalt  }
0x75: {  	_ =	shalt  }
0x76: {  	_ =	shalt  }
0x77: {  	_ =	shalt  }
0x78: {  	_ =	shalt  }
0x79: {  	_ =	shalt  }
0x7a: {  	_ =	shalt  }
0x7b: {  	_ =	shalt  }
0x7c: {  	_ =	shalt  }
0x7d: {  	_ =	shalt  }
0x7e: {  	_ =	shalt  }
0x7f: {  	_ =	shalt  }
0x80: {  	_ =	shalt  }
0x81: {  	_ =	shalt  }
0x82: {  	_ =	shalt  }
0x83: {  	_ =	shalt  }
0x84: {  	_ =	shalt  }
0x85: {  	_ =	shalt  }
0x86: {  	_ =	shalt  }
0x87: {  	_ =	shalt  }
.Lfunc_end0:
.L_simem_size_0:
called_computation_lowered:
.L_overlay_start_0:
0x88: {  	s2 =	sld [smem:$0x3FD9]  }
0x89: {  	s3 =	sld [smem:$0x3FFE];
	_ =	sdelay $0x1  }
0x8a: {  	s1 =	srdreg.scid  }
0x8b: {  	s0 =	sand.u32 $0x1, s1  }
0x8c: {  	s17 =	sshll.u32 s0, $0xA;
	s2 =	sadd.s32 s3, s2  }
0x8d: {  	s2 =	sadd.s32 s2, s17  }
0x8e: {  	[smem:$0x3FC0] =	sst s2  }
0x8f: {  	_ = 	snop  }
0x90: {  	s2 =	sld [smem:$0x3FD0];
	(tm) =	ssettm $0x1  }
0x91: {  	s18 =	sld [smem:$0x3FFB];
	_ =	sdelay $0x3  }
0x92: {  	_ =	strace s18  }
0x93: {  	s3 =	sld [smem:$0x3FFC];
	_ =	sdelay $0x3  }
0x94: {  	_ =	strace s3  }
0x95: {  	s3 =	sld [smem:$0x3FFD];
	_ =	sdelay $0x3  }
0x96: {  	_ =	strace s3  }
0x97: {  	_ =	strace $0x8FFFFFFF  }
0x98: {  	s19 =	sld [smem:$0x3FDB];
	_ =	sdelay $0x1  }
0x99: {  	s4 =	simm.s32 $_scs_section_size  }
0x9a: {  	s5 =	simm.s32 $_size__tile_overlayer_lowered;
	s6 =	simm.s32 $_tile_overlayer_lowered  }
0x9b: {  	s22 =	simm.s32 $0x1BFF;
	s21 =	sshll.u32 s6, $0x1;
	s3 =	sadd.s32 s4, s19  }
0x9c: {  	s7 =	simm.s32 $0x0;
	s20 =	sshll.u32 s5, $0x1;
	s5 =	sadd.s32 s21, s3  }
0x9d: {  	[timem:s7], [sflag:s22] =	dma.local [hbm:s5], s20  }
0x9e: {  	_ =	swait.ge [sflag:s22], s20  }
0x9f: {  	s4 =	ssub.s32 $0x0, s20;
	[sflag:s22] =	ssyncset.done $0x0  }
0xa0: {  	[sflag:s22] =	ssyncadd.s32 s4;
	_ =	sdelay $0x1  }
0xa1: {  	s23 =	simm.s32 $0x1B8B  }
0xa2: {  	_ =	swait.ge [sflag:s23], $0x1  }
0xa3: {  	[sflag:s23] =	ssyncset.done $0x0  }
0xa4: {  	s25 =	simm.s32 $0x1B8E;
	s24 =	sld [smem:$0x3FFE];
	[sflag:s23] =	ssyncadd.s32 $0xFFFFFFFF  }
0xa5: {  	s26 =	simm.s32 $execute0_lowered;
	[smem:$0x3FD2] =	sst s25  }
0xa6: {  	s5 =	sshll.u32 s26, $0x1;
	_ =	strace $0x80000046;
	[dreg:$0x1] =	wrdreg $0xFFFFFFFF  }
0xa7: {  	s28 =	simm.s32 $_size_execute0_lowered;
	s3 =	sadd.s32 s3, s5;
	[dreg:$0x0] =	wrdreg $0x0  }
0xa8: {  	s5 =	sshll.u32 s28, $0x1;
	[dreg:$0x2] =	wrdreg s3  }
0xa9: {  	[dreg:$0x3] =	wrdreg s5  }
0xaa: {  	[dreg:$0x4] =	wrdreg $0xC0  }
0xab: {  	_ =	task [dreg:s7], $0x5FFFF  }
0xac: {  	[dreg:$0x1] =	wrdreg $0xFFFFFFFF  }
0xad: {  	[dreg:$0x0] =	wrdreg $0x60  }
0xae: {  	[dreg:$0x2] =	wrdreg s2  }
0xaf: {  	[dreg:$0x3] =	wrdreg s24  }
0xb0: {  	[dreg:$0x4] =	wrdreg $0xC0000  }
0xb1: {  	[dreg:$0x5] =	wrdreg $0x9  }
0xb2: {  	_ =	task.clear_ibuf [dreg:s7], $0x6FFFF;
	_ =	strace $0x90000046  }
0xb3: {  	s29 =	simm.s32 $0x9;
	_ =	strace $0x80000048  }
0xb4: {  	_ =	swait.ge [sflag:s29], $0x1  }
0xb5: {  	[sflag:s29] =	ssyncadd.s32 $0xFFFFFFFF  }
0xb6: {  	_ =	strace $0x90000048  }
0xb7: {  	_ =	sfence  }
0xb8: {  	s30 =	sld [smem:$0x0];
	_ =	sdelay $0x2  }
0xb9: {  	s31 =	sshll.u32 s1, $0xD;
	s1 =	sshrl.u32 s1, $0x2  }
0xba: {  	s3 =	sand.u32 $0x4000, s31;
	s1 =	sadd.s32 s1, s30  }
0xbb: {  	s0 =	sor.u32 s3, s0;
	s1 =	sshll.u32 s1, $0x11  }
0xbc: {  	s0 =	sor.u32 s1, s0  }
0xbd: {  	s0 =	sadd.s32 $0x8F2B, s0  }
0xbe: {  	[sflag:s0] =	ssyncadd.remote.s32 $0x1  }
0xbf: {  	_ =	sfence.sel $0xFFFF  }
0xc0: {  	[dreg:$0x0] =	wrdreg $0xFFFFFFFF;
	(pc) =	sbr.abs _section_cstart, $3  }
0xc1: {  	[dreg:$0x1] =	wrdreg $0xFFFFFFFF  }
0xc2: {  	_ =	task.clear_ibuf [dreg:s7], $0x2FFFF;
	_ =	strace $0x9FFFFFFF  }
0xc3: {  	(tm) =	ssettm $0x7FFFFFFF  }
tec
execute0_lowered:
.L_overlay_start_1:
0x0: {  	(tag) =	ssettag $0x1  }
0x1: {  	s0 =	rddreg [dreg:$0x0]  }
0x2: {  	s1 =	rddreg [dreg:$0x1]  }
0x3: {  	s3 =	srdreg.scid;
	s12 =	stileid.u32  }
0x4: {  	s2 =	rddreg [dreg:$0x2];
	s28 =	simm.s32 $0x4000;
	s6 =	smul.u32 $0x13C00, s12  }
0x5: {  	s29 =	simm.s32 $0x7;
	s30 =	simm.s32 $0x1000;
	s7 =	smul.u32 $0x4F000, s12  }
0x6: {  	s31 =	simm.s32 $0x40;
	s5 =	sand.u32 $0x1, s3;
	s10 =	smul.u32 $0x5000, s12  }
0x7: {  	s3 =	simm.s32 $0x0;
	s19 =	sadd.s32 $0xBA00, s1;
	s21 =	smul.u32 $0xA00, s12  }
0x8: {  	s9 =	sadd.s32 $0x1A00, s1;
	s4 =	smul.u32 $0x13C000, s5;
	[smem:$0x7FF] =	sst s3  }
0x9: {  	s20 =	ssub.s32 $0x2, s5;
	s5 =	smul.u32 $0x27100, s5;
	_ =	strace $0x80000047  }
0xa: {  	s8 =	sshrl.u32 s20, $0x1;
	s7 =	sshrl.u32 s7, $0x2;
	s10 =	sshrl.u32 s10, $0x3  }
0xb: {  	s23 =	sadd.s32 s19, s21;
	s11 =	ssub.s32 s20, s8;
	s24 =	sadd.s32 $0x200, s10  }
0xc: {  	[dreg:$0x5] =	wrdreg s23;
	s26 =	sadd.s32 $0x400, s10;
	s25 =	sadd.s32 s19, s24  }
0xd: {  	s8 =	sadd.s32 s0, s5;
	s12 =	sadd.s32 s19, s26;
	[dreg:$0x7] =	wrdreg s25  }
0xe: {  	s13 =	sadd.s32 $0x600, s10;
	s0 =	sadd.s32 s9, s26;
	[dreg:$0x9] =	wrdreg s12  }
0xf: {  	s4 =	sadd.s32 s6, s4;
	s14 =	sadd.s32 s19, s13;
	[dreg:$0xa] =	wrdreg s0  }
0x10: {  	s15 =	sadd.s32 $0x800, s10;
	s5 =	sadd.s32 s9, s13;
	[dreg:$0xb] =	wrdreg s14  }
0x11: {  	s4 =	sshrl.u32 s4, $0x3;
	s16 =	sadd.s32 s19, s15;
	[dreg:$0xc] =	wrdreg s5  }
0x12: {  	s18 =	smax.u32 s11, $0x1;
	s1 =	sadd.s32 s4, s1;
	[dreg:$0xd] =	wrdreg s16  }
0x13: {  	s4 =	sadd.s32 s7, s2;
	s7 =	sadd.s32 s9, s21;
	[dreg:$0x10] =	wrdreg s18  }
0x14: {  	s6 =	simm.s32 $0x8000;
	s0 =	sadd.s32 s9, s15;
	[dreg:$0x6] =	wrdreg s7  }
0x15: {  	s10 =	simm.s32 $0x2000;
	s22 =	sadd.s32 $0x12000, s4;
	[dreg:$0xe] =	wrdreg s0  }
0x16: {  	s13 =	simm.s32 $0x2;
	s7 =	sadd.s32 s9, s24;
	[dreg:$0x4] =	wrdreg s22  }
0x17: {  	s5 =	simm.s32 $0x100;
	s17 =	sadd.s32 $0x15A00, s1;
	[dreg:$0x8] =	wrdreg s7  }
0x18: {  	s12 =	simm.s32 $0x1;
	s19 =	sadd.s32 $0x2000, s4;
	[dreg:$0xf] =	wrdreg s17  }
0x19: {  	s14 =	simm.s32 $0x3;
	s20 =	sadd.s32 $0x4000, s4;
	[dreg:$0x11] =	wrdreg s19  }
0x1a: {  	s15 =	simm.s32 $0x4;
	s21 =	sadd.s32 $0x6000, s4;
	[dreg:$0x12] =	wrdreg s20  }
0x1b: {  	s16 =	simm.s32 $0x5;
	s23 =	sadd.s32 $0xA000, s4;
	[dreg:$0x13] =	wrdreg s21  }
0x1c: {  	s18 =	simm.s32 $0x1E00;
	s24 =	sadd.s32 $0xC000, s4;
	[dreg:$0x15] =	wrdreg s23  }
0x1d: {  	s25 =	sadd.s32 $0xE000, s4;
	s26 =	sadd.s32 $0x10000, s4;
	[dreg:$0x16] =	wrdreg s24  }
0x1e: {  	s0 =	simm.s32 $0x80;
	s1 =	simm.s32 $0x6000;
	[dreg:$0x17] =	wrdreg s25  }
0x1f: {  	s9 =	simm.s32 $0xA000;
	s22 =	sadd.s32 $0x8000, s4;
	[dreg:$0x18] =	wrdreg s26  }
0x20: {  	s7 =	simm.s32 $0x180;
	s17 =	simm.s32 $0x6;
	s19 =	simm.s32 $0x1E80  }
0x21: {  	s21 =	simm.s32 $0x1F00;
	s23 =	simm.s32 $0x1F80;
	s25 =	simm.s32 $0x3E80  }
0x22: {  	v0 =	vimm.f32 $0.0e+00;
	s26 =	simm.s32 $0x3F00;
	s20 =	simm.s32 $0x3F80;
	[dreg:$0x14] =	wrdreg s22  }
.LBB2_1:
0x23: {  	s11 =	simm.s32 $0x0;
	s22 =	simm.s32 $0x200  }
.LBB2_2:
0x24: {  	p0 =	sne.s32 s22, $0x7E00;
	[tilespmem:s11+$0x4070] =	vst v0  }
0x25: {  	[tilespmem:s11+$0x4000] =	vst v0  }
0x26: {  	[tilespmem:s11+$0x4010] =	vst v0  }
.Ltmp0:
0x27: {  	[tilespmem:s11+$0x4020] =	vst v0;
	(pc) =	sbr.rel @p0 .LBB2_2-.Ltmp0, $4  }
0x28: {  	[tilespmem:s11+$0x4030] =	vst v0  }
0x29: {  	[tilespmem:s11+$0x4040] =	vst v0  }
0x2a: {  	[tilespmem:s11+$0x4050] =	vst v0  }
0x2b: {  	[tilespmem:s11+$0x4060] =	vst v0;
	s11 =	sshra.s32 s22, $0x2;
	s22 =	sadd.s32 $0x200, s22  }
0x2c: {  	[tilespmem:s11+$0x4070] =	vst v0  }
0x2d: {  	[tilespmem:s11+$0x4000] =	vst v0  }
0x2e: {  	[tilespmem:s11+$0x4010] =	vst v0  }
0x2f: {  	[tilespmem:s11+$0x4020] =	vst v0  }
0x30: {  	[tilespmem:s11+$0x4030] =	vst v0  }
0x31: {  	[tilespmem:s11+$0x4040] =	vst v0  }
0x32: {  	[tilespmem:s11+$0x4050] =	vst v0  }
0x33: {  	[tilespmem:s11+$0x4060] =	vst v0  }
0x34: {  	[spmem:s4] =	stream.linear.scatter [tilespmem:s28], [sflag:$0x7], $0x2000, $0x38;
	[tilespmem:$0x1FC00] =	vst v63  }
0x35: {  	_ =	swait.ge [sflag:s29], $0x2000  }
0x36: {  	[sflag:s29] =	ssyncset.done $0x0  }
0x37: {  	s22 =	rddreg [dreg:$0x11];
	[sflag:s29] =	ssyncadd.s32 $0xFFFFE000  }
0x38: {  	[spmem:s22] =	stream.linear.scatter [tilespmem:s28], [sflag:$0x7], $0x2000, $0x38;
	[tilespmem:$0x1FC00] =	vst v63  }
0x39: {  	_ =	swait.ge [sflag:s29], $0x2000  }
0x3a: {  	[sflag:s29] =	ssyncset.done $0x0  }
0x3b: {  	s24 =	rddreg [dreg:$0x12];
	[sflag:s29] =	ssyncadd.s32 $0xFFFFE000  }
0x3c: {  	[spmem:s24] =	stream.linear.scatter [tilespmem:s28], [sflag:$0x7], $0x2000, $0x38;
	[tilespmem:$0x1FC00] =	vst v63  }
0x3d: {  	_ =	swait.ge [sflag:s29], $0x2000  }
0x3e: {  	[sflag:s29] =	ssyncset.done $0x0  }
0x3f: {  	s22 =	rddreg [dreg:$0x13];
	[sflag:s29] =	ssyncadd.s32 $0xFFFFE000  }
0x40: {  	[spmem:s22] =	stream.linear.scatter [tilespmem:s28], [sflag:$0x7], $0x2000, $0x38;
	[tilespmem:$0x1FC00] =	vst v63  }
0x41: {  	_ =	swait.ge [sflag:s29], $0x2000  }
0x42: {  	[sflag:s29] =	ssyncset.done $0x0  }
0x43: {  	s24 =	rddreg [dreg:$0x14];
	[sflag:s29] =	ssyncadd.s32 $0xFFFFE000  }
0x44: {  	[spmem:s24] =	stream.linear.scatter [tilespmem:s28], [sflag:$0x7], $0x2000, $0x38;
	[tilespmem:$0x1FC00] =	vst v63  }
0x45: {  	_ =	swait.ge [sflag:s29], $0x2000  }
0x46: {  	[sflag:s29] =	ssyncset.done $0x0  }
0x47: {  	s22 =	rddreg [dreg:$0x15];
	[sflag:s29] =	ssyncadd.s32 $0xFFFFE000  }
0x48: {  	[spmem:s22] =	stream.linear.scatter [tilespmem:s28], [sflag:$0x7], $0x2000, $0x38;
	[tilespmem:$0x1FC00] =	vst v63  }
0x49: {  	_ =	swait.ge [sflag:s29], $0x2000  }
0x4a: {  	[sflag:s29] =	ssyncset.done $0x0  }
0x4b: {  	s24 =	rddreg [dreg:$0x16];
	[sflag:s29] =	ssyncadd.s32 $0xFFFFE000  }
0x4c: {  	[spmem:s24] =	stream.linear.scatter [tilespmem:s28], [sflag:$0x7], $0x2000, $0x38;
	[tilespmem:$0x1FC00] =	vst v63  }
0x4d: {  	_ =	swait.ge [sflag:s29], $0x2000  }
0x4e: {  	[sflag:s29] =	ssyncset.done $0x0  }
0x4f: {  	s22 =	rddreg [dreg:$0x17];
	[sflag:s29] =	ssyncadd.s32 $0xFFFFE000  }
0x50: {  	[spmem:s22] =	stream.linear.scatter [tilespmem:s28], [sflag:$0x7], $0x2000, $0x38;
	[tilespmem:$0x1FC00] =	vst v63  }
0x51: {  	_ =	swait.ge [sflag:s29], $0x2000  }
0x52: {  	[sflag:s29] =	ssyncset.done $0x0  }
0x53: {  	s24 =	rddreg [dreg:$0x18];
	[sflag:s29] =	ssyncadd.s32 $0xFFFFE000  }
0x54: {  	[spmem:s24] =	stream.linear.scatter [tilespmem:s28], [sflag:$0x7], $0x2000, $0x38;
	[tilespmem:$0x1FC00] =	vst v63  }
0x55: {  	_ =	swait.ge [sflag:s29], $0x2000  }
0x56: {  	[sflag:s29] =	ssyncset.done $0x0  }
0x57: {  	s22 =	rddreg [dreg:$0x4];
	[sflag:s29] =	ssyncadd.s32 $0xFFFFE000  }
0x58: {  	[spmem:s22] =	stream.linear.scatter [tilespmem:s28], [sflag:$0x7], $0x1C00, $0x38;
	[tilespmem:$0x1FC00] =	vst v63  }
0x59: {  	_ =	swait.ge [sflag:s29], $0x1C00  }
0x5a: {  	[sflag:s29] =	ssyncset.done $0x0  }
0x5b: {  	[sflag:s29] =	ssyncadd.s32 $0xFFFFE400  }
0x5c: {  	[bflag:$0x0] =	sbarrier.arrive $0xFFFF  }
0x5d: {  	s11 =	simm.s32 $0x0;
	s22 =	rddreg [dreg:$0x5]  }
0x5e: {  	[tilespmem:s11], [sflag:$0x7] =	stream.linear.gather [hbm4b:s22+s11], $0x1000, $0x38;
	[tilespmem:$0x1FC00] =	vst v63  }
0x5f: {  	_ =	swait.ge [sflag:s29], $0x1000  }
0x60: {  	[sflag:s29] =	ssyncset.done $0x0  }
0x61: {  	s24 =	rddreg [dreg:$0x6];
	[sflag:s29] =	ssyncadd.s32 $0xFFFFF000  }
0x62: {  	[tilespmem:s30], [sflag:$0x7] =	stream.linear.gather [hbm4b:s24+s11], $0x1000, $0x38;
	[tilespmem:$0x1FC00] =	vst v63  }
0x63: {  	_ =	swait.ge [sflag:s29], $0x1000  }
0x64: {  	[sflag:s29] =	ssyncset.done $0x0  }
0x65: {  	[sflag:s29] =	ssyncadd.s32 $0xFFFFF000  }
0x66: {  	[tilespmem:s28], [sflag:$0x1] =	stream.indirect.gather [hbm4b:s8+s31], $0x80, s11, s31, $0xb8;
	[tilespmem:$0x1FC00] =	vst v63  }
0x67: {  	_ = 	snop  }
0x68: {  	[tilespmem:s1], [sflag:$0x2] =	stream.indirect.gather [hbm4b:s8+s31], $0x80, s0, s31, $0xb8;
	[tilespmem:$0x1FC00] =	vst v63  }
0x69: {  	_ = 	snop  }
0x6a: {  	[tilespmem:s6], [sflag:$0x3] =	stream.indirect.gather [hbm4b:s8+s31], $0x80, s5, s31, $0xb8;
	[tilespmem:$0x1FC00] =	vst v63  }
0x6b: {  	_ = 	snop  }
0x6c: {  	[tilespmem:s9], [sflag:$0x4] =	stream.indirect.gather [hbm4b:s8+s31], $0x80, s7, s31, $0xb8;
	[tilespmem:$0x1FC00] =	vst v63  }
0x6d: {  	s24 =	rddreg [dreg:$0x7]  }
0x6e: {  	[tilespmem:s10], [sflag:$0x5] =	stream.linear.gather [hbm4b:s24+s11], $0x1000, $0x38;
	[tilespmem:$0x1FC00] =	vst v63  }
0x6f: {  	s22 =	rddreg [dreg:$0x8];
	s24 =	simm.s32 $0x3000  }
0x70: {  	[tilespmem:s24], [sflag:$0x6] =	stream.linear.gather [hbm4b:s22+s11], $0x1000, $0x38;
	[tilespmem:$0x1FC00] =	vst v63  }
0x71: {  	_ =	swait.ge [sflag:s12], $0x2000  }
0x72: {  	[sflag:s12] =	ssyncset.done $0x0  }
0x73: {  	s24 =	simm.s32 $0x1000;
	[sflag:s12] =	ssyncadd.s32 $0xFFFFE000  }
0x74: {  	[spmem:s2] =	stream.indirect.scatter.add.f32 [tilespmem:s28], [sflag:$0x7], $0x80, s24, s31, $0xb8;
	[tilespmem:$0x1FC00] =	vst v63  }
0x75: {  	_ =	swait.ge [sflag:s29], $0x2000  }
0x76: {  	[sflag:s29] =	ssyncset.done $0x0  }
0x77: {  	s22 =	simm.s32 $0x200;
	[sflag:s29] =	ssyncadd.s32 $0xFFFFE000  }
0x78: {  	[tilespmem:s28], [sflag:$0x1] =	stream.indirect.gather [hbm4b:s8+s31], $0x80, s22, s31, $0xb8;
	[tilespmem:$0x1FC00] =	vst v63  }
0x79: {  	_ =	swait.ge [sflag:s13], $0x2000  }
0x7a: {  	[sflag:s13] =	ssyncset.done $0x0  }
0x7b: {  	s24 =	simm.s32 $0x1080;
	[sflag:s13] =	ssyncadd.s32 $0xFFFFE000  }
0x7c: {  	[spmem:s2] =	stream.indirect.scatter.add.f32 [tilespmem:s1], [sflag:$0x7], $0x80, s24, s31, $0xb8;
	[tilespmem:$0x1FC00] =	vst v63  }
0x7d: {  	_ =	swait.ge [sflag:s29], $0x2000  }
0x7e: {  	[sflag:s29] =	ssyncset.done $0x0  }
0x7f: {  	s22 =	simm.s32 $0x280;
	[sflag:s29] =	ssyncadd.s32 $0xFFFFE000  }
0x80: {  	[tilespmem:s1], [sflag:$0x2] =	stream.indirect.gather [hbm4b:s8+s31], $0x80, s22, s31, $0xb8;
	[tilespmem:$0x1FC00] =	vst v63  }
0x81: {  	_ =	swait.ge [sflag:s14], $0x2000  }
0x82: {  	[sflag:s14] =	ssyncset.done $0x0  }
0x83: {  	s24 =	simm.s32 $0x1100;
	[sflag:s14] =	ssyncadd.s32 $0xFFFFE000  }
0x84: {  	[spmem:s2] =	stream.indirect.scatter.add.f32 [tilespmem:s6], [sflag:$0x7], $0x80, s24, s31, $0xb8;
	[tilespmem:$0x1FC00] =	vst v63  }
0x85: {  	_ =	swait.ge [sflag:s29], $0x2000  }
0x86: {  	[sflag:s29] =	ssyncset.done $0x0  }
0x87: {  	s22 =	simm.s32 $0x300;
	[sflag:s29] =	ssyncadd.s32 $0xFFFFE000  }
0x88: {  	[tilespmem:s6], [sflag:$0x3] =	stream.indirect.gather [hbm4b:s8+s31], $0x80, s22, s31, $0xb8;
	[tilespmem:$0x1FC00] =	vst v63  }
0x89: {  	_ =	swait.ge [sflag:s15], $0x2000  }
0x8a: {  	[sflag:s15] =	ssyncset.done $0x0  }
0x8b: {  	s24 =	simm.s32 $0x1180;
	[sflag:s15] =	ssyncadd.s32 $0xFFFFE000  }
0x8c: {  	[spmem:s2] =	stream.indirect.scatter.add.f32 [tilespmem:s9], [sflag:$0x7], $0x80, s24, s31, $0xb8;
	[tilespmem:$0x1FC00] =	vst v63  }
0x8d: {  	_ =	swait.ge [sflag:s29], $0x2000  }
0x8e: {  	[sflag:s29] =	ssyncset.done $0x0  }
0x8f: {  	s11 =	simm.s32 $0x380;
	s22 =	simm.s32 $0x800;
	[sflag:s29] =	ssyncadd.s32 $0xFFFFE000  }
.LBB2_4:
0x90: {  	[tilespmem:s9], [sflag:$0x4] =	stream.indirect.gather [hbm4b:s8+s31], $0x80, s11, s31, $0xb8;
	[tilespmem:$0x1FC00] =	vst v63  }
0x91: {  	s11 =	smov.u32 s22  }
0x92: {  	p0 =	sne.s32 s22, $0x3000;
	s22 =	sadd.s32 $0x800, s22;
	_ =	swait.ge [sflag:s12], $0x2000  }
0x93: {  	s11 =	sshra.s32 s11, $0x2;
	[sflag:s12] =	ssyncset.done $0x0  }
0x94: {  	s24 =	sadd.s32 $0x1000, s11;
	[sflag:s12] =	ssyncadd.s32 $0xFFFFE000  }
0x95: {  	[spmem:s2] =	stream.indirect.scatter.add.f32 [tilespmem:s28], [sflag:$0x7], $0x80, s24, s31, $0xb8;
	[tilespmem:$0x1FC00] =	vst v63  }
0x96: {  	_ =	swait.ge [sflag:s29], $0x2000  }
0x97: {  	[sflag:s29] =	ssyncset.done $0x0  }
0x98: {  	s24 =	sadd.s32 $0x200, s11;
	[sflag:s29] =	ssyncadd.s32 $0xFFFFE000  }
0x99: {  	[tilespmem:s28], [sflag:$0x1] =	stream.indirect.gather [hbm4b:s8+s31], $0x80, s24, s31, $0xb8;
	[tilespmem:$0x1FC00] =	vst v63  }
0x9a: {  	_ =	swait.ge [sflag:s13], $0x2000  }
0x9b: {  	[sflag:s13] =	ssyncset.done $0x0  }
0x9c: {  	s24 =	sadd.s32 $0x1080, s11;
	[sflag:s13] =	ssyncadd.s32 $0xFFFFE000  }
0x9d: {  	[spmem:s2] =	stream.indirect.scatter.add.f32 [tilespmem:s1], [sflag:$0x7], $0x80, s24, s31, $0xb8;
	[tilespmem:$0x1FC00] =	vst v63  }
0x9e: {  	_ =	swait.ge [sflag:s29], $0x2000  }
0x9f: {  	[sflag:s29] =	ssyncset.done $0x0  }
0xa0: {  	s24 =	sadd.s32 $0x280, s11;
	[sflag:s29] =	ssyncadd.s32 $0xFFFFE000  }
0xa1: {  	[tilespmem:s1], [sflag:$0x2] =	stream.indirect.gather [hbm4b:s8+s31], $0x80, s24, s31, $0xb8;
	[tilespmem:$0x1FC00] =	vst v63  }
0xa2: {  	_ =	swait.ge [sflag:s14], $0x2000  }
0xa3: {  	[sflag:s14] =	ssyncset.done $0x0  }
0xa4: {  	s24 =	sadd.s32 $0x1100, s11;
	[sflag:s14] =	ssyncadd.s32 $0xFFFFE000  }
0xa5: {  	[spmem:s2] =	stream.indirect.scatter.add.f32 [tilespmem:s6], [sflag:$0x7], $0x80, s24, s31, $0xb8;
	[tilespmem:$0x1FC00] =	vst v63  }
0xa6: {  	_ =	swait.ge [sflag:s29], $0x2000  }
0xa7: {  	[sflag:s29] =	ssyncset.done $0x0  }
0xa8: {  	s24 =	sadd.s32 $0x300, s11;
	[sflag:s29] =	ssyncadd.s32 $0xFFFFE000  }
0xa9: {  	[tilespmem:s6], [sflag:$0x3] =	stream.indirect.gather [hbm4b:s8+s31], $0x80, s24, s31, $0xb8;
	[tilespmem:$0x1FC00] =	vst v63  }
0xaa: {  	_ =	swait.ge [sflag:s15], $0x2000  }
0xab: {  	[sflag:s15] =	ssyncset.done $0x0  }
.Ltmp1:
0xac: {  	s24 =	sadd.s32 $0x1180, s11;
	[sflag:s15] =	ssyncadd.s32 $0xFFFFE000;
	(pc) =	sbr.rel @p0 .LBB2_4-.Ltmp1, $4  }
0xad: {  	[spmem:s2] =	stream.indirect.scatter.add.f32 [tilespmem:s9], [sflag:$0x7], $0x80, s24, s31, $0xb8;
	[tilespmem:$0x1FC00] =	vst v63  }
0xae: {  	_ =	swait.ge [sflag:s29], $0x2000  }
0xaf: {  	[sflag:s29] =	ssyncset.done $0x0  }
0xb0: {  	s11 =	sadd.s32 $0x380, s11;
	[sflag:s29] =	ssyncadd.s32 $0xFFFFE000  }
0xb1: {  	[tilespmem:s9], [sflag:$0x4] =	stream.indirect.gather [hbm4b:s8+s31], $0x80, s11, s31, $0xb8;
	[tilespmem:$0x1FC00] =	vst v63  }
0xb2: {  	_ =	swait.ge [sflag:s16], $0x1000  }
0xb3: {  	[sflag:s16] =	ssyncset.done $0x0  }
0xb4: {  	[sflag:s16] =	ssyncadd.s32 $0xFFFFF000  }
0xb5: {  	_ =	swait.ge [sflag:s17], $0x1000  }
0xb6: {  	[sflag:s17] =	ssyncset.done $0x0  }
0xb7: {  	[sflag:s17] =	ssyncadd.s32 $0xFFFFF000  }
0xb8: {  	_ =	swait.ge [sflag:s12], $0x2000  }
0xb9: {  	[sflag:s12] =	ssyncset.done $0x0  }
0xba: {  	[sflag:s12] =	ssyncadd.s32 $0xFFFFE000  }
0xbb: {  	[spmem:s2] =	stream.indirect.scatter.add.f32 [tilespmem:s28], [sflag:$0x7], $0x80, s18, s31, $0xb8;
	[tilespmem:$0x1FC00] =	vst v63  }
0xbc: {  	_ =	swait.ge [sflag:s29], $0x2000  }
0xbd: {  	[sflag:s29] =	ssyncset.done $0x0  }
0xbe: {  	[sflag:s29] =	ssyncadd.s32 $0xFFFFE000  }
0xbf: {  	[tilespmem:s28], [sflag:$0x1] =	stream.indirect.gather [hbm4b:s8+s31], $0x80, s10, s31, $0xb8;
	[tilespmem:$0x1FC00] =	vst v63  }
0xc0: {  	_ =	swait.ge [sflag:s13], $0x2000  }
0xc1: {  	[sflag:s13] =	ssyncset.done $0x0  }
0xc2: {  	[sflag:s13] =	ssyncadd.s32 $0xFFFFE000  }
0xc3: {  	[spmem:s2] =	stream.indirect.scatter.add.f32 [tilespmem:s1], [sflag:$0x7], $0x80, s19, s31, $0xb8;
	[tilespmem:$0x1FC00] =	vst v63  }
0xc4: {  	_ =	swait.ge [sflag:s29], $0x2000  }
0xc5: {  	[sflag:s29] =	ssyncset.done $0x0  }
0xc6: {  	s22 =	simm.s32 $0x2080;
	[sflag:s29] =	ssyncadd.s32 $0xFFFFE000  }
0xc7: {  	[tilespmem:s1], [sflag:$0x2] =	stream.indirect.gather [hbm4b:s8+s31], $0x80, s22, s31, $0xb8;
	[tilespmem:$0x1FC00] =	vst v63  }
0xc8: {  	_ =	swait.ge [sflag:s14], $0x2000  }
0xc9: {  	[sflag:s14] =	ssyncset.done $0x0  }
0xca: {  	[sflag:s14] =	ssyncadd.s32 $0xFFFFE000  }
0xcb: {  	[spmem:s2] =	stream.indirect.scatter.add.f32 [tilespmem:s6], [sflag:$0x7], $0x80, s21, s31, $0xb8;
	[tilespmem:$0x1FC00] =	vst v63  }
0xcc: {  	_ =	swait.ge [sflag:s29], $0x2000  }
0xcd: {  	[sflag:s29] =	ssyncset.done $0x0  }
0xce: {  	s24 =	simm.s32 $0x2100;
	[sflag:s29] =	ssyncadd.s32 $0xFFFFE000  }
0xcf: {  	[tilespmem:s6], [sflag:$0x3] =	stream.indirect.gather [hbm4b:s8+s31], $0x80, s24, s31, $0xb8;
	[tilespmem:$0x1FC00] =	vst v63  }
0xd0: {  	_ =	swait.ge [sflag:s15], $0x2000  }
0xd1: {  	[sflag:s15] =	ssyncset.done $0x0  }
0xd2: {  	[sflag:s15] =	ssyncadd.s32 $0xFFFFE000  }
0xd3: {  	[spmem:s2] =	stream.indirect.scatter.add.f32 [tilespmem:s9], [sflag:$0x7], $0x80, s23, s31, $0xb8;
	[tilespmem:$0x1FC00] =	vst v63  }
0xd4: {  	_ =	swait.ge [sflag:s29], $0x2000  }
0xd5: {  	[sflag:s29] =	ssyncset.done $0x0  }
0xd6: {  	s22 =	simm.s32 $0x2180;
	[sflag:s29] =	ssyncadd.s32 $0xFFFFE000  }
0xd7: {  	[tilespmem:s9], [sflag:$0x4] =	stream.indirect.gather [hbm4b:s8+s31], $0x80, s22, s31, $0xb8;
	[tilespmem:$0x1FC00] =	vst v63  }
0xd8: {  	s11 =	simm.s32 $0x0;
	s22 =	rddreg [dreg:$0x9]  }
0xd9: {  	[tilespmem:s11], [sflag:$0x5] =	stream.linear.gather [hbm4b:s22+s11], $0x1000, $0x38;
	[tilespmem:$0x1FC00] =	vst v63  }
0xda: {  	s24 =	rddreg [dreg:$0xa]  }
0xdb: {  	[tilespmem:s30], [sflag:$0x6] =	stream.linear.gather [hbm4b:s24+s11], $0x1000, $0x38;
	[tilespmem:$0x1FC00] =	vst v63  }
0xdc: {  	_ =	swait.ge [sflag:s12], $0x2000  }
0xdd: {  	[sflag:s12] =	ssyncset.done $0x0  }
0xde: {  	s24 =	simm.s32 $0x3000;
	[sflag:s12] =	ssyncadd.s32 $0xFFFFE000  }
0xdf: {  	[spmem:s2] =	stream.indirect.scatter.add.f32 [tilespmem:s28], [sflag:$0x7], $0x80, s24, s31, $0xb8;
	[tilespmem:$0x1FC00] =	vst v63  }
0xe0: {  	_ =	swait.ge [sflag:s29], $0x2000  }
0xe1: {  	[sflag:s29] =	ssyncset.done $0x0  }
0xe2: {  	s22 =	simm.s32 $0x2200;
	[sflag:s29] =	ssyncadd.s32 $0xFFFFE000  }
0xe3: {  	[tilespmem:s28], [sflag:$0x1] =	stream.indirect.gather [hbm4b:s8+s31], $0x80, s22, s31, $0xb8;
	[tilespmem:$0x1FC00] =	vst v63  }
0xe4: {  	_ =	swait.ge [sflag:s13], $0x2000  }
0xe5: {  	[sflag:s13] =	ssyncset.done $0x0  }
0xe6: {  	s24 =	simm.s32 $0x3080;
	[sflag:s13] =	ssyncadd.s32 $0xFFFFE000  }
0xe7: {  	[spmem:s2] =	stream.indirect.scatter.add.f32 [tilespmem:s1], [sflag:$0x7], $0x80, s24, s31, $0xb8;
	[tilespmem:$0x1FC00] =	vst v63  }
0xe8: {  	_ =	swait.ge [sflag:s29], $0x2000  }
0xe9: {  	[sflag:s29] =	ssyncset.done $0x0  }
0xea: {  	s22 =	simm.s32 $0x2280;
	[sflag:s29] =	ssyncadd.s32 $0xFFFFE000  }
0xeb: {  	[tilespmem:s1], [sflag:$0x2] =	stream.indirect.gather [hbm4b:s8+s31], $0x80, s22, s31, $0xb8;
	[tilespmem:$0x1FC00] =	vst v63  }
0xec: {  	_ =	swait.ge [sflag:s14], $0x2000  }
0xed: {  	[sflag:s14] =	ssyncset.done $0x0  }
0xee: {  	s24 =	simm.s32 $0x3100;
	[sflag:s14] =	ssyncadd.s32 $0xFFFFE000  }
0xef: {  	[spmem:s2] =	stream.indirect.scatter.add.f32 [tilespmem:s6], [sflag:$0x7], $0x80, s24, s31, $0xb8;
	[tilespmem:$0x1FC00] =	vst v63  }
0xf0: {  	_ =	swait.ge [sflag:s29], $0x2000  }
0xf1: {  	[sflag:s29] =	ssyncset.done $0x0  }
0xf2: {  	s22 =	simm.s32 $0x2300;
	[sflag:s29] =	ssyncadd.s32 $0xFFFFE000  }
0xf3: {  	[tilespmem:s6], [sflag:$0x3] =	stream.indirect.gather [hbm4b:s8+s31], $0x80, s22, s31, $0xb8;
	[tilespmem:$0x1FC00] =	vst v63  }
0xf4: {  	_ =	swait.ge [sflag:s15], $0x2000  }
0xf5: {  	[sflag:s15] =	ssyncset.done $0x0  }
0xf6: {  	s24 =	simm.s32 $0x3180;
	[sflag:s15] =	ssyncadd.s32 $0xFFFFE000  }
0xf7: {  	[spmem:s2] =	stream.indirect.scatter.add.f32 [tilespmem:s9], [sflag:$0x7], $0x80, s24, s31, $0xb8;
	[tilespmem:$0x1FC00] =	vst v63  }
0xf8: {  	_ =	swait.ge [sflag:s29], $0x2000  }
0xf9: {  	[sflag:s29] =	ssyncset.done $0x0  }
0xfa: {  	s11 =	simm.s32 $0x2380;
	s22 =	simm.s32 $0x800;
	[sflag:s29] =	ssyncadd.s32 $0xFFFFE000  }
.LBB2_6:
0xfb: {  	[tilespmem:s9], [sflag:$0x4] =	stream.indirect.gather [hbm4b:s8+s31], $0x80, s11, s31, $0xb8;
	[tilespmem:$0x1FC00] =	vst v63  }
0xfc: {  	s11 =	smov.u32 s22  }
0xfd: {  	p0 =	sne.s32 s22, $0x3000;
	s22 =	sadd.s32 $0x800, s22;
	_ =	swait.ge [sflag:s12], $0x2000  }
0xfe: {  	s11 =	sshra.s32 s11, $0x2;
	[sflag:s12] =	ssyncset.done $0x0  }
0xff: {  	s24 =	sadd.s32 $0x3000, s11;
	[sflag:s12] =	ssyncadd.s32 $0xFFFFE000  }
0x100: {  	[spmem:s2] =	stream.indirect.scatter.add.f32 [tilespmem:s28], [sflag:$0x7], $0x80, s24, s31, $0xb8;
	[tilespmem:$0x1FC00] =	vst v63  }
0x101: {  	_ =	swait.ge [sflag:s29], $0x2000  }
0x102: {  	[sflag:s29] =	ssyncset.done $0x0  }
0x103: {  	s24 =	sadd.s32 $0x2200, s11;
	[sflag:s29] =	ssyncadd.s32 $0xFFFFE000  }
0x104: {  	[tilespmem:s28], [sflag:$0x1] =	stream.indirect.gather [hbm4b:s8+s31], $0x80, s24, s31, $0xb8;
	[tilespmem:$0x1FC00] =	vst v63  }
0x105: {  	_ =	swait.ge [sflag:s13], $0x2000  }
0x106: {  	[sflag:s13] =	ssyncset.done $0x0  }
0x107: {  	s24 =	sadd.s32 $0x3080, s11;
	[sflag:s13] =	ssyncadd.s32 $0xFFFFE000  }
0x108: {  	[spmem:s2] =	stream.indirect.scatter.add.f32 [tilespmem:s1], [sflag:$0x7], $0x80, s24, s31, $0xb8;
	[tilespmem:$0x1FC00] =	vst v63  }
0x109: {  	_ =	swait.ge [sflag:s29], $0x2000  }
0x10a: {  	[sflag:s29] =	ssyncset.done $0x0  }
0x10b: {  	s24 =	sadd.s32 $0x2280, s11;
	[sflag:s29] =	ssyncadd.s32 $0xFFFFE000  }
0x10c: {  	[tilespmem:s1], [sflag:$0x2] =	stream.indirect.gather [hbm4b:s8+s31], $0x80, s24, s31, $0xb8;
	[tilespmem:$0x1FC00] =	vst v63  }
0x10d: {  	_ =	swait.ge [sflag:s14], $0x2000  }
0x10e: {  	[sflag:s14] =	ssyncset.done $0x0  }
0x10f: {  	s24 =	sadd.s32 $0x3100, s11;
	[sflag:s14] =	ssyncadd.s32 $0xFFFFE000  }
0x110: {  	[spmem:s2] =	stream.indirect.scatter.add.f32 [tilespmem:s6], [sflag:$0x7], $0x80, s24, s31, $0xb8;
	[tilespmem:$0x1FC00] =	vst v63  }
0x111: {  	_ =	swait.ge [sflag:s29], $0x2000  }
0x112: {  	[sflag:s29] =	ssyncset.done $0x0  }
0x113: {  	s24 =	sadd.s32 $0x2300, s11;
	[sflag:s29] =	ssyncadd.s32 $0xFFFFE000  }
0x114: {  	[tilespmem:s6], [sflag:$0x3] =	stream.indirect.gather [hbm4b:s8+s31], $0x80, s24, s31, $0xb8;
	[tilespmem:$0x1FC00] =	vst v63  }
0x115: {  	_ =	swait.ge [sflag:s15], $0x2000  }
0x116: {  	[sflag:s15] =	ssyncset.done $0x0  }
.Ltmp2:
0x117: {  	s24 =	sadd.s32 $0x3180, s11;
	[sflag:s15] =	ssyncadd.s32 $0xFFFFE000;
	(pc) =	sbr.rel @p0 .LBB2_6-.Ltmp2, $4  }
0x118: {  	[spmem:s2] =	stream.indirect.scatter.add.f32 [tilespmem:s9], [sflag:$0x7], $0x80, s24, s31, $0xb8;
	[tilespmem:$0x1FC00] =	vst v63  }
0x119: {  	_ =	swait.ge [sflag:s29], $0x2000  }
0x11a: {  	[sflag:s29] =	ssyncset.done $0x0  }
0x11b: {  	s11 =	sadd.s32 $0x2380, s11;
	[sflag:s29] =	ssyncadd.s32 $0xFFFFE000  }
0x11c: {  	[tilespmem:s9], [sflag:$0x4] =	stream.indirect.gather [hbm4b:s8+s31], $0x80, s11, s31, $0xb8;
	[tilespmem:$0x1FC00] =	vst v63  }
0x11d: {  	_ =	swait.ge [sflag:s16], $0x1000  }
0x11e: {  	[sflag:s16] =	ssyncset.done $0x0  }
0x11f: {  	[sflag:s16] =	ssyncadd.s32 $0xFFFFF000  }
0x120: {  	_ =	swait.ge [sflag:s17], $0x1000  }
0x121: {  	[sflag:s17] =	ssyncset.done $0x0  }
0x122: {  	[sflag:s17] =	ssyncadd.s32 $0xFFFFF000  }
0x123: {  	_ =	swait.ge [sflag:s12], $0x2000  }
0x124: {  	[sflag:s12] =	ssyncset.done $0x0  }
0x125: {  	s22 =	simm.s32 $0x3E00;
	[sflag:s12] =	ssyncadd.s32 $0xFFFFE000  }
0x126: {  	[spmem:s2] =	stream.indirect.scatter.add.f32 [tilespmem:s28], [sflag:$0x7], $0x80, s22, s31, $0xb8;
	[tilespmem:$0x1FC00] =	vst v63  }
0x127: {  	_ =	swait.ge [sflag:s29], $0x2000  }
0x128: {  	[sflag:s29] =	ssyncset.done $0x0  }
0x129: {  	s11 =	simm.s32 $0x0;
	[sflag:s29] =	ssyncadd.s32 $0xFFFFE000  }
0x12a: {  	[tilespmem:s28], [sflag:$0x1] =	stream.indirect.gather [hbm4b:s8+s31], $0x80, s11, s31, $0xb8;
	[tilespmem:$0x1FC00] =	vst v63  }
0x12b: {  	_ =	swait.ge [sflag:s13], $0x2000  }
0x12c: {  	[sflag:s13] =	ssyncset.done $0x0  }
0x12d: {  	[sflag:s13] =	ssyncadd.s32 $0xFFFFE000  }
0x12e: {  	[spmem:s2] =	stream.indirect.scatter.add.f32 [tilespmem:s1], [sflag:$0x7], $0x80, s25, s31, $0xb8;
	[tilespmem:$0x1FC00] =	vst v63  }
0x12f: {  	_ =	swait.ge [sflag:s29], $0x2000  }
0x130: {  	[sflag:s29] =	ssyncset.done $0x0  }
0x131: {  	[sflag:s29] =	ssyncadd.s32 $0xFFFFE000  }
0x132: {  	[tilespmem:s1], [sflag:$0x2] =	stream.indirect.gather [hbm4b:s8+s31], $0x80, s0, s31, $0xb8;
	[tilespmem:$0x1FC00] =	vst v63  }
0x133: {  	_ =	swait.ge [sflag:s14], $0x2000  }
0x134: {  	[sflag:s14] =	ssyncset.done $0x0  }
0x135: {  	[sflag:s14] =	ssyncadd.s32 $0xFFFFE000  }
0x136: {  	[spmem:s2] =	stream.indirect.scatter.add.f32 [tilespmem:s6], [sflag:$0x7], $0x80, s26, s31, $0xb8;
	[tilespmem:$0x1FC00] =	vst v63  }
0x137: {  	_ =	swait.ge [sflag:s29], $0x2000  }
0x138: {  	[sflag:s29] =	ssyncset.done $0x0  }
0x139: {  	[sflag:s29] =	ssyncadd.s32 $0xFFFFE000  }
0x13a: {  	[tilespmem:s6], [sflag:$0x3] =	stream.indirect.gather [hbm4b:s8+s31], $0x80, s5, s31, $0xb8;
	[tilespmem:$0x1FC00] =	vst v63  }
0x13b: {  	_ =	swait.ge [sflag:s15], $0x2000  }
0x13c: {  	[sflag:s15] =	ssyncset.done $0x0  }
0x13d: {  	[sflag:s15] =	ssyncadd.s32 $0xFFFFE000  }
0x13e: {  	[spmem:s2] =	stream.indirect.scatter.add.f32 [tilespmem:s9], [sflag:$0x7], $0x80, s20, s31, $0xb8;
	[tilespmem:$0x1FC00] =	vst v63  }
0x13f: {  	_ =	swait.ge [sflag:s29], $0x2000  }
0x140: {  	[sflag:s29] =	ssyncset.done $0x0  }
0x141: {  	[sflag:s29] =	ssyncadd.s32 $0xFFFFE000  }
0x142: {  	[tilespmem:s9], [sflag:$0x4] =	stream.indirect.gather [hbm4b:s8+s31], $0x80, s7, s31, $0xb8;
	[tilespmem:$0x1FC00] =	vst v63  }
0x143: {  	s22 =	rddreg [dreg:$0xb]  }
0x144: {  	[tilespmem:s10], [sflag:$0x5] =	stream.linear.gather [hbm4b:s22+s11], $0x1000, $0x38;
	[tilespmem:$0x1FC00] =	vst v63  }
0x145: {  	s24 =	simm.s32 $0x3000;
	s22 =	rddreg [dreg:$0xc]  }
0x146: {  	[tilespmem:s24], [sflag:$0x6] =	stream.linear.gather [hbm4b:s22+s11], $0x1000, $0x38;
	[tilespmem:$0x1FC00] =	vst v63  }
0x147: {  	_ =	swait.ge [sflag:s12], $0x2000  }
0x148: {  	[sflag:s12] =	ssyncset.done $0x0  }
0x149: {  	s24 =	simm.s32 $0x1000;
	[sflag:s12] =	ssyncadd.s32 $0xFFFFE000  }
0x14a: {  	[spmem:s2] =	stream.indirect.scatter.add.f32 [tilespmem:s28], [sflag:$0x7], $0x80, s24, s31, $0xb8;
	[tilespmem:$0x1FC00] =	vst v63  }
0x14b: {  	_ =	swait.ge [sflag:s29], $0x2000  }
0x14c: {  	[sflag:s29] =	ssyncset.done $0x0  }
0x14d: {  	s22 =	simm.s32 $0x200;
	[sflag:s29] =	ssyncadd.s32 $0xFFFFE000  }
0x14e: {  	[tilespmem:s28], [sflag:$0x1] =	stream.indirect.gather [hbm4b:s8+s31], $0x80, s22, s31, $0xb8;
	[tilespmem:$0x1FC00] =	vst v63  }
0x14f: {  	_ =	swait.ge [sflag:s13], $0x2000  }
0x150: {  	[sflag:s13] =	ssyncset.done $0x0  }
0x151: {  	s24 =	simm.s32 $0x1080;
	[sflag:s13] =	ssyncadd.s32 $0xFFFFE000  }
0x152: {  	[spmem:s2] =	stream.indirect.scatter.add.f32 [tilespmem:s1], [sflag:$0x7], $0x80, s24, s31, $0xb8;
	[tilespmem:$0x1FC00] =	vst v63  }
0x153: {  	_ =	swait.ge [sflag:s29], $0x2000  }
0x154: {  	[sflag:s29] =	ssyncset.done $0x0  }
0x155: {  	s22 =	simm.s32 $0x280;
	[sflag:s29] =	ssyncadd.s32 $0xFFFFE000  }
0x156: {  	[tilespmem:s1], [sflag:$0x2] =	stream.indirect.gather [hbm4b:s8+s31], $0x80, s22, s31, $0xb8;
	[tilespmem:$0x1FC00] =	vst v63  }
0x157: {  	_ =	swait.ge [sflag:s14], $0x2000  }
0x158: {  	[sflag:s14] =	ssyncset.done $0x0  }
0x159: {  	s24 =	simm.s32 $0x1100;
	[sflag:s14] =	ssyncadd.s32 $0xFFFFE000  }
0x15a: {  	[spmem:s2] =	stream.indirect.scatter.add.f32 [tilespmem:s6], [sflag:$0x7], $0x80, s24, s31, $0xb8;
	[tilespmem:$0x1FC00] =	vst v63  }
0x15b: {  	_ =	swait.ge [sflag:s29], $0x2000  }
0x15c: {  	[sflag:s29] =	ssyncset.done $0x0  }
0x15d: {  	s22 =	simm.s32 $0x300;
	[sflag:s29] =	ssyncadd.s32 $0xFFFFE000  }
0x15e: {  	[tilespmem:s6], [sflag:$0x3] =	stream.indirect.gather [hbm4b:s8+s31], $0x80, s22, s31, $0xb8;
	[tilespmem:$0x1FC00] =	vst v63  }
0x15f: {  	_ =	swait.ge [sflag:s15], $0x2000  }
0x160: {  	[sflag:s15] =	ssyncset.done $0x0  }
0x161: {  	s24 =	simm.s32 $0x1180;
	[sflag:s15] =	ssyncadd.s32 $0xFFFFE000  }
0x162: {  	[spmem:s2] =	stream.indirect.scatter.add.f32 [tilespmem:s9], [sflag:$0x7], $0x80, s24, s31, $0xb8;
	[tilespmem:$0x1FC00] =	vst v63  }
0x163: {  	_ =	swait.ge [sflag:s29], $0x2000  }
0x164: {  	[sflag:s29] =	ssyncset.done $0x0  }
0x165: {  	s11 =	simm.s32 $0x380;
	s22 =	simm.s32 $0x800;
	[sflag:s29] =	ssyncadd.s32 $0xFFFFE000  }
.LBB2_8:
0x166: {  	[tilespmem:s9], [sflag:$0x4] =	stream.indirect.gather [hbm4b:s8+s31], $0x80, s11, s31, $0xb8;
	[tilespmem:$0x1FC00] =	vst v63  }
0x167: {  	s11 =	smov.u32 s22  }
0x168: {  	p0 =	sne.s32 s22, $0x3000;
	s22 =	sadd.s32 $0x800, s22;
	_ =	swait.ge [sflag:s12], $0x2000  }
0x169: {  	s11 =	sshra.s32 s11, $0x2;
	[sflag:s12] =	ssyncset.done $0x0  }
0x16a: {  	s24 =	sadd.s32 $0x1000, s11;
	[sflag:s12] =	ssyncadd.s32 $0xFFFFE000  }
0x16b: {  	[spmem:s2] =	stream.indirect.scatter.add.f32 [tilespmem:s28], [sflag:$0x7], $0x80, s24, s31, $0xb8;
	[tilespmem:$0x1FC00] =	vst v63  }
0x16c: {  	_ =	swait.ge [sflag:s29], $0x2000  }
0x16d: {  	[sflag:s29] =	ssyncset.done $0x0  }
0x16e: {  	s24 =	sadd.s32 $0x200, s11;
	[sflag:s29] =	ssyncadd.s32 $0xFFFFE000  }
0x16f: {  	[tilespmem:s28], [sflag:$0x1] =	stream.indirect.gather [hbm4b:s8+s31], $0x80, s24, s31, $0xb8;
	[tilespmem:$0x1FC00] =	vst v63  }
0x170: {  	_ =	swait.ge [sflag:s13], $0x2000  }
0x171: {  	[sflag:s13] =	ssyncset.done $0x0  }
0x172: {  	s24 =	sadd.s32 $0x1080, s11;
	[sflag:s13] =	ssyncadd.s32 $0xFFFFE000  }
0x173: {  	[spmem:s2] =	stream.indirect.scatter.add.f32 [tilespmem:s1], [sflag:$0x7], $0x80, s24, s31, $0xb8;
	[tilespmem:$0x1FC00] =	vst v63  }
0x174: {  	_ =	swait.ge [sflag:s29], $0x2000  }
0x175: {  	[sflag:s29] =	ssyncset.done $0x0  }
0x176: {  	s24 =	sadd.s32 $0x280, s11;
	[sflag:s29] =	ssyncadd.s32 $0xFFFFE000  }
0x177: {  	[tilespmem:s1], [sflag:$0x2] =	stream.indirect.gather [hbm4b:s8+s31], $0x80, s24, s31, $0xb8;
	[tilespmem:$0x1FC00] =	vst v63  }
0x178: {  	_ =	swait.ge [sflag:s14], $0x2000  }
0x179: {  	[sflag:s14] =	ssyncset.done $0x0  }
0x17a: {  	s24 =	sadd.s32 $0x1100, s11;
	[sflag:s14] =	ssyncadd.s32 $0xFFFFE000  }
0x17b: {  	[spmem:s2] =	stream.indirect.scatter.add.f32 [tilespmem:s6], [sflag:$0x7], $0x80, s24, s31, $0xb8;
	[tilespmem:$0x1FC00] =	vst v63  }
0x17c: {  	_ =	swait.ge [sflag:s29], $0x2000  }
0x17d: {  	[sflag:s29] =	ssyncset.done $0x0  }
0x17e: {  	s24 =	sadd.s32 $0x300, s11;
	[sflag:s29] =	ssyncadd.s32 $0xFFFFE000  }
0x17f: {  	[tilespmem:s6], [sflag:$0x3] =	stream.indirect.gather [hbm4b:s8+s31], $0x80, s24, s31, $0xb8;
	[tilespmem:$0x1FC00] =	vst v63  }
0x180: {  	_ =	swait.ge [sflag:s15], $0x2000  }
0x181: {  	[sflag:s15] =	ssyncset.done $0x0  }
.Ltmp3:
0x182: {  	s24 =	sadd.s32 $0x1180, s11;
	[sflag:s15] =	ssyncadd.s32 $0xFFFFE000;
	(pc) =	sbr.rel @p0 .LBB2_8-.Ltmp3, $4  }
0x183: {  	[spmem:s2] =	stream.indirect.scatter.add.f32 [tilespmem:s9], [sflag:$0x7], $0x80, s24, s31, $0xb8;
	[tilespmem:$0x1FC00] =	vst v63  }
0x184: {  	_ =	swait.ge [sflag:s29], $0x2000  }
0x185: {  	[sflag:s29] =	ssyncset.done $0x0  }
0x186: {  	s11 =	sadd.s32 $0x380, s11;
	[sflag:s29] =	ssyncadd.s32 $0xFFFFE000  }
0x187: {  	[tilespmem:s9], [sflag:$0x4] =	stream.indirect.gather [hbm4b:s8+s31], $0x80, s11, s31, $0xb8;
	[tilespmem:$0x1FC00] =	vst v63  }
0x188: {  	_ =	swait.ge [sflag:s16], $0x1000  }
0x189: {  	[sflag:s16] =	ssyncset.done $0x0  }
0x18a: {  	[sflag:s16] =	ssyncadd.s32 $0xFFFFF000  }
0x18b: {  	_ =	swait.ge [sflag:s17], $0x1000  }
0x18c: {  	[sflag:s17] =	ssyncset.done $0x0  }
0x18d: {  	[sflag:s17] =	ssyncadd.s32 $0xFFFFF000  }
0x18e: {  	_ =	swait.ge [sflag:s12], $0x2000  }
0x18f: {  	[sflag:s12] =	ssyncset.done $0x0  }
0x190: {  	[sflag:s12] =	ssyncadd.s32 $0xFFFFE000  }
0x191: {  	[spmem:s2] =	stream.indirect.scatter.add.f32 [tilespmem:s28], [sflag:$0x7], $0x80, s18, s31, $0xb8;
	[tilespmem:$0x1FC00] =	vst v63  }
0x192: {  	_ =	swait.ge [sflag:s29], $0x2000  }
0x193: {  	[sflag:s29] =	ssyncset.done $0x0  }
0x194: {  	[sflag:s29] =	ssyncadd.s32 $0xFFFFE000  }
0x195: {  	[tilespmem:s28], [sflag:$0x1] =	stream.indirect.gather [hbm4b:s8+s31], $0x80, s10, s31, $0xb8;
	[tilespmem:$0x1FC00] =	vst v63  }
0x196: {  	_ =	swait.ge [sflag:s13], $0x2000  }
0x197: {  	[sflag:s13] =	ssyncset.done $0x0  }
0x198: {  	[sflag:s13] =	ssyncadd.s32 $0xFFFFE000  }
0x199: {  	[spmem:s2] =	stream.indirect.scatter.add.f32 [tilespmem:s1], [sflag:$0x7], $0x80, s19, s31, $0xb8;
	[tilespmem:$0x1FC00] =	vst v63  }
0x19a: {  	_ =	swait.ge [sflag:s29], $0x2000  }
0x19b: {  	[sflag:s29] =	ssyncset.done $0x0  }
0x19c: {  	s22 =	simm.s32 $0x2080;
	[sflag:s29] =	ssyncadd.s32 $0xFFFFE000  }
0x19d: {  	[tilespmem:s1], [sflag:$0x2] =	stream.indirect.gather [hbm4b:s8+s31], $0x80, s22, s31, $0xb8;
	[tilespmem:$0x1FC00] =	vst v63  }
0x19e: {  	_ =	swait.ge [sflag:s14], $0x2000  }
0x19f: {  	[sflag:s14] =	ssyncset.done $0x0  }
0x1a0: {  	[sflag:s14] =	ssyncadd.s32 $0xFFFFE000  }
0x1a1: {  	[spmem:s2] =	stream.indirect.scatter.add.f32 [tilespmem:s6], [sflag:$0x7], $0x80, s21, s31, $0xb8;
	[tilespmem:$0x1FC00] =	vst v63  }
0x1a2: {  	_ =	swait.ge [sflag:s29], $0x2000  }
0x1a3: {  	[sflag:s29] =	ssyncset.done $0x0  }
0x1a4: {  	s24 =	simm.s32 $0x2100;
	[sflag:s29] =	ssyncadd.s32 $0xFFFFE000  }
0x1a5: {  	[tilespmem:s6], [sflag:$0x3] =	stream.indirect.gather [hbm4b:s8+s31], $0x80, s24, s31, $0xb8;
	[tilespmem:$0x1FC00] =	vst v63  }
0x1a6: {  	_ =	swait.ge [sflag:s15], $0x2000  }
0x1a7: {  	[sflag:s15] =	ssyncset.done $0x0  }
0x1a8: {  	[sflag:s15] =	ssyncadd.s32 $0xFFFFE000  }
0x1a9: {  	[spmem:s2] =	stream.indirect.scatter.add.f32 [tilespmem:s9], [sflag:$0x7], $0x80, s23, s31, $0xb8;
	[tilespmem:$0x1FC00] =	vst v63  }
0x1aa: {  	_ =	swait.ge [sflag:s29], $0x2000  }
0x1ab: {  	[sflag:s29] =	ssyncset.done $0x0  }
0x1ac: {  	s22 =	simm.s32 $0x2180;
	[sflag:s29] =	ssyncadd.s32 $0xFFFFE000  }
0x1ad: {  	[tilespmem:s9], [sflag:$0x4] =	stream.indirect.gather [hbm4b:s8+s31], $0x80, s22, s31, $0xb8;
	[tilespmem:$0x1FC00] =	vst v63  }
0x1ae: {  	s11 =	simm.s32 $0x0;
	s22 =	rddreg [dreg:$0xd]  }
0x1af: {  	[tilespmem:s11], [sflag:$0x5] =	stream.linear.gather [hbm4b:s22+s11], $0x1000, $0x38;
	[tilespmem:$0x1FC00] =	vst v63  }
0x1b0: {  	s24 =	rddreg [dreg:$0xe]  }
0x1b1: {  	[tilespmem:s30], [sflag:$0x6] =	stream.linear.gather [hbm4b:s24+s11], $0x1000, $0x38;
	[tilespmem:$0x1FC00] =	vst v63  }
0x1b2: {  	_ =	swait.ge [sflag:s12], $0x2000  }
0x1b3: {  	[sflag:s12] =	ssyncset.done $0x0  }
0x1b4: {  	s24 =	simm.s32 $0x3000;
	[sflag:s12] =	ssyncadd.s32 $0xFFFFE000  }
0x1b5: {  	[spmem:s2] =	stream.indirect.scatter.add.f32 [tilespmem:s28], [sflag:$0x7], $0x80, s24, s31, $0xb8;
	[tilespmem:$0x1FC00] =	vst v63  }
0x1b6: {  	_ =	swait.ge [sflag:s29], $0x2000  }
0x1b7: {  	[sflag:s29] =	ssyncset.done $0x0  }
0x1b8: {  	s22 =	simm.s32 $0x2200;
	[sflag:s29] =	ssyncadd.s32 $0xFFFFE000  }
0x1b9: {  	[tilespmem:s28], [sflag:$0x1] =	stream.indirect.gather [hbm4b:s8+s31], $0x80, s22, s31, $0xb8;
	[tilespmem:$0x1FC00] =	vst v63  }
0x1ba: {  	_ =	swait.ge [sflag:s13], $0x2000  }
0x1bb: {  	[sflag:s13] =	ssyncset.done $0x0  }
0x1bc: {  	s24 =	simm.s32 $0x3080;
	[sflag:s13] =	ssyncadd.s32 $0xFFFFE000  }
0x1bd: {  	[spmem:s2] =	stream.indirect.scatter.add.f32 [tilespmem:s1], [sflag:$0x7], $0x80, s24, s31, $0xb8;
	[tilespmem:$0x1FC00] =	vst v63  }
0x1be: {  	_ =	swait.ge [sflag:s29], $0x2000  }
0x1bf: {  	[sflag:s29] =	ssyncset.done $0x0  }
0x1c0: {  	s22 =	simm.s32 $0x2280;
	[sflag:s29] =	ssyncadd.s32 $0xFFFFE000  }
0x1c1: {  	[tilespmem:s1], [sflag:$0x2] =	stream.indirect.gather [hbm4b:s8+s31], $0x80, s22, s31, $0xb8;
	[tilespmem:$0x1FC00] =	vst v63  }
0x1c2: {  	_ =	swait.ge [sflag:s14], $0x2000  }
0x1c3: {  	[sflag:s14] =	ssyncset.done $0x0  }
0x1c4: {  	s24 =	simm.s32 $0x3100;
	[sflag:s14] =	ssyncadd.s32 $0xFFFFE000  }
0x1c5: {  	[spmem:s2] =	stream.indirect.scatter.add.f32 [tilespmem:s6], [sflag:$0x7], $0x80, s24, s31, $0xb8;
	[tilespmem:$0x1FC00] =	vst v63  }
0x1c6: {  	_ =	swait.ge [sflag:s29], $0x2000  }
0x1c7: {  	[sflag:s29] =	ssyncset.done $0x0  }
0x1c8: {  	s22 =	simm.s32 $0x2300;
	[sflag:s29] =	ssyncadd.s32 $0xFFFFE000  }
0x1c9: {  	[tilespmem:s6], [sflag:$0x3] =	stream.indirect.gather [hbm4b:s8+s31], $0x80, s22, s31, $0xb8;
	[tilespmem:$0x1FC00] =	vst v63  }
0x1ca: {  	_ =	swait.ge [sflag:s15], $0x2000  }
0x1cb: {  	[sflag:s15] =	ssyncset.done $0x0  }
0x1cc: {  	s24 =	simm.s32 $0x3180;
	[sflag:s15] =	ssyncadd.s32 $0xFFFFE000  }
0x1cd: {  	[spmem:s2] =	stream.indirect.scatter.add.f32 [tilespmem:s9], [sflag:$0x7], $0x80, s24, s31, $0xb8;
	[tilespmem:$0x1FC00] =	vst v63  }
0x1ce: {  	_ =	swait.ge [sflag:s29], $0x2000  }
0x1cf: {  	[sflag:s29] =	ssyncset.done $0x0  }
0x1d0: {  	s11 =	simm.s32 $0x2380;
	s22 =	simm.s32 $0x800;
	[sflag:s29] =	ssyncadd.s32 $0xFFFFE000  }
.LBB2_10:
0x1d1: {  	[tilespmem:s9], [sflag:$0x4] =	stream.indirect.gather [hbm4b:s8+s31], $0x80, s11, s31, $0xb8;
	[tilespmem:$0x1FC00] =	vst v63  }
0x1d2: {  	s11 =	smov.u32 s22  }
0x1d3: {  	p0 =	sne.s32 s22, $0x3000;
	s22 =	sadd.s32 $0x800, s22;
	_ =	swait.ge [sflag:s12], $0x2000  }
0x1d4: {  	s11 =	sshra.s32 s11, $0x2;
	[sflag:s12] =	ssyncset.done $0x0  }
0x1d5: {  	s24 =	sadd.s32 $0x3000, s11;
	[sflag:s12] =	ssyncadd.s32 $0xFFFFE000  }
0x1d6: {  	[spmem:s2] =	stream.indirect.scatter.add.f32 [tilespmem:s28], [sflag:$0x7], $0x80, s24, s31, $0xb8;
	[tilespmem:$0x1FC00] =	vst v63  }
0x1d7: {  	_ =	swait.ge [sflag:s29], $0x2000  }
0x1d8: {  	[sflag:s29] =	ssyncset.done $0x0  }
0x1d9: {  	s24 =	sadd.s32 $0x2200, s11;
	[sflag:s29] =	ssyncadd.s32 $0xFFFFE000  }
0x1da: {  	[tilespmem:s28], [sflag:$0x1] =	stream.indirect.gather [hbm4b:s8+s31], $0x80, s24, s31, $0xb8;
	[tilespmem:$0x1FC00] =	vst v63  }
0x1db: {  	_ =	swait.ge [sflag:s13], $0x2000  }
0x1dc: {  	[sflag:s13] =	ssyncset.done $0x0  }
0x1dd: {  	s24 =	sadd.s32 $0x3080, s11;
	[sflag:s13] =	ssyncadd.s32 $0xFFFFE000  }
0x1de: {  	[spmem:s2] =	stream.indirect.scatter.add.f32 [tilespmem:s1], [sflag:$0x7], $0x80, s24, s31, $0xb8;
	[tilespmem:$0x1FC00] =	vst v63  }
0x1df: {  	_ =	swait.ge [sflag:s29], $0x2000  }
0x1e0: {  	[sflag:s29] =	ssyncset.done $0x0  }
0x1e1: {  	s24 =	sadd.s32 $0x2280, s11;
	[sflag:s29] =	ssyncadd.s32 $0xFFFFE000  }
0x1e2: {  	[tilespmem:s1], [sflag:$0x2] =	stream.indirect.gather [hbm4b:s8+s31], $0x80, s24, s31, $0xb8;
	[tilespmem:$0x1FC00] =	vst v63  }
0x1e3: {  	_ =	swait.ge [sflag:s14], $0x2000  }
0x1e4: {  	[sflag:s14] =	ssyncset.done $0x0  }
0x1e5: {  	s24 =	sadd.s32 $0x3100, s11;
	[sflag:s14] =	ssyncadd.s32 $0xFFFFE000  }
0x1e6: {  	[spmem:s2] =	stream.indirect.scatter.add.f32 [tilespmem:s6], [sflag:$0x7], $0x80, s24, s31, $0xb8;
	[tilespmem:$0x1FC00] =	vst v63  }
0x1e7: {  	_ =	swait.ge [sflag:s29], $0x2000  }
0x1e8: {  	[sflag:s29] =	ssyncset.done $0x0  }
0x1e9: {  	s24 =	sadd.s32 $0x2300, s11;
	[sflag:s29] =	ssyncadd.s32 $0xFFFFE000  }
0x1ea: {  	[tilespmem:s6], [sflag:$0x3] =	stream.indirect.gather [hbm4b:s8+s31], $0x80, s24, s31, $0xb8;
	[tilespmem:$0x1FC00] =	vst v63  }
0x1eb: {  	_ =	swait.ge [sflag:s15], $0x2000  }
0x1ec: {  	[sflag:s15] =	ssyncset.done $0x0  }
.Ltmp4:
0x1ed: {  	s24 =	sadd.s32 $0x3180, s11;
	[sflag:s15] =	ssyncadd.s32 $0xFFFFE000;
	(pc) =	sbr.rel @p0 .LBB2_10-.Ltmp4, $4  }
0x1ee: {  	[spmem:s2] =	stream.indirect.scatter.add.f32 [tilespmem:s9], [sflag:$0x7], $0x80, s24, s31, $0xb8;
	[tilespmem:$0x1FC00] =	vst v63  }
0x1ef: {  	_ =	swait.ge [sflag:s29], $0x2000  }
0x1f0: {  	[sflag:s29] =	ssyncset.done $0x0  }
0x1f1: {  	s11 =	sadd.s32 $0x2380, s11;
	[sflag:s29] =	ssyncadd.s32 $0xFFFFE000  }
0x1f2: {  	[tilespmem:s9], [sflag:$0x4] =	stream.indirect.gather [hbm4b:s8+s31], $0x80, s11, s31, $0xb8;
	[tilespmem:$0x1FC00] =	vst v63  }
0x1f3: {  	_ =	swait.ge [sflag:s16], $0x1000  }
0x1f4: {  	[sflag:s16] =	ssyncset.done $0x0  }
0x1f5: {  	[sflag:s16] =	ssyncadd.s32 $0xFFFFF000  }
0x1f6: {  	_ =	swait.ge [sflag:s17], $0x1000  }
0x1f7: {  	[sflag:s17] =	ssyncset.done $0x0  }
0x1f8: {  	[sflag:s17] =	ssyncadd.s32 $0xFFFFF000  }
0x1f9: {  	_ =	swait.ge [sflag:s12], $0x2000  }
0x1fa: {  	[sflag:s12] =	ssyncset.done $0x0  }
0x1fb: {  	s24 =	simm.s32 $0x3E00;
	[sflag:s12] =	ssyncadd.s32 $0xFFFFE000  }
0x1fc: {  	[spmem:s2] =	stream.indirect.scatter.add.f32 [tilespmem:s28], [sflag:$0x7], $0x80, s24, s31, $0xb8;
	[tilespmem:$0x1FC00] =	vst v63  }
0x1fd: {  	_ =	swait.ge [sflag:s29], $0x2000  }
0x1fe: {  	[sflag:s29] =	ssyncset.done $0x0  }
0x1ff: {  	s22 =	simm.s32 $0x0;
	[sflag:s29] =	ssyncadd.s32 $0xFFFFE000  }
0x200: {  	[tilespmem:s28], [sflag:$0x1] =	stream.indirect.gather [hbm4b:s8+s31], $0x80, s22, s31, $0xb8;
	[tilespmem:$0x1FC00] =	vst v63  }
0x201: {  	_ =	swait.ge [sflag:s13], $0x2000  }
0x202: {  	[sflag:s13] =	ssyncset.done $0x0  }
0x203: {  	[sflag:s13] =	ssyncadd.s32 $0xFFFFE000  }
0x204: {  	[spmem:s2] =	stream.indirect.scatter.add.f32 [tilespmem:s1], [sflag:$0x7], $0x80, s25, s31, $0xb8;
	[tilespmem:$0x1FC00] =	vst v63  }
0x205: {  	_ =	swait.ge [sflag:s29], $0x2000  }
0x206: {  	[sflag:s29] =	ssyncset.done $0x0  }
0x207: {  	[sflag:s29] =	ssyncadd.s32 $0xFFFFE000  }
0x208: {  	[tilespmem:s1], [sflag:$0x2] =	stream.indirect.gather [hbm4b:s8+s31], $0x80, s0, s31, $0xb8;
	[tilespmem:$0x1FC00] =	vst v63  }
0x209: {  	_ =	swait.ge [sflag:s14], $0x2000  }
0x20a: {  	[sflag:s14] =	ssyncset.done $0x0  }
0x20b: {  	[sflag:s14] =	ssyncadd.s32 $0xFFFFE000  }
0x20c: {  	[spmem:s2] =	stream.indirect.scatter.add.f32 [tilespmem:s6], [sflag:$0x7], $0x80, s26, s31, $0xb8;
	[tilespmem:$0x1FC00] =	vst v63  }
0x20d: {  	_ =	swait.ge [sflag:s29], $0x2000  }
0x20e: {  	[sflag:s29] =	ssyncset.done $0x0  }
0x20f: {  	[sflag:s29] =	ssyncadd.s32 $0xFFFFE000  }
0x210: {  	[tilespmem:s6], [sflag:$0x3] =	stream.indirect.gather [hbm4b:s8+s31], $0x80, s5, s31, $0xb8;
	[tilespmem:$0x1FC00] =	vst v63  }
0x211: {  	_ =	swait.ge [sflag:s15], $0x2000  }
0x212: {  	[sflag:s15] =	ssyncset.done $0x0  }
0x213: {  	[sflag:s15] =	ssyncadd.s32 $0xFFFFE000  }
0x214: {  	[spmem:s2] =	stream.indirect.scatter.add.f32 [tilespmem:s9], [sflag:$0x7], $0x80, s20, s31, $0xb8;
	[tilespmem:$0x1FC00] =	vst v63  }
0x215: {  	_ =	swait.ge [sflag:s29], $0x2000  }
0x216: {  	[sflag:s29] =	ssyncset.done $0x0  }
0x217: {  	[sflag:s29] =	ssyncadd.s32 $0xFFFFE000  }
0x218: {  	[tilespmem:s9], [sflag:$0x4] =	stream.indirect.gather [hbm4b:s8+s31], $0x80, s7, s31, $0xb8;
	[tilespmem:$0x1FC00] =	vst v63  }
0x219: {  	_ =	swait.ge [sflag:s12], $0x2000  }
0x21a: {  	[sflag:s12] =	ssyncset.done $0x0  }
0x21b: {  	s24 =	simm.s32 $0x1000;
	[sflag:s12] =	ssyncadd.s32 $0xFFFFE000  }
0x21c: {  	[spmem:s2] =	stream.indirect.scatter.add.f32 [tilespmem:s28], [sflag:$0x7], $0x80, s24, s31, $0xb8;
	[tilespmem:$0x1FC00] =	vst v63  }
0x21d: {  	_ =	swait.ge [sflag:s29], $0x2000  }
0x21e: {  	[sflag:s29] =	ssyncset.done $0x0  }
0x21f: {  	s22 =	simm.s32 $0x200;
	[sflag:s29] =	ssyncadd.s32 $0xFFFFE000  }
0x220: {  	[tilespmem:s28], [sflag:$0x1] =	stream.indirect.gather [hbm4b:s8+s31], $0x80, s22, s31, $0xb8;
	[tilespmem:$0x1FC00] =	vst v63  }
0x221: {  	_ =	swait.ge [sflag:s13], $0x2000  }
0x222: {  	[sflag:s13] =	ssyncset.done $0x0  }
0x223: {  	s24 =	simm.s32 $0x1080;
	[sflag:s13] =	ssyncadd.s32 $0xFFFFE000  }
0x224: {  	[spmem:s2] =	stream.indirect.scatter.add.f32 [tilespmem:s1], [sflag:$0x7], $0x80, s24, s31, $0xb8;
	[tilespmem:$0x1FC00] =	vst v63  }
0x225: {  	_ =	swait.ge [sflag:s29], $0x2000  }
0x226: {  	[sflag:s29] =	ssyncset.done $0x0  }
0x227: {  	s22 =	simm.s32 $0x280;
	[sflag:s29] =	ssyncadd.s32 $0xFFFFE000  }
0x228: {  	[tilespmem:s1], [sflag:$0x2] =	stream.indirect.gather [hbm4b:s8+s31], $0x80, s22, s31, $0xb8;
	[tilespmem:$0x1FC00] =	vst v63  }
0x229: {  	_ =	swait.ge [sflag:s14], $0x2000  }
0x22a: {  	[sflag:s14] =	ssyncset.done $0x0  }
0x22b: {  	s24 =	simm.s32 $0x1100;
	[sflag:s14] =	ssyncadd.s32 $0xFFFFE000  }
0x22c: {  	[spmem:s2] =	stream.indirect.scatter.add.f32 [tilespmem:s6], [sflag:$0x7], $0x80, s24, s31, $0xb8;
	[tilespmem:$0x1FC00] =	vst v63  }
0x22d: {  	_ =	swait.ge [sflag:s29], $0x2000  }
0x22e: {  	[sflag:s29] =	ssyncset.done $0x0  }
0x22f: {  	s22 =	simm.s32 $0x300;
	[sflag:s29] =	ssyncadd.s32 $0xFFFFE000  }
0x230: {  	[tilespmem:s6], [sflag:$0x3] =	stream.indirect.gather [hbm4b:s8+s31], $0x80, s22, s31, $0xb8;
	[tilespmem:$0x1FC00] =	vst v63  }
0x231: {  	_ =	swait.ge [sflag:s15], $0x2000  }
0x232: {  	[sflag:s15] =	ssyncset.done $0x0  }
0x233: {  	s24 =	simm.s32 $0x1180;
	[sflag:s15] =	ssyncadd.s32 $0xFFFFE000  }
0x234: {  	[spmem:s2] =	stream.indirect.scatter.add.f32 [tilespmem:s9], [sflag:$0x7], $0x80, s24, s31, $0xb8;
	[tilespmem:$0x1FC00] =	vst v63  }
0x235: {  	_ =	swait.ge [sflag:s29], $0x2000  }
0x236: {  	[sflag:s29] =	ssyncset.done $0x0  }
0x237: {  	s11 =	simm.s32 $0x380;
	s22 =	simm.s32 $0x800;
	[sflag:s29] =	ssyncadd.s32 $0xFFFFE000  }
.LBB2_12:
0x238: {  	[tilespmem:s9], [sflag:$0x4] =	stream.indirect.gather [hbm4b:s8+s31], $0x80, s11, s31, $0xb8;
	[tilespmem:$0x1FC00] =	vst v63  }
0x239: {  	s11 =	smov.u32 s22  }
0x23a: {  	p0 =	sne.s32 s22, $0x3000;
	s22 =	sadd.s32 $0x800, s22;
	_ =	swait.ge [sflag:s12], $0x2000  }
0x23b: {  	s11 =	sshra.s32 s11, $0x2;
	[sflag:s12] =	ssyncset.done $0x0  }
0x23c: {  	s24 =	sadd.s32 $0x1000, s11;
	[sflag:s12] =	ssyncadd.s32 $0xFFFFE000  }
0x23d: {  	[spmem:s2] =	stream.indirect.scatter.add.f32 [tilespmem:s28], [sflag:$0x7], $0x80, s24, s31, $0xb8;
	[tilespmem:$0x1FC00] =	vst v63  }
0x23e: {  	_ =	swait.ge [sflag:s29], $0x2000  }
0x23f: {  	[sflag:s29] =	ssyncset.done $0x0  }
0x240: {  	s24 =	sadd.s32 $0x200, s11;
	[sflag:s29] =	ssyncadd.s32 $0xFFFFE000  }
0x241: {  	[tilespmem:s28], [sflag:$0x1] =	stream.indirect.gather [hbm4b:s8+s31], $0x80, s24, s31, $0xb8;
	[tilespmem:$0x1FC00] =	vst v63  }
0x242: {  	_ =	swait.ge [sflag:s13], $0x2000  }
0x243: {  	[sflag:s13] =	ssyncset.done $0x0  }
0x244: {  	s24 =	sadd.s32 $0x1080, s11;
	[sflag:s13] =	ssyncadd.s32 $0xFFFFE000  }
0x245: {  	[spmem:s2] =	stream.indirect.scatter.add.f32 [tilespmem:s1], [sflag:$0x7], $0x80, s24, s31, $0xb8;
	[tilespmem:$0x1FC00] =	vst v63  }
0x246: {  	_ =	swait.ge [sflag:s29], $0x2000  }
0x247: {  	[sflag:s29] =	ssyncset.done $0x0  }
0x248: {  	s24 =	sadd.s32 $0x280, s11;
	[sflag:s29] =	ssyncadd.s32 $0xFFFFE000  }
0x249: {  	[tilespmem:s1], [sflag:$0x2] =	stream.indirect.gather [hbm4b:s8+s31], $0x80, s24, s31, $0xb8;
	[tilespmem:$0x1FC00] =	vst v63  }
0x24a: {  	_ =	swait.ge [sflag:s14], $0x2000  }
0x24b: {  	[sflag:s14] =	ssyncset.done $0x0  }
0x24c: {  	s24 =	sadd.s32 $0x1100, s11;
	[sflag:s14] =	ssyncadd.s32 $0xFFFFE000  }
0x24d: {  	[spmem:s2] =	stream.indirect.scatter.add.f32 [tilespmem:s6], [sflag:$0x7], $0x80, s24, s31, $0xb8;
	[tilespmem:$0x1FC00] =	vst v63  }
0x24e: {  	_ =	swait.ge [sflag:s29], $0x2000  }
0x24f: {  	[sflag:s29] =	ssyncset.done $0x0  }
0x250: {  	s24 =	sadd.s32 $0x300, s11;
	[sflag:s29] =	ssyncadd.s32 $0xFFFFE000  }
0x251: {  	[tilespmem:s6], [sflag:$0x3] =	stream.indirect.gather [hbm4b:s8+s31], $0x80, s24, s31, $0xb8;
	[tilespmem:$0x1FC00] =	vst v63  }
0x252: {  	_ =	swait.ge [sflag:s15], $0x2000  }
0x253: {  	[sflag:s15] =	ssyncset.done $0x0  }
.Ltmp5:
0x254: {  	s24 =	sadd.s32 $0x1180, s11;
	[sflag:s15] =	ssyncadd.s32 $0xFFFFE000;
	(pc) =	sbr.rel @p0 .LBB2_12-.Ltmp5, $4  }
0x255: {  	[spmem:s2] =	stream.indirect.scatter.add.f32 [tilespmem:s9], [sflag:$0x7], $0x80, s24, s31, $0xb8;
	[tilespmem:$0x1FC00] =	vst v63  }
0x256: {  	_ =	swait.ge [sflag:s29], $0x2000  }
0x257: {  	[sflag:s29] =	ssyncset.done $0x0  }
0x258: {  	s11 =	sadd.s32 $0x380, s11;
	[sflag:s29] =	ssyncadd.s32 $0xFFFFE000  }
0x259: {  	[tilespmem:s9], [sflag:$0x4] =	stream.indirect.gather [hbm4b:s8+s31], $0x80, s11, s31, $0xb8;
	[tilespmem:$0x1FC00] =	vst v63  }
0x25a: {  	_ =	swait.ge [sflag:s12], $0x2000  }
0x25b: {  	[sflag:s12] =	ssyncset.done $0x0  }
0x25c: {  	[sflag:s12] =	ssyncadd.s32 $0xFFFFE000  }
0x25d: {  	[spmem:s2] =	stream.indirect.scatter.add.f32 [tilespmem:s28], [sflag:$0x7], $0x80, s18, s31, $0xb8;
	[tilespmem:$0x1FC00] =	vst v63  }
0x25e: {  	_ =	swait.ge [sflag:s29], $0x2000  }
0x25f: {  	[sflag:s29] =	ssyncset.done $0x0  }
0x260: {  	[sflag:s29] =	ssyncadd.s32 $0xFFFFE000  }
0x261: {  	_ =	swait.ge [sflag:s13], $0x2000  }
0x262: {  	[sflag:s13] =	ssyncset.done $0x0  }
0x263: {  	[sflag:s13] =	ssyncadd.s32 $0xFFFFE000  }
0x264: {  	[spmem:s2] =	stream.indirect.scatter.add.f32 [tilespmem:s1], [sflag:$0x7], $0x80, s19, s31, $0xb8;
	[tilespmem:$0x1FC00] =	vst v63  }
0x265: {  	_ =	swait.ge [sflag:s29], $0x2000  }
0x266: {  	[sflag:s29] =	ssyncset.done $0x0  }
0x267: {  	[sflag:s29] =	ssyncadd.s32 $0xFFFFE000  }
0x268: {  	_ =	swait.ge [sflag:s14], $0x2000  }
0x269: {  	[sflag:s14] =	ssyncset.done $0x0  }
0x26a: {  	[sflag:s14] =	ssyncadd.s32 $0xFFFFE000  }
0x26b: {  	[spmem:s2] =	stream.indirect.scatter.add.f32 [tilespmem:s6], [sflag:$0x7], $0x80, s21, s31, $0xb8;
	[tilespmem:$0x1FC00] =	vst v63  }
0x26c: {  	_ =	swait.ge [sflag:s29], $0x2000  }
0x26d: {  	[sflag:s29] =	ssyncset.done $0x0  }
0x26e: {  	[sflag:s29] =	ssyncadd.s32 $0xFFFFE000  }
0x26f: {  	_ =	swait.ge [sflag:s15], $0x2000  }
0x270: {  	[sflag:s15] =	ssyncset.done $0x0  }
0x271: {  	[sflag:s15] =	ssyncadd.s32 $0xFFFFE000  }
0x272: {  	[spmem:s2] =	stream.indirect.scatter.add.f32 [tilespmem:s9], [sflag:$0x7], $0x80, s23, s31, $0xb8;
	[tilespmem:$0x1FC00] =	vst v63  }
0x273: {  	_ =	swait.ge [sflag:s29], $0x2000  }
0x274: {  	[sflag:s29] =	ssyncset.done $0x0  }
0x275: {  	s22 =	stileid.u32;
	[sflag:s29] =	ssyncadd.s32 $0xFFFFE000  }
0x276: {  	s11 =	sshll.u32 s22, $0x6;
	[bflag:$0x0] =	sbarrier.arrive $0xFFFF  }
0x277: {  	s22 =	sshrl.u32 s4, $0x3;
	s11 =	sor.u32 $0x1C07, s11;
	s24 =	rddreg [dreg:$0xf]  }
0x278: {  	[hbm:s24], [sflag:s11] =	dma.local [spmem:s22], $0x2780  }
0x279: {  	_ =	swait.ge [sflag:s29], $0x2780  }
0x27a: {  	s3 =	sadd.s32 $0x1, s3;
	s24 =	rddreg [dreg:$0x10]  }
0x27b: {  	p0 =	sne.s32 s3, s24  }
.Ltmp6:
0x27c: {  	_ = 	snop;
	(pc) =	sbr.rel @p0 .LBB2_1-.Ltmp6, $3  }
0x27d: {  	_ =	sdelay $0x1  }
0x27e: {  	[sflag:s29] =	ssyncset.done $0x0  }
0x27f: {  	[sflag:s29] =	ssyncadd.s32 $0xFFFFD880  }
0x280: {  	_ =	sfence.sel $0x180000  }
0x281: {  	[bflag:$0x0] =	sbarrier.arrive $0xFFFF  }
0x282: {  	_ =	strace $0x90000047  }
0x283: {  	s0 =	stileid.u32;
	[bflag:$0x2] =	sbarrier.arrive $0xFFFF  }
0x284: {  	p0 =	sne.s32 s0, $0x0;
	s0 =	rddreg [dreg:$0x3]  }
0x285: {  	s0 =	sadd.s32 @!p0 $0x100000, s0  }
0x286: {  	[sflag:s0] =	ssyncadd.tile.s32 @!p0 $0x1;
	_ =	shalt  }
.Lfunc_end2:
_tile_overlayer_lowered:
.L_overlay_start_2:
0x287: {  	(tag) =	ssettag $0x2  }
0x288: {  	s0 =	rddreg [dreg:$0x0];
	s2 =	stileid.u32  }
0x289: {  	s1 =	rddreg [dreg:$0x1];
	p0 =	sne.s32 s2, $0x0  }
0x28a: {  	s3 =	rddreg [dreg:$0x2];
	[bflag:$0x3] =	sbarrier.arrive $0xFFFF;
	s2 =	simm.s32 @!p0 $0x1C07  }
0x28b: {  	[timem:s3], [sflag:s2] =	dma.local @!p0 [hbm:s0], s1  }
0x28c: {  	s0 =	simm.s32 @!p0 $0x7  }
0x28d: {  	_ =	swait.ge @!p0 [sflag:s0], s1  }
0x28e: {  	s1 =	ssub.s32 @!p0 $0x0, s1;
	[sflag:s0] =	ssyncset.done @!p0 $0x0  }
0x28f: {  	[sflag:s0] =	ssyncadd.s32 @!p0 s1  }
0x290: {  	[bflag:$0x3] =	sbarrier.arrive $0xFFFF  }
0x291: {  	_ =	shalt  }

</sc_bundles>
